<compile_context>
chip_gen: v7x
topology: tpu7x:2x2x1
jax: 0.10.2.dev20260603
libtpu: 0.0.44.dev20260713+nightly
codegen_flags: <defaults>
</compile_context>

<pallas_src>
import numpy as np
import jax
import jax.numpy as jnp
from jax.experimental import pallas as pl
from jax.experimental.pallas import tpu as pltpu

_RESI_NAMES = ['ALA', 'ARG', 'ASN', 'ASP', 'CYS', 'GLN', 'GLU', 'GLY', 'HIS',
               'ILE', 'LEU', 'LYS', 'MET', 'PHE', 'PRO', 'SER', 'THR', 'TRP',
               'TYR', 'VAL']
_NFEA_HASH = {'GLN': 3, 'VAL': 1, 'ASN': 2, 'THR': 1, 'ASP': 2, 'PHE': 2,
              'LEU': 2, 'SER': 1, 'CYS': 1, 'ILE': 1, 'TRP': 2, 'ARG': 5,
              'LYS': 4, 'TYR': 2, 'GLU': 3, 'MET': 3, 'HIS': 2}
_HIDDEN = 64
_NC = 6
_NTYPES = 20
_SCF = 5
_LOG2PI = float(np.log(2.0 * np.pi))

_BLK = 128
_NBLK = 0


def _np_mlp_params(rng, nin, nout):
    w1 = rng.normal(0.0, 0.1, (nin, _HIDDEN)).astype(np.float32)
    w2 = rng.normal(0.0, 0.1, (_HIDDEN, _HIDDEN)).astype(np.float32)
    w3 = rng.normal(0.0, 0.1, (_HIDDEN, nout)).astype(np.float32)
    return {'w1': w1, 'b1': np.zeros((_HIDDEN,), np.float32),
            'w2': w2, 'b2': np.zeros((_HIDDEN,), np.float32),
            'w3': w3, 'b3': np.zeros((nout,), np.float32)}


def _np_make_realnvp(rng, nfea):
    layers = []
    for i in range(_NC):
        if nfea == 1:
            mask = np.zeros((1,), np.float32)
        else:
            mask = np.array([(d + i) % 2 for d in range(nfea)], np.float32)
        layers.append({'mask': mask,
                       's': _np_mlp_params(rng, nfea, nfea),
                       't': _np_mlp_params(rng, nfea, nfea)})
    return layers


def _np_mlp(p, x, final_tanh):
    h = np.tanh(x @ p['w1'] + p['b1'])
    h = np.tanh(h @ p['w2'] + p['b2'])
    o = h @ p['w3'] + p['b3']
    return np.tanh(o) if final_tanh else o


def _build_constants():
    rng = np.random.default_rng(0)
    bb_models, om_models, sc_models = {}, {}, {}
    for i in range(_NTYPES):
        bb_models[i] = _np_make_realnvp(rng, 2)
        om_models[i] = _np_make_realnvp(rng, 1)
        name = _RESI_NAMES[i]
        if name in _NFEA_HASH:
            sc_models[i] = (_np_make_realnvp(rng, _NFEA_HASH[name]),
                            _NFEA_HASH[name])

    bb_w1 = np.zeros((_NTYPES, 2 * _NC, 2, _HIDDEN), np.float32)
    bb_b1 = np.zeros((_NTYPES, 2 * _NC, _HIDDEN), np.float32)
    bb_w2 = np.zeros((_NTYPES, 2 * _NC, _HIDDEN, _HIDDEN), np.float32)
    bb_b2 = np.zeros((_NTYPES, 2 * _NC, _HIDDEN), np.float32)
    bb_w3 = np.zeros((_NTYPES, 2 * _NC, _HIDDEN, 2), np.float32)
    bb_b3 = np.zeros((_NTYPES, 2 * _NC, 2), np.float32)
    for j in range(_NTYPES):
        for k in range(_NC):
            layer = bb_models[j][_NC - 1 - k]
            for si, key in enumerate(('s', 't')):
                p = layer[key]
                bb_w1[j, 2 * k + si] = p['w1']
                bb_b1[j, 2 * k + si] = p['b1']
                bb_w2[j, 2 * k + si] = p['w2']
                bb_b2[j, 2 * k + si] = p['b2']
                bb_w3[j, 2 * k + si] = p['w3']
                bb_b3[j, 2 * k + si] = p['b3']
    bb_mask = np.zeros((_NC, 2), np.float32)
    for k in range(_NC):
        i = _NC - 1 - k
        bb_mask[k] = [(0 + i) % 2, (1 + i) % 2]

    sc_w1 = np.zeros((_NTYPES, 2 * _NC, _SCF, _HIDDEN), np.float32)
    sc_b1 = np.zeros((_NTYPES, 2 * _NC, _HIDDEN), np.float32)
    sc_w2 = np.zeros((_NTYPES, 2 * _NC, _HIDDEN, _HIDDEN), np.float32)
    sc_b2 = np.zeros((_NTYPES, 2 * _NC, _HIDDEN), np.float32)
    sc_w3 = np.zeros((_NTYPES, 2 * _NC, _HIDDEN, _SCF), np.float32)
    sc_b3 = np.zeros((_NTYPES, 2 * _NC, _SCF), np.float32)
    scmv = np.zeros((_NTYPES, 8, _SCF), np.float32)
    sc_const = np.zeros((_NTYPES,), np.float32)
    for j in range(_NTYPES):
        if j in sc_models:
            layers, n = sc_models[j]
        else:
            layers, n = None, 0
        scmv[j, 6, :n] = 1.0
        sc_const[j] = 0.5 * _LOG2PI * (_SCF - n)
        for k in range(_NC):
            if layers is None:
                scmv[j, k, :] = 1.0
                continue
            layer = layers[_NC - 1 - k]
            scmv[j, k, :n] = layer['mask']
            scmv[j, k, n:] = 1.0
            for si, key in enumerate(('s', 't')):
                p = layer[key]
                sc_w1[j, 2 * k + si, :n, :] = p['w1']
                sc_b1[j, 2 * k + si] = p['b1']
                sc_w2[j, 2 * k + si] = p['w2']
                sc_b2[j, 2 * k + si] = p['b2']
                sc_w3[j, 2 * k + si, :, :n] = p['w3']
                sc_b3[j, 2 * k + si, :n] = p['b3']

    om_aff = np.zeros((_NTYPES, 3), np.float32)
    zero = np.zeros((1, 1), np.float32)
    for j in range(_NTYPES):
        a, b, ld = 1.0, 0.0, 0.0
        for layer in reversed(om_models[j]):
            s0 = float(np.tanh(_np_mlp(layer['s'], zero, False))[0, 0])
            t0 = float(_np_mlp(layer['t'], zero, False)[0, 0])
            e = np.exp(-s0)
            a, b = a * e, (b - t0) * e
            ld -= s0
        om_aff[j] = [a, b, ld]

    return dict(bb_w1=bb_w1, bb_b1=bb_b1, bb_w2=bb_w2, bb_b2=bb_b2,
                bb_w3=bb_w3, bb_b3=bb_b3, bb_mask=bb_mask,
                sc_w1=sc_w1, sc_b1=sc_b1, sc_w2=sc_w2, sc_b2=sc_b2,
                sc_w3=sc_w3, sc_b3=sc_b3, scmv=scmv, sc_const=sc_const,
                om_aff=om_aff)


_C = _build_constants()
_BB_MASK = _C['bb_mask']


def _block_body(bt_ref, x_ref, scmv_ref, tab_ref,
                bbw1_ref, bbb1_ref, bbw2_ref, bbb2_ref, bbw3_ref, bbb3_ref,
                scw1_ref, scb1_ref, scw2_ref, scb2_ref, scw3_ref, scb3_ref,
                out_ref):
    x = x_ref[...]
    scmv = scmv_ref[0]
    tab = tab_ref[0, 0]

    z0 = x[:, 0:1]
    z1 = x[:, 1:2]
    xom = x[:, 2]
    valid = scmv[6]
    zsc = x[:, 3:8] * valid[None, :]

    ld_bb = jnp.zeros((x.shape[0], 1), jnp.float32)
    ld_sc = jnp.zeros(x.shape[0], jnp.float32)

    def mlp(zm, wref, bref1, w2ref, bref2, w3ref, bref3, idx, final_tanh):
        h = jnp.tanh(jnp.dot(zm, wref[0, idx],
                             preferred_element_type=jnp.float32)
                     + bref1[0, idx][None, :])
        h = jnp.tanh(jnp.dot(h.astype(jnp.bfloat16), w2ref[0, idx],
                             preferred_element_type=jnp.float32)
                     + bref2[0, idx][None, :])
        o = jnp.dot(h, w3ref[0, idx],
                    preferred_element_type=jnp.float32) + bref3[0, idx][None, :]
        return jnp.tanh(o) if final_tanh else o

    def mlp_bb(u, a, b, idx, final_tanh):
        h = jnp.tanh(u * bbw1_ref[0, idx, a][None, :] + bbb1_ref[0, idx][None, :])
        h = jnp.tanh(jnp.dot(h.astype(jnp.bfloat16), bbw2_ref[0, idx],
                             preferred_element_type=jnp.float32)
                     + bbb2_ref[0, idx][None, :])
        o = jnp.dot(h, bbw3_ref[0, idx, :, b:b + 1],
                    preferred_element_type=jnp.float32) + bbb3_ref[0, idx, b]
        return jnp.tanh(o) if final_tanh else o

    for k in range(_NC):
        a = int(_BB_MASK[k][1] > 0.5)
        b = 1 - a
        u = z1 if a == 1 else z0
        zi = z0 if a == 1 else z1
        s = mlp_bb(u, a, b, 2 * k, True)
        t = mlp_bb(u, a, b, 2 * k + 1, False)
        zi = (zi - t) * jnp.exp(-s)
        if a == 1:
            z0 = zi
        else:
            z1 = zi
        ld_bb = ld_bb - s

        msc = scmv[k]
        zm5 = zsc * msc[None, :]
        s5 = mlp(zm5, scw1_ref, scb1_ref, scw2_ref, scb2_ref, scw3_ref,
                 scb3_ref, 2 * k, True) * (1.0 - msc)[None, :]
        t5 = mlp(zm5, scw1_ref, scb1_ref, scw2_ref, scb2_ref, scw3_ref,
                 scb3_ref, 2 * k + 1, False) * (1.0 - msc)[None, :]
        zsc = zm5 + (1.0 - msc)[None, :] * (zsc - t5) * jnp.exp(-s5)
        ld_sc = ld_sc - jnp.sum(s5, axis=-1)

    bb_logp = (-0.5 * (z0 * z0 + z1 * z1 + 2.0 * _LOG2PI) + ld_bb)[:, 0]
    sc_logp = (-0.5 * jnp.sum(zsc * zsc, axis=-1) - 0.5 * _LOG2PI * _SCF
               + tab[4] + ld_sc)
    zo = tab[0] * xom + tab[1]
    om_logp = -0.5 * (zo * zo + _LOG2PI) + tab[2]

    bb_p = jnp.minimum(bb_logp * tab[5], 5.0)
    om_p = om_logp * tab[6]
    sc_p = jnp.minimum(sc_logp * tab[3], 5.0)
    vals = jnp.clip(-(bb_p + om_p + sc_p), 0.0, 5.0)
    out_ref[...] = vals.reshape(out_ref.shape)


def kernel(atom_description, angles, alternatives, weightBB, weightOmega,
           weightSC):
    B, Cn, R, A, F = angles.shape
    n_res = B * Cn * R
    apr = atom_description.shape[0] // n_res
    resname = atom_description.reshape(n_res, apr,
                                       atom_description.shape[1])[:, 0, 3]
    resname = resname.astype(jnp.int32)

    nblk = n_res // _BLK + _NTYPES
    npad = nblk * _BLK

    order = jnp.argsort(resname).astype(jnp.int32)
    counts = jnp.bincount(resname, length=_NTYPES).astype(jnp.int32)
    padded = ((counts + _BLK - 1) // _BLK) * _BLK
    pstart = jnp.concatenate([jnp.zeros((1,), jnp.int32),
                              jnp.cumsum(padded)[:-1].astype(jnp.int32)])
    start = jnp.concatenate([jnp.zeros((1,), jnp.int32),
                             jnp.cumsum(counts)[:-1].astype(jnp.int32)])
    rs = resname[order]
    p = jnp.arange(n_res, dtype=jnp.int32)
    slot_sorted = pstart[rs] + (p - start[rs])
    slot_of_res = jnp.zeros((n_res,), jnp.int32).at[order].set(slot_sorted)
    res_of_slot = jnp.zeros((npad,), jnp.int32).at[slot_sorted].set(order)
    bt = jnp.zeros((nblk,), jnp.int32).at[slot_sorted // _BLK].set(rs)

    xg = angles.reshape(n_res, A * F)[res_of_slot].reshape(npad * A, F)

    mult_bb = 1.0 - jnp.tanh(-weightBB[0])
    mult_om = 1.0 - jnp.tanh(-weightOmega[0])
    mult_sc = 1.0 - jnp.tanh(-weightSC)
    tab = jnp.stack([
        jnp.asarray(_C['om_aff'][:, 0]),
        jnp.asarray(_C['om_aff'][:, 1]),
        jnp.asarray(_C['om_aff'][:, 2]),
        mult_sc,
        jnp.asarray(_C['sc_const']),
        jnp.full((_NTYPES,), mult_bb),
        jnp.full((_NTYPES,), mult_om),
        jnp.zeros((_NTYPES,)),
    ], axis=1).astype(jnp.float32).reshape(_NTYPES, 1, 8)

    def im_x(b, bt_r):
        return (b, 0)

    def im_t2(b, bt_r):
        return (bt_r[b], 0)

    def im_t3(b, bt_r):
        return (bt_r[b], 0, 0)

    def im_t4(b, bt_r):
        return (bt_r[b], 0, 0, 0)

    grid_spec = pltpu.PrefetchScalarGridSpec(
        num_scalar_prefetch=1,
        grid=(nblk,),
        in_specs=[
            pl.BlockSpec((_BLK * A, F), im_x),
            pl.BlockSpec((1, 8, _SCF), im_t3),
            pl.BlockSpec((1, 1, 8), im_t3),
            pl.BlockSpec((1, 2 * _NC, 2, _HIDDEN), im_t4),
            pl.BlockSpec((1, 2 * _NC, _HIDDEN), im_t3),
            pl.BlockSpec((1, 2 * _NC, _HIDDEN, _HIDDEN), im_t4),
            pl.BlockSpec((1, 2 * _NC, _HIDDEN), im_t3),
            pl.BlockSpec((1, 2 * _NC, _HIDDEN, 2), im_t4),
            pl.BlockSpec((1, 2 * _NC, 2), im_t3),
            pl.BlockSpec((1, 2 * _NC, _SCF, _HIDDEN), im_t4),
            pl.BlockSpec((1, 2 * _NC, _HIDDEN), im_t3),
            pl.BlockSpec((1, 2 * _NC, _HIDDEN, _HIDDEN), im_t4),
            pl.BlockSpec((1, 2 * _NC, _HIDDEN), im_t3),
            pl.BlockSpec((1, 2 * _NC, _HIDDEN, _SCF), im_t4),
            pl.BlockSpec((1, 2 * _NC, _SCF), im_t3),
        ],
        out_specs=pl.BlockSpec((_BLK, A), im_x),
    )

    out = pl.pallas_call(
        _block_body,
        grid_spec=grid_spec,
        out_shape=jax.ShapeDtypeStruct((npad, A), jnp.float32),
    )(bt, xg,
      jnp.asarray(_C['scmv']), tab,
      jnp.asarray(_C['bb_w1']), jnp.asarray(_C['bb_b1']),
      jnp.asarray(_C['bb_w2'], jnp.bfloat16), jnp.asarray(_C['bb_b2']),
      jnp.asarray(_C['bb_w3']), jnp.asarray(_C['bb_b3']),
      jnp.asarray(_C['sc_w1']), jnp.asarray(_C['sc_b1']),
      jnp.asarray(_C['sc_w2'], jnp.bfloat16), jnp.asarray(_C['sc_b2']),
      jnp.asarray(_C['sc_w3']), jnp.asarray(_C['sc_b3']))

    bbScore = out[slot_of_res].reshape(B, Cn, R, A)
    rotamerViolation = jnp.zeros_like(bbScore)
    return (bbScore, rotamerViolation)

# --- scband reference (transcript-rebuilt; emitter-appended) ---
"""Pipeline reference for scband-angle-scorer-54004918780083 (READ-ONLY COPY).

The authoritative reference and input builder live on the scoring server;
editing this copy changes nothing except your own understanding.
"""

import jax, jax.numpy as jnp
import numpy as np

RESI_NAMES = ['ALA','ARG','ASN','ASP','CYS','GLN','GLU','GLY','HIS','ILE','LEU','LYS','MET','PHE','PRO','SER','THR','TRP','TYR','VAL']
NFEA_HASH = {'GLN':3,'VAL':1,'ASN':2,'THR':1,'ASP':2,'PHE':2,'LEU':2,'SER':1,'CYS':1,'ILE':1,'TRP':2,'ARG':5,'LYS':4,'TYR':2,'GLU':3,'MET':3,'HIS':2}
PADDING_INDEX = -1
HIDDEN = 64
N_COUPLING = 6

def _mlp_params(rng, nin, nout):
    return {'w1': jnp.asarray(rng.normal(0.0, 0.1, (nin, HIDDEN)), jnp.float32),
            'b1': jnp.zeros((HIDDEN,), jnp.float32),
            'w2': jnp.asarray(rng.normal(0.0, 0.1, (HIDDEN, HIDDEN)), jnp.float32),
            'b2': jnp.zeros((HIDDEN,), jnp.float32),
            'w3': jnp.asarray(rng.normal(0.0, 0.1, (HIDDEN, nout)), jnp.float32),
            'b3': jnp.zeros((nout,), jnp.float32)}

def _mlp(p, x, final_tanh):
    h = jnp.tanh(x @ p['w1'] + p['b1'])
    h = jnp.tanh(h @ p['w2'] + p['b2'])
    o = h @ p['w3'] + p['b3']
    return jnp.tanh(o) if final_tanh else o

def make_realnvp(rng, nfea):
    layers = []
    for i in range(N_COUPLING):
        if nfea == 1:
            mask = np.zeros((1,), dtype=np.float32)
        else:
            mask = np.array([(d + i) % 2 for d in range(nfea)], dtype=np.float32)
        layers.append({'mask': jnp.asarray(mask), 's': _mlp_params(rng, nfea, nfea), 't': _mlp_params(rng, nfea, nfea)})
    return layers

def realnvp_log_prob(layers, x):
    z = x
    log_det = jnp.zeros((x.shape[0],), jnp.float32)
    for layer in reversed(layers):
        m = layer['mask']
        zm = z * m
        s = _mlp(layer['s'], zm, True) * (1.0 - m)
        t = _mlp(layer['t'], zm, False) * (1.0 - m)
        z = zm + (1.0 - m) * (z - t) * jnp.exp(-s)
        log_det = log_det - jnp.sum(s, axis=-1)
    base = -0.5 * jnp.sum(z * z + jnp.log(2.0 * jnp.pi), axis=-1)
    return base + log_det

def make_kde_models():
    rng = np.random.default_rng(0)
    kdeBB = {}
    kdeOmega = {}
    kdeSC = {}
    for i in range(20):
        kdeBB[i] = make_realnvp(rng, 2)
        kdeOmega[i] = make_realnvp(rng, 1)
        name = RESI_NAMES[i]
        if name in NFEA_HASH:
            kdeSC[i] = (make_realnvp(rng, NFEA_HASH[name]), NFEA_HASH[name])
    return kdeBB, kdeOmega, kdeSC

def setup_inputs(seed: int = 0):
    key = jax.random.key(seed)
    B, C, R, A, F = 4, 2, 2048, 3, 8
    atoms_per_res = 8
    k1, k2, k3 = jax.random.split(key, 3)
    resnames = jax.random.randint(k1, (B * C * R,), 0, 20, dtype=jnp.int32)
    bb, cc, rr = jnp.meshgrid(jnp.arange(B, dtype=jnp.int32), jnp.arange(C, dtype=jnp.int32), jnp.arange(R, dtype=jnp.int32), indexing='ij')
    per_res = jnp.stack([bb.ravel(), cc.ravel(), rr.ravel(), resnames], axis=1)
    atom_description = jnp.repeat(per_res, atoms_per_res, axis=0)
    angles = (jax.random.uniform(k2, (B, C, R, A, F), jnp.float32) * 2.0 - 1.0) * jnp.pi
    alternatives = jax.random.normal(k3, (B, C, R, A), dtype=jnp.float32)
    weightBB = jnp.zeros((1,), jnp.float32)
    weightOmega = jnp.zeros((1,), jnp.float32)
    weightSC = jnp.zeros((20,), jnp.float32)
    return {'atom_description': atom_description, 'angles': angles, 'alternatives': alternatives, 'weightBB': weightBB, 'weightOmega': weightOmega, 'weightSC': weightSC}

def reference(atom_description, angles, alternatives, weightBB, weightOmega, weightSC):
    kdeBB, kdeOmega, kdeSC = make_kde_models()
    naltern = alternatives.shape[-1]
    batch = angles.shape[0] if atom_description.shape[0] > 0 else 1
    nchains = angles.shape[1] if atom_description.shape[0] > 0 else 1
    nres = angles.shape[2] if atom_description.shape[0] > 0 else 1
    bbScore = jnp.zeros((batch, nchains, nres, naltern), jnp.float32)
    rotamerViolation = jnp.zeros((batch, nchains, nres, naltern), jnp.float32)
    n_res_total = batch * nchains * nres
    atoms_per_res = atom_description.shape[0] // n_res_total
    resname_idx = atom_description.reshape(n_res_total, atoms_per_res, atom_description.shape[1])[:, 0, 3]
    angles_flat = angles.reshape(n_res_total, angles.shape[3], angles.shape[4])
    inpBB_r = angles_flat[:, :, :3].reshape(-1, 3)
    score_flat = bbScore.reshape(n_res_total, naltern)
    beta = 1.0
    bias_correction = 0.0
    for j in range(len(RESI_NAMES)):
        bbProb = jnp.minimum(realnvp_log_prob(kdeBB[j], inpBB_r[:, :2]) * (1.0 - jnp.tanh(-weightBB)), 5.0)
        omegaProb = realnvp_log_prob(kdeOmega[j], inpBB_r[:, 2:3]) * (1.0 - jnp.tanh(-weightOmega))
        scProb = jnp.zeros_like(bbProb)
        if j in kdeSC:
            layers, n_chi = kdeSC[j]
        
            inpSC = angles_flat[:, :, 3:3 + n_chi].reshape(-1, n_chi)
            scProb = jnp.minimum(realnvp_log_prob(layers, inpSC) * (1.0 - jnp.tanh(-weightSC[j])), 5.0)
        vals = jnp.clip(-beta * (bbProb + omegaProb + scProb) + bias_correction, 0.0, 5.0)
        mask_j = resname_idx == j
        score_flat = jnp.where(mask_j[:, None], vals.reshape(n_res_total, naltern), score_flat)
    bbScore = score_flat.reshape(batch, nchains, nres, naltern)
    return (bbScore, rotamerViolation)

if __name__ == "__main__":
    import jax
    _d = setup_inputs()
    print(jax.jit(kernel)(*tuple(_d.values())))

</pallas_src>

<mosaic_0001>
module attributes {stable_mosaic.version = 14 : i64} {
  func.func @_block_body(%arg0: i32, %arg1: memref<148xi32, #tpu.memory_space<smem>>, %arg2: memref<384x8xf32, #tpu.memory_space<vmem>>, %arg3: memref<1x8x5xf32, #tpu.memory_space<vmem>>, %arg4: memref<1x1x8xf32, #tpu.memory_space<vmem>>, %arg5: memref<1x12x2x64xf32, #tpu.memory_space<vmem>>, %arg6: memref<1x12x64xf32, #tpu.memory_space<vmem>>, %arg7: memref<1x12x64x64xbf16, #tpu.memory_space<vmem>>, %arg8: memref<1x12x64xf32, #tpu.memory_space<vmem>>, %arg9: memref<1x12x64x2xf32, #tpu.memory_space<vmem>>, %arg10: memref<1x12x2xf32, #tpu.memory_space<vmem>>, %arg11: memref<1x12x5x64xf32, #tpu.memory_space<vmem>>, %arg12: memref<1x12x64xf32, #tpu.memory_space<vmem>>, %arg13: memref<1x12x64x64xbf16, #tpu.memory_space<vmem>>, %arg14: memref<1x12x64xf32, #tpu.memory_space<vmem>>, %arg15: memref<1x12x64x5xf32, #tpu.memory_space<vmem>>, %arg16: memref<1x12x5xf32, #tpu.memory_space<vmem>>, %arg17: memref<128x3xf32, #tpu.memory_space<vmem>>) attributes {dimension_semantics = [#tpu.dimension_semantics<arbitrary>], iteration_bounds = array<i64: 148>, scalar_prefetch = 1 : i64, scratch_operands = 0 : i64, tpu.core_type = #tpu.core_type<tc>, window_params = [{transform_indices = @transform_0, window_bounds = array<i64: 384, 8>}, {transform_indices = @transform_1, window_bounds = array<i64: 1, 8, 5>}, {transform_indices = @transform_2, window_bounds = array<i64: 1, 1, 8>}, {transform_indices = @transform_3, window_bounds = array<i64: 1, 12, 2, 64>}, {transform_indices = @transform_4, window_bounds = array<i64: 1, 12, 64>}, {transform_indices = @transform_5, window_bounds = array<i64: 1, 12, 64, 64>}, {transform_indices = @transform_6, window_bounds = array<i64: 1, 12, 64>}, {transform_indices = @transform_7, window_bounds = array<i64: 1, 12, 64, 2>}, {transform_indices = @transform_8, window_bounds = array<i64: 1, 12, 2>}, {transform_indices = @transform_9, window_bounds = array<i64: 1, 12, 5, 64>}, {transform_indices = @transform_10, window_bounds = array<i64: 1, 12, 64>}, {transform_indices = @transform_11, window_bounds = array<i64: 1, 12, 64, 64>}, {transform_indices = @transform_12, window_bounds = array<i64: 1, 12, 64>}, {transform_indices = @transform_13, window_bounds = array<i64: 1, 12, 64, 5>}, {transform_indices = @transform_14, window_bounds = array<i64: 1, 12, 5>}, {transform_indices = @transform_15, window_bounds = array<i64: 128, 3>}]} {
    %get3A = arith.constant 0 : index
    %get3A_0 = arith.constant 0 : index
    %get3A_1 = vector.load %arg2[%get3A, %get3A_0] : memref<384x8xf32, #tpu.memory_space<vmem>>, vector<384x8xf32>
    %get3A_2 = arith.constant 0 : index
    %get3A_3 = arith.constant 0 : index
    %get3A_4 = arith.constant 0 : index
    %get3A_5 = vector.load %arg3[%get3A_2, %get3A_3, %get3A_4] : memref<1x8x5xf32, #tpu.memory_space<vmem>>, vector<1x8x5xf32>
    %get3A_6 = vector.shape_cast %get3A_5 : vector<1x8x5xf32> to vector<8x5xf32>
    %get3A_7 = arith.constant 0 : index
    %get3A_8 = arith.constant 0 : index
    %get3A_9 = arith.constant 0 : index
    %get3A_10 = vector.load %arg4[%get3A_7, %get3A_8, %get3A_9] : memref<1x1x8xf32, #tpu.memory_space<vmem>>, vector<1x1x8xf32>
    %get3A_11 = vector.shape_cast %get3A_10 : vector<1x1x8xf32> to vector<8xf32>
    %slice3A = vector.extract_strided_slice %get3A_1 {offsets = [0, 0], sizes = [384, 1], strides = [1, 1]} : vector<384x8xf32> to vector<384x1xf32>
    %slice3A_12 = vector.extract_strided_slice %get3A_1 {offsets = [0, 1], sizes = [384, 1], strides = [1, 1]} : vector<384x8xf32> to vector<384x1xf32>
    %slice3A_13 = vector.extract_strided_slice %get3A_1 {offsets = [0, 2], sizes = [384, 1], strides = [1, 1]} : vector<384x8xf32> to vector<384x1xf32>
    %squeeze3A = vector.shape_cast %slice3A_13 : vector<384x1xf32> to vector<384xf32>
    %slice3A_14 = vector.extract_strided_slice %get3A_6 {offsets = [6, 0], sizes = [1, 5], strides = [1, 1]} : vector<8x5xf32> to vector<1x5xf32>
    %squeeze3A_15 = vector.shape_cast %slice3A_14 : vector<1x5xf32> to vector<5xf32>
    %slice3A_16 = vector.extract_strided_slice %get3A_1 {offsets = [0, 3], sizes = [384, 5], strides = [1, 1]} : vector<384x8xf32> to vector<384x5xf32>
    %broadcast_in_dim3A = vector.shape_cast %squeeze3A_15 : vector<5xf32> to vector<1x5xf32>
    %mul3A = vector.broadcast %broadcast_in_dim3A : vector<1x5xf32> to vector<384x5xf32>
    %mul3A_17 = arith.mulf %slice3A_16, %mul3A : vector<384x5xf32>
    %broadcast_in_dim3A_18 = arith.constant 0.000000e+00 : f32
    %broadcast_in_dim3A_19 = vector.broadcast %broadcast_in_dim3A_18 : f32 to vector<384x1xf32>
    %broadcast_in_dim3A_20 = arith.constant 0.000000e+00 : f32
    %broadcast_in_dim3A_21 = vector.broadcast %broadcast_in_dim3A_20 : f32 to vector<384xf32>
    %get3A_22 = arith.constant 0 : index
    %get3A_23 = arith.constant 0 : index
    %get3A_24 = arith.constant 0 : index
    %get3A_25 = arith.constant 0 : index
    %get3A_26 = vector.load %arg5[%get3A_22, %get3A_23, %get3A_24, %get3A_25] : memref<1x12x2x64xf32, #tpu.memory_space<vmem>>, vector<1x1x1x64xf32>
    %get3A_27 = vector.shape_cast %get3A_26 : vector<1x1x1x64xf32> to vector<64xf32>
    %broadcast_in_dim3A_28 = vector.shape_cast %get3A_27 : vector<64xf32> to vector<1x64xf32>
    %mul3A_29 = vector.broadcast %slice3A : vector<384x1xf32> to vector<384x64xf32>
    %mul3A_30 = vector.broadcast %broadcast_in_dim3A_28 : vector<1x64xf32> to vector<384x64xf32>
    %mul3A_31 = arith.mulf %mul3A_29, %mul3A_30 : vector<384x64xf32>
    %get3A_32 = arith.constant 0 : index
    %get3A_33 = arith.constant 0 : index
    %get3A_34 = arith.constant 0 : index
    %get3A_35 = vector.load %arg6[%get3A_32, %get3A_33, %get3A_34] : memref<1x12x64xf32, #tpu.memory_space<vmem>>, vector<1x1x64xf32>
    %get3A_36 = vector.shape_cast %get3A_35 : vector<1x1x64xf32> to vector<64xf32>
    %broadcast_in_dim3A_37 = vector.shape_cast %get3A_36 : vector<64xf32> to vector<1x64xf32>
    %add3A = vector.broadcast %broadcast_in_dim3A_37 : vector<1x64xf32> to vector<384x64xf32>
    %add3A_38 = arith.addf %mul3A_31, %add3A : vector<384x64xf32>
    %tanh3A = math.tanh %add3A_38 : vector<384x64xf32>
    %convert_element_type3A = arith.truncf %tanh3A : vector<384x64xf32> to vector<384x64xbf16>
    %get3A_39 = arith.constant 0 : index
    %get3A_40 = arith.constant 0 : index
    %get3A_41 = arith.constant 0 : index
    %get3A_42 = arith.constant 0 : index
    %get3A_43 = vector.load %arg7[%get3A_39, %get3A_40, %get3A_41, %get3A_42] : memref<1x12x64x64xbf16, #tpu.memory_space<vmem>>, vector<1x1x64x64xbf16>
    %get3A_44 = vector.shape_cast %get3A_43 : vector<1x1x64x64xbf16> to vector<64x64xbf16>
    %dot_general3A = arith.constant dense<0.000000e+00> : vector<384x64xf32>
    %dot_general3A_45 = tpu.matmul %convert_element_type3A, %get3A_44, %dot_general3A {dimension_numbers = #tpu.dot_dimension_numbers<[1], [0], [0], [1], [0, 0, 1, 1], [], []>, transpose_lhs_hint = false} : vector<384x64xbf16>, vector<64x64xbf16>, vector<384x64xf32> -> vector<384x64xf32>
    %get3A_46 = arith.constant 0 : index
    %get3A_47 = arith.constant 0 : index
    %get3A_48 = arith.constant 0 : index
    %get3A_49 = vector.load %arg8[%get3A_46, %get3A_47, %get3A_48] : memref<1x12x64xf32, #tpu.memory_space<vmem>>, vector<1x1x64xf32>
    %get3A_50 = vector.shape_cast %get3A_49 : vector<1x1x64xf32> to vector<64xf32>
    %broadcast_in_dim3A_51 = vector.shape_cast %get3A_50 : vector<64xf32> to vector<1x64xf32>
    %add3A_52 = vector.broadcast %broadcast_in_dim3A_51 : vector<1x64xf32> to vector<384x64xf32>
    %add3A_53 = arith.addf %dot_general3A_45, %add3A_52 : vector<384x64xf32>
    %tanh3A_54 = math.tanh %add3A_53 : vector<384x64xf32>
    %get3A_55 = arith.constant 0 : index
    %get3A_56 = arith.constant 0 : index
    %get3A_57 = arith.constant 0 : index
    %get3A_58 = arith.constant 1 : index
    %get3A_59 = vector.load %arg9[%get3A_55, %get3A_56, %get3A_57, %get3A_58] : memref<1x12x64x2xf32, #tpu.memory_space<vmem>>, vector<1x1x64x1xf32>
    %get3A_60 = vector.shape_cast %get3A_59 : vector<1x1x64x1xf32> to vector<64x1xf32>
    %dot_general3A_61 = arith.constant dense<0.000000e+00> : vector<384x1xf32>
    %dot_general3A_62 = tpu.matmul %tanh3A_54, %get3A_60, %dot_general3A_61 {dimension_numbers = #tpu.dot_dimension_numbers<[1], [0], [0], [1], [0, 0, 1, 1], [], []>, transpose_lhs_hint = false} : vector<384x64xf32>, vector<64x1xf32>, vector<384x1xf32> -> vector<384x1xf32>
    %get3A_63 = arith.constant 0 : index
    %get3A_64 = arith.constant 0 : index
    %get3A_65 = arith.constant 1 : index
    %get3A_66 = vector.load %arg10[%get3A_63, %get3A_64, %get3A_65] : memref<1x12x2xf32, #tpu.memory_space<vmem>>, vector<1x1x1xf32>
    %get3A_67 = vector.extract %get3A_66[0, 0, 0] : f32 from vector<1x1x1xf32>
    %add3A_68 = vector.broadcast %get3A_67 : f32 to vector<384x1xf32>
    %add3A_69 = arith.addf %dot_general3A_62, %add3A_68 : vector<384x1xf32>
    %tanh3A_70 = math.tanh %add3A_69 : vector<384x1xf32>
    %get3A_71 = arith.constant 0 : index
    %get3A_72 = arith.constant 1 : index
    %get3A_73 = arith.constant 0 : index
    %get3A_74 = arith.constant 0 : index
    %get3A_75 = vector.load %arg5[%get3A_71, %get3A_72, %get3A_73, %get3A_74] : memref<1x12x2x64xf32, #tpu.memory_space<vmem>>, vector<1x1x1x64xf32>
    %get3A_76 = vector.shape_cast %get3A_75 : vector<1x1x1x64xf32> to vector<64xf32>
    %broadcast_in_dim3A_77 = vector.shape_cast %get3A_76 : vector<64xf32> to vector<1x64xf32>
    %mul3A_78 = vector.broadcast %slice3A : vector<384x1xf32> to vector<384x64xf32>
    %mul3A_79 = vector.broadcast %broadcast_in_dim3A_77 : vector<1x64xf32> to vector<384x64xf32>
    %mul3A_80 = arith.mulf %mul3A_78, %mul3A_79 : vector<384x64xf32>
    %get3A_81 = arith.constant 0 : index
    %get3A_82 = arith.constant 1 : index
    %get3A_83 = arith.constant 0 : index
    %get3A_84 = vector.load %arg6[%get3A_81, %get3A_82, %get3A_83] : memref<1x12x64xf32, #tpu.memory_space<vmem>>, vector<1x1x64xf32>
    %get3A_85 = vector.shape_cast %get3A_84 : vector<1x1x64xf32> to vector<64xf32>
    %broadcast_in_dim3A_86 = vector.shape_cast %get3A_85 : vector<64xf32> to vector<1x64xf32>
    %add3A_87 = vector.broadcast %broadcast_in_dim3A_86 : vector<1x64xf32> to vector<384x64xf32>
    %add3A_88 = arith.addf %mul3A_80, %add3A_87 : vector<384x64xf32>
    %tanh3A_89 = math.tanh %add3A_88 : vector<384x64xf32>
    %convert_element_type3A_90 = arith.truncf %tanh3A_89 : vector<384x64xf32> to vector<384x64xbf16>
    %get3A_91 = arith.constant 0 : index
    %get3A_92 = arith.constant 1 : index
    %get3A_93 = arith.constant 0 : index
    %get3A_94 = arith.constant 0 : index
    %get3A_95 = vector.load %arg7[%get3A_91, %get3A_92, %get3A_93, %get3A_94] : memref<1x12x64x64xbf16, #tpu.memory_space<vmem>>, vector<1x1x64x64xbf16>
    %get3A_96 = vector.shape_cast %get3A_95 : vector<1x1x64x64xbf16> to vector<64x64xbf16>
    %dot_general3A_97 = arith.constant dense<0.000000e+00> : vector<384x64xf32>
    %dot_general3A_98 = tpu.matmul %convert_element_type3A_90, %get3A_96, %dot_general3A_97 {dimension_numbers = #tpu.dot_dimension_numbers<[1], [0], [0], [1], [0, 0, 1, 1], [], []>, transpose_lhs_hint = false} : vector<384x64xbf16>, vector<64x64xbf16>, vector<384x64xf32> -> vector<384x64xf32>
    %get3A_99 = arith.constant 0 : index
    %get3A_100 = arith.constant 1 : index
    %get3A_101 = arith.constant 0 : index
    %get3A_102 = vector.load %arg8[%get3A_99, %get3A_100, %get3A_101] : memref<1x12x64xf32, #tpu.memory_space<vmem>>, vector<1x1x64xf32>
    %get3A_103 = vector.shape_cast %get3A_102 : vector<1x1x64xf32> to vector<64xf32>
    %broadcast_in_dim3A_104 = vector.shape_cast %get3A_103 : vector<64xf32> to vector<1x64xf32>
    %add3A_105 = vector.broadcast %broadcast_in_dim3A_104 : vector<1x64xf32> to vector<384x64xf32>
    %add3A_106 = arith.addf %dot_general3A_98, %add3A_105 : vector<384x64xf32>
    %tanh3A_107 = math.tanh %add3A_106 : vector<384x64xf32>
    %get3A_108 = arith.constant 0 : index
    %get3A_109 = arith.constant 1 : index
    %get3A_110 = arith.constant 0 : index
    %get3A_111 = arith.constant 1 : index
    %get3A_112 = vector.load %arg9[%get3A_108, %get3A_109, %get3A_110, %get3A_111] : memref<1x12x64x2xf32, #tpu.memory_space<vmem>>, vector<1x1x64x1xf32>
    %get3A_113 = vector.shape_cast %get3A_112 : vector<1x1x64x1xf32> to vector<64x1xf32>
    %dot_general3A_114 = arith.constant dense<0.000000e+00> : vector<384x1xf32>
    %dot_general3A_115 = tpu.matmul %tanh3A_107, %get3A_113, %dot_general3A_114 {dimension_numbers = #tpu.dot_dimension_numbers<[1], [0], [0], [1], [0, 0, 1, 1], [], []>, transpose_lhs_hint = false} : vector<384x64xf32>, vector<64x1xf32>, vector<384x1xf32> -> vector<384x1xf32>
    %get3A_116 = arith.constant 0 : index
    %get3A_117 = arith.constant 1 : index
    %get3A_118 = arith.constant 1 : index
    %get3A_119 = vector.load %arg10[%get3A_116, %get3A_117, %get3A_118] : memref<1x12x2xf32, #tpu.memory_space<vmem>>, vector<1x1x1xf32>
    %get3A_120 = vector.extract %get3A_119[0, 0, 0] : f32 from vector<1x1x1xf32>
    %add3A_121 = vector.broadcast %get3A_120 : f32 to vector<384x1xf32>
    %add3A_122 = arith.addf %dot_general3A_115, %add3A_121 : vector<384x1xf32>
    %sub3A = arith.subf %slice3A_12, %add3A_122 : vector<384x1xf32>
    %neg3A = arith.constant 0.000000e+00 : f32
    %neg3A_123 = vector.broadcast %neg3A : f32 to vector<384x1xf32>
    %neg3A_124 = arith.subf %neg3A_123, %tanh3A_70 : vector<384x1xf32>
    %exp3A = math.exp %neg3A_124 : vector<384x1xf32>
    %mul3A_125 = arith.mulf %sub3A, %exp3A : vector<384x1xf32>
    %sub3A_126 = arith.subf %broadcast_in_dim3A_19, %tanh3A_70 : vector<384x1xf32>
    %slice3A_127 = vector.extract_strided_slice %get3A_6 {offsets = [0, 0], sizes = [1, 5], strides = [1, 1]} : vector<8x5xf32> to vector<1x5xf32>
    %squeeze3A_128 = vector.shape_cast %slice3A_127 : vector<1x5xf32> to vector<5xf32>
    %broadcast_in_dim3A_129 = vector.shape_cast %squeeze3A_128 : vector<5xf32> to vector<1x5xf32>
    %mul3A_130 = vector.broadcast %broadcast_in_dim3A_129 : vector<1x5xf32> to vector<384x5xf32>
    %mul3A_131 = arith.mulf %mul3A_17, %mul3A_130 : vector<384x5xf32>
    %get3A_132 = arith.constant 0 : index
    %get3A_133 = arith.constant 0 : index
    %get3A_134 = arith.constant 0 : index
    %get3A_135 = arith.constant 0 : index
    %get3A_136 = vector.load %arg11[%get3A_132, %get3A_133, %get3A_134, %get3A_135] : memref<1x12x5x64xf32, #tpu.memory_space<vmem>>, vector<1x1x5x64xf32>
    %get3A_137 = vector.shape_cast %get3A_136 : vector<1x1x5x64xf32> to vector<5x64xf32>
    %dot_general3A_138 = arith.constant dense<0.000000e+00> : vector<384x64xf32>
    %dot_general3A_139 = tpu.matmul %mul3A_131, %get3A_137, %dot_general3A_138 {dimension_numbers = #tpu.dot_dimension_numbers<[1], [0], [0], [1], [0, 0, 1, 1], [], []>, transpose_lhs_hint = false} : vector<384x5xf32>, vector<5x64xf32>, vector<384x64xf32> -> vector<384x64xf32>
    %get3A_140 = arith.constant 0 : index
    %get3A_141 = arith.constant 0 : index
    %get3A_142 = arith.constant 0 : index
    %get3A_143 = vector.load %arg12[%get3A_140, %get3A_141, %get3A_142] : memref<1x12x64xf32, #tpu.memory_space<vmem>>, vector<1x1x64xf32>
    %get3A_144 = vector.shape_cast %get3A_143 : vector<1x1x64xf32> to vector<64xf32>
    %broadcast_in_dim3A_145 = vector.shape_cast %get3A_144 : vector<64xf32> to vector<1x64xf32>
    %add3A_146 = vector.broadcast %broadcast_in_dim3A_145 : vector<1x64xf32> to vector<384x64xf32>
    %add3A_147 = arith.addf %dot_general3A_139, %add3A_146 : vector<384x64xf32>
    %tanh3A_148 = math.tanh %add3A_147 : vector<384x64xf32>
    %convert_element_type3A_149 = arith.truncf %tanh3A_148 : vector<384x64xf32> to vector<384x64xbf16>
    %get3A_150 = arith.constant 0 : index
    %get3A_151 = arith.constant 0 : index
    %get3A_152 = arith.constant 0 : index
    %get3A_153 = arith.constant 0 : index
    %get3A_154 = vector.load %arg13[%get3A_150, %get3A_151, %get3A_152, %get3A_153] : memref<1x12x64x64xbf16, #tpu.memory_space<vmem>>, vector<1x1x64x64xbf16>
    %get3A_155 = vector.shape_cast %get3A_154 : vector<1x1x64x64xbf16> to vector<64x64xbf16>
    %dot_general3A_156 = arith.constant dense<0.000000e+00> : vector<384x64xf32>
    %dot_general3A_157 = tpu.matmul %convert_element_type3A_149, %get3A_155, %dot_general3A_156 {dimension_numbers = #tpu.dot_dimension_numbers<[1], [0], [0], [1], [0, 0, 1, 1], [], []>, transpose_lhs_hint = false} : vector<384x64xbf16>, vector<64x64xbf16>, vector<384x64xf32> -> vector<384x64xf32>
    %get3A_158 = arith.constant 0 : index
    %get3A_159 = arith.constant 0 : index
    %get3A_160 = arith.constant 0 : index
    %get3A_161 = vector.load %arg14[%get3A_158, %get3A_159, %get3A_160] : memref<1x12x64xf32, #tpu.memory_space<vmem>>, vector<1x1x64xf32>
    %get3A_162 = vector.shape_cast %get3A_161 : vector<1x1x64xf32> to vector<64xf32>
    %broadcast_in_dim3A_163 = vector.shape_cast %get3A_162 : vector<64xf32> to vector<1x64xf32>
    %add3A_164 = vector.broadcast %broadcast_in_dim3A_163 : vector<1x64xf32> to vector<384x64xf32>
    %add3A_165 = arith.addf %dot_general3A_157, %add3A_164 : vector<384x64xf32>
    %tanh3A_166 = math.tanh %add3A_165 : vector<384x64xf32>
    %get3A_167 = arith.constant 0 : index
    %get3A_168 = arith.constant 0 : index
    %get3A_169 = arith.constant 0 : index
    %get3A_170 = arith.constant 0 : index
    %get3A_171 = vector.load %arg15[%get3A_167, %get3A_168, %get3A_169, %get3A_170] : memref<1x12x64x5xf32, #tpu.memory_space<vmem>>, vector<1x1x64x5xf32>
    %get3A_172 = vector.shape_cast %get3A_171 : vector<1x1x64x5xf32> to vector<64x5xf32>
    %dot_general3A_173 = arith.constant dense<0.000000e+00> : vector<384x5xf32>
    %dot_general3A_174 = tpu.matmul %tanh3A_166, %get3A_172, %dot_general3A_173 {dimension_numbers = #tpu.dot_dimension_numbers<[1], [0], [0], [1], [0, 0, 1, 1], [], []>, transpose_lhs_hint = false} : vector<384x64xf32>, vector<64x5xf32>, vector<384x5xf32> -> vector<384x5xf32>
    %get3A_175 = arith.constant 0 : index
    %get3A_176 = arith.constant 0 : index
    %get3A_177 = arith.constant 0 : index
    %get3A_178 = vector.load %arg16[%get3A_175, %get3A_176, %get3A_177] : memref<1x12x5xf32, #tpu.memory_space<vmem>>, vector<1x1x5xf32>
    %get3A_179 = vector.shape_cast %get3A_178 : vector<1x1x5xf32> to vector<5xf32>
    %broadcast_in_dim3A_180 = vector.shape_cast %get3A_179 : vector<5xf32> to vector<1x5xf32>
    %add3A_181 = vector.broadcast %broadcast_in_dim3A_180 : vector<1x5xf32> to vector<384x5xf32>
    %add3A_182 = arith.addf %dot_general3A_174, %add3A_181 : vector<384x5xf32>
    %tanh3A_183 = math.tanh %add3A_182 : vector<384x5xf32>
    %sub3A_184 = arith.constant 1.000000e+00 : f32
    %sub3A_185 = vector.broadcast %sub3A_184 : f32 to vector<5xf32>
    %sub3A_186 = arith.subf %sub3A_185, %squeeze3A_128 : vector<5xf32>
    %broadcast_in_dim3A_187 = vector.shape_cast %sub3A_186 : vector<5xf32> to vector<1x5xf32>
    %mul3A_188 = vector.broadcast %broadcast_in_dim3A_187 : vector<1x5xf32> to vector<384x5xf32>
    %mul3A_189 = arith.mulf %tanh3A_183, %mul3A_188 : vector<384x5xf32>
    %get3A_190 = arith.constant 0 : index
    %get3A_191 = arith.constant 1 : index
    %get3A_192 = arith.constant 0 : index
    %get3A_193 = arith.constant 0 : index
    %get3A_194 = vector.load %arg11[%get3A_190, %get3A_191, %get3A_192, %get3A_193] : memref<1x12x5x64xf32, #tpu.memory_space<vmem>>, vector<1x1x5x64xf32>
    %get3A_195 = vector.shape_cast %get3A_194 : vector<1x1x5x64xf32> to vector<5x64xf32>
    %dot_general3A_196 = arith.constant dense<0.000000e+00> : vector<384x64xf32>
    %dot_general3A_197 = tpu.matmul %mul3A_131, %get3A_195, %dot_general3A_196 {dimension_numbers = #tpu.dot_dimension_numbers<[1], [0], [0], [1], [0, 0, 1, 1], [], []>, transpose_lhs_hint = false} : vector<384x5xf32>, vector<5x64xf32>, vector<384x64xf32> -> vector<384x64xf32>
    %get3A_198 = arith.constant 0 : index
    %get3A_199 = arith.constant 1 : index
    %get3A_200 = arith.constant 0 : index
    %get3A_201 = vector.load %arg12[%get3A_198, %get3A_199, %get3A_200] : memref<1x12x64xf32, #tpu.memory_space<vmem>>, vector<1x1x64xf32>
    %get3A_202 = vector.shape_cast %get3A_201 : vector<1x1x64xf32> to vector<64xf32>
    %broadcast_in_dim3A_203 = vector.shape_cast %get3A_202 : vector<64xf32> to vector<1x64xf32>
    %add3A_204 = vector.broadcast %broadcast_in_dim3A_203 : vector<1x64xf32> to vector<384x64xf32>
    %add3A_205 = arith.addf %dot_general3A_197, %add3A_204 : vector<384x64xf32>
    %tanh3A_206 = math.tanh %add3A_205 : vector<384x64xf32>
    %convert_element_type3A_207 = arith.truncf %tanh3A_206 : vector<384x64xf32> to vector<384x64xbf16>
    %get3A_208 = arith.constant 0 : index
    %get3A_209 = arith.constant 1 : index
    %get3A_210 = arith.constant 0 : index
    %get3A_211 = arith.constant 0 : index
    %get3A_212 = vector.load %arg13[%get3A_208, %get3A_209, %get3A_210, %get3A_211] : memref<1x12x64x64xbf16, #tpu.memory_space<vmem>>, vector<1x1x64x64xbf16>
    %get3A_213 = vector.shape_cast %get3A_212 : vector<1x1x64x64xbf16> to vector<64x64xbf16>
    %dot_general3A_214 = arith.constant dense<0.000000e+00> : vector<384x64xf32>
    %dot_general3A_215 = tpu.matmul %convert_element_type3A_207, %get3A_213, %dot_general3A_214 {dimension_numbers = #tpu.dot_dimension_numbers<[1], [0], [0], [1], [0, 0, 1, 1], [], []>, transpose_lhs_hint = false} : vector<384x64xbf16>, vector<64x64xbf16>, vector<384x64xf32> -> vector<384x64xf32>
    %get3A_216 = arith.constant 0 : index
    %get3A_217 = arith.constant 1 : index
    %get3A_218 = arith.constant 0 : index
    %get3A_219 = vector.load %arg14[%get3A_216, %get3A_217, %get3A_218] : memref<1x12x64xf32, #tpu.memory_space<vmem>>, vector<1x1x64xf32>
    %get3A_220 = vector.shape_cast %get3A_219 : vector<1x1x64xf32> to vector<64xf32>
    %broadcast_in_dim3A_221 = vector.shape_cast %get3A_220 : vector<64xf32> to vector<1x64xf32>
    %add3A_222 = vector.broadcast %broadcast_in_dim3A_221 : vector<1x64xf32> to vector<384x64xf32>
    %add3A_223 = arith.addf %dot_general3A_215, %add3A_222 : vector<384x64xf32>
    %tanh3A_224 = math.tanh %add3A_223 : vector<384x64xf32>
    %get3A_225 = arith.constant 0 : index
    %get3A_226 = arith.constant 1 : index
    %get3A_227 = arith.constant 0 : index
    %get3A_228 = arith.constant 0 : index
    %get3A_229 = vector.load %arg15[%get3A_225, %get3A_226, %get3A_227, %get3A_228] : memref<1x12x64x5xf32, #tpu.memory_space<vmem>>, vector<1x1x64x5xf32>
    %get3A_230 = vector.shape_cast %get3A_229 : vector<1x1x64x5xf32> to vector<64x5xf32>
    %dot_general3A_231 = arith.constant dense<0.000000e+00> : vector<384x5xf32>
    %dot_general3A_232 = tpu.matmul %tanh3A_224, %get3A_230, %dot_general3A_231 {dimension_numbers = #tpu.dot_dimension_numbers<[1], [0], [0], [1], [0, 0, 1, 1], [], []>, transpose_lhs_hint = false} : vector<384x64xf32>, vector<64x5xf32>, vector<384x5xf32> -> vector<384x5xf32>
    %get3A_233 = arith.constant 0 : index
    %get3A_234 = arith.constant 1 : index
    %get3A_235 = arith.constant 0 : index
    %get3A_236 = vector.load %arg16[%get3A_233, %get3A_234, %get3A_235] : memref<1x12x5xf32, #tpu.memory_space<vmem>>, vector<1x1x5xf32>
    %get3A_237 = vector.shape_cast %get3A_236 : vector<1x1x5xf32> to vector<5xf32>
    %broadcast_in_dim3A_238 = vector.shape_cast %get3A_237 : vector<5xf32> to vector<1x5xf32>
    %add3A_239 = vector.broadcast %broadcast_in_dim3A_238 : vector<1x5xf32> to vector<384x5xf32>
    %add3A_240 = arith.addf %dot_general3A_232, %add3A_239 : vector<384x5xf32>
    %sub3A_241 = arith.constant 1.000000e+00 : f32
    %sub3A_242 = vector.broadcast %sub3A_241 : f32 to vector<5xf32>
    %sub3A_243 = arith.subf %sub3A_242, %squeeze3A_128 : vector<5xf32>
    %broadcast_in_dim3A_244 = vector.shape_cast %sub3A_243 : vector<5xf32> to vector<1x5xf32>
    %mul3A_245 = vector.broadcast %broadcast_in_dim3A_244 : vector<1x5xf32> to vector<384x5xf32>
    %mul3A_246 = arith.mulf %add3A_240, %mul3A_245 : vector<384x5xf32>
    %sub3A_247 = arith.constant 1.000000e+00 : f32
    %sub3A_248 = vector.broadcast %sub3A_247 : f32 to vector<5xf32>
    %sub3A_249 = arith.subf %sub3A_248, %squeeze3A_128 : vector<5xf32>
    %broadcast_in_dim3A_250 = vector.shape_cast %sub3A_249 : vector<5xf32> to vector<1x5xf32>
    %sub3A_251 = arith.subf %mul3A_17, %mul3A_246 : vector<384x5xf32>
    %mul3A_252 = vector.broadcast %broadcast_in_dim3A_250 : vector<1x5xf32> to vector<384x5xf32>
    %mul3A_253 = arith.mulf %mul3A_252, %sub3A_251 : vector<384x5xf32>
    %neg3A_254 = arith.constant 0.000000e+00 : f32
    %neg3A_255 = vector.broadcast %neg3A_254 : f32 to vector<384x5xf32>
    %neg3A_256 = arith.subf %neg3A_255, %mul3A_189 : vector<384x5xf32>
    %exp3A_257 = math.exp %neg3A_256 : vector<384x5xf32>
    %mul3A_258 = arith.mulf %mul3A_253, %exp3A_257 : vector<384x5xf32>
    %add3A_259 = arith.addf %mul3A_131, %mul3A_258 : vector<384x5xf32>
    %reduce_sum3A = arith.constant dense<0.000000e+00> : vector<384xf32>
    %reduce_sum3A_260 = vector.multi_reduction <add>, %mul3A_189, %reduce_sum3A [1] : vector<384x5xf32> to vector<384xf32>
    %sub3A_261 = arith.subf %broadcast_in_dim3A_21, %reduce_sum3A_260 : vector<384xf32>
    %get3A_262 = arith.constant 0 : index
    %get3A_263 = arith.constant 2 : index
    %get3A_264 = arith.constant 1 : index
    %get3A_265 = arith.constant 0 : index
    %get3A_266 = vector.load %arg5[%get3A_262, %get3A_263, %get3A_264, %get3A_265] : memref<1x12x2x64xf32, #tpu.memory_space<vmem>>, vector<1x1x1x64xf32>
    %get3A_267 = vector.shape_cast %get3A_266 : vector<1x1x1x64xf32> to vector<64xf32>
    %broadcast_in_dim3A_268 = vector.shape_cast %get3A_267 : vector<64xf32> to vector<1x64xf32>
    %mul3A_269 = vector.broadcast %mul3A_125 : vector<384x1xf32> to vector<384x64xf32>
    %mul3A_270 = vector.broadcast %broadcast_in_dim3A_268 : vector<1x64xf32> to vector<384x64xf32>
    %mul3A_271 = arith.mulf %mul3A_269, %mul3A_270 : vector<384x64xf32>
    %get3A_272 = arith.constant 0 : index
    %get3A_273 = arith.constant 2 : index
    %get3A_274 = arith.constant 0 : index
    %get3A_275 = vector.load %arg6[%get3A_272, %get3A_273, %get3A_274] : memref<1x12x64xf32, #tpu.memory_space<vmem>>, vector<1x1x64xf32>
    %get3A_276 = vector.shape_cast %get3A_275 : vector<1x1x64xf32> to vector<64xf32>
    %broadcast_in_dim3A_277 = vector.shape_cast %get3A_276 : vector<64xf32> to vector<1x64xf32>
    %add3A_278 = vector.broadcast %broadcast_in_dim3A_277 : vector<1x64xf32> to vector<384x64xf32>
    %add3A_279 = arith.addf %mul3A_271, %add3A_278 : vector<384x64xf32>
    %tanh3A_280 = math.tanh %add3A_279 : vector<384x64xf32>
    %convert_element_type3A_281 = arith.truncf %tanh3A_280 : vector<384x64xf32> to vector<384x64xbf16>
    %get3A_282 = arith.constant 0 : index
    %get3A_283 = arith.constant 2 : index
    %get3A_284 = arith.constant 0 : index
    %get3A_285 = arith.constant 0 : index
    %get3A_286 = vector.load %arg7[%get3A_282, %get3A_283, %get3A_284, %get3A_285] : memref<1x12x64x64xbf16, #tpu.memory_space<vmem>>, vector<1x1x64x64xbf16>
    %get3A_287 = vector.shape_cast %get3A_286 : vector<1x1x64x64xbf16> to vector<64x64xbf16>
    %dot_general3A_288 = arith.constant dense<0.000000e+00> : vector<384x64xf32>
    %dot_general3A_289 = tpu.matmul %convert_element_type3A_281, %get3A_287, %dot_general3A_288 {dimension_numbers = #tpu.dot_dimension_numbers<[1], [0], [0], [1], [0, 0, 1, 1], [], []>, transpose_lhs_hint = false} : vector<384x64xbf16>, vector<64x64xbf16>, vector<384x64xf32> -> vector<384x64xf32>
    %get3A_290 = arith.constant 0 : index
    %get3A_291 = arith.constant 2 : index
    %get3A_292 = arith.constant 0 : index
    %get3A_293 = vector.load %arg8[%get3A_290, %get3A_291, %get3A_292] : memref<1x12x64xf32, #tpu.memory_space<vmem>>, vector<1x1x64xf32>
    %get3A_294 = vector.shape_cast %get3A_293 : vector<1x1x64xf32> to vector<64xf32>
    %broadcast_in_dim3A_295 = vector.shape_cast %get3A_294 : vector<64xf32> to vector<1x64xf32>
    %add3A_296 = vector.broadcast %broadcast_in_dim3A_295 : vector<1x64xf32> to vector<384x64xf32>
    %add3A_297 = arith.addf %dot_general3A_289, %add3A_296 : vector<384x64xf32>
    %tanh3A_298 = math.tanh %add3A_297 : vector<384x64xf32>
    %get3A_299 = arith.constant 0 : index
    %get3A_300 = arith.constant 2 : index
    %get3A_301 = arith.constant 0 : index
    %get3A_302 = arith.constant 0 : index
    %get3A_303 = vector.load %arg9[%get3A_299, %get3A_300, %get3A_301, %get3A_302] : memref<1x12x64x2xf32, #tpu.memory_space<vmem>>, vector<1x1x64x1xf32>
    %get3A_304 = vector.shape_cast %get3A_303 : vector<1x1x64x1xf32> to vector<64x1xf32>
    %dot_general3A_305 = arith.constant dense<0.000000e+00> : vector<384x1xf32>
    %dot_general3A_306 = tpu.matmul %tanh3A_298, %get3A_304, %dot_general3A_305 {dimension_numbers = #tpu.dot_dimension_numbers<[1], [0], [0], [1], [0, 0, 1, 1], [], []>, transpose_lhs_hint = false} : vector<384x64xf32>, vector<64x1xf32>, vector<384x1xf32> -> vector<384x1xf32>
    %get3A_307 = arith.constant 0 : index
    %get3A_308 = arith.constant 2 : index
    %get3A_309 = arith.constant 0 : index
    %get3A_310 = vector.load %arg10[%get3A_307, %get3A_308, %get3A_309] : memref<1x12x2xf32, #tpu.memory_space<vmem>>, vector<1x1x1xf32>
    %get3A_311 = vector.extract %get3A_310[0, 0, 0] : f32 from vector<1x1x1xf32>
    %add3A_312 = vector.broadcast %get3A_311 : f32 to vector<384x1xf32>
    %add3A_313 = arith.addf %dot_general3A_306, %add3A_312 : vector<384x1xf32>
    %tanh3A_314 = math.tanh %add3A_313 : vector<384x1xf32>
    %get3A_315 = arith.constant 0 : index
    %get3A_316 = arith.constant 3 : index
    %get3A_317 = arith.constant 1 : index
    %get3A_318 = arith.constant 0 : index
    %get3A_319 = vector.load %arg5[%get3A_315, %get3A_316, %get3A_317, %get3A_318] : memref<1x12x2x64xf32, #tpu.memory_space<vmem>>, vector<1x1x1x64xf32>
    %get3A_320 = vector.shape_cast %get3A_319 : vector<1x1x1x64xf32> to vector<64xf32>
    %broadcast_in_dim3A_321 = vector.shape_cast %get3A_320 : vector<64xf32> to vector<1x64xf32>
    %mul3A_322 = vector.broadcast %mul3A_125 : vector<384x1xf32> to vector<384x64xf32>
    %mul3A_323 = vector.broadcast %broadcast_in_dim3A_321 : vector<1x64xf32> to vector<384x64xf32>
    %mul3A_324 = arith.mulf %mul3A_322, %mul3A_323 : vector<384x64xf32>
    %get3A_325 = arith.constant 0 : index
    %get3A_326 = arith.constant 3 : index
    %get3A_327 = arith.constant 0 : index
    %get3A_328 = vector.load %arg6[%get3A_325, %get3A_326, %get3A_327] : memref<1x12x64xf32, #tpu.memory_space<vmem>>, vector<1x1x64xf32>
    %get3A_329 = vector.shape_cast %get3A_328 : vector<1x1x64xf32> to vector<64xf32>
    %broadcast_in_dim3A_330 = vector.shape_cast %get3A_329 : vector<64xf32> to vector<1x64xf32>
    %add3A_331 = vector.broadcast %broadcast_in_dim3A_330 : vector<1x64xf32> to vector<384x64xf32>
    %add3A_332 = arith.addf %mul3A_324, %add3A_331 : vector<384x64xf32>
    %tanh3A_333 = math.tanh %add3A_332 : vector<384x64xf32>
    %convert_element_type3A_334 = arith.truncf %tanh3A_333 : vector<384x64xf32> to vector<384x64xbf16>
    %get3A_335 = arith.constant 0 : index
    %get3A_336 = arith.constant 3 : index
    %get3A_337 = arith.constant 0 : index
    %get3A_338 = arith.constant 0 : index
    %get3A_339 = vector.load %arg7[%get3A_335, %get3A_336, %get3A_337, %get3A_338] : memref<1x12x64x64xbf16, #tpu.memory_space<vmem>>, vector<1x1x64x64xbf16>
    %get3A_340 = vector.shape_cast %get3A_339 : vector<1x1x64x64xbf16> to vector<64x64xbf16>
    %dot_general3A_341 = arith.constant dense<0.000000e+00> : vector<384x64xf32>
    %dot_general3A_342 = tpu.matmul %convert_element_type3A_334, %get3A_340, %dot_general3A_341 {dimension_numbers = #tpu.dot_dimension_numbers<[1], [0], [0], [1], [0, 0, 1, 1], [], []>, transpose_lhs_hint = false} : vector<384x64xbf16>, vector<64x64xbf16>, vector<384x64xf32> -> vector<384x64xf32>
    %get3A_343 = arith.constant 0 : index
    %get3A_344 = arith.constant 3 : index
    %get3A_345 = arith.constant 0 : index
    %get3A_346 = vector.load %arg8[%get3A_343, %get3A_344, %get3A_345] : memref<1x12x64xf32, #tpu.memory_space<vmem>>, vector<1x1x64xf32>
    %get3A_347 = vector.shape_cast %get3A_346 : vector<1x1x64xf32> to vector<64xf32>
    %broadcast_in_dim3A_348 = vector.shape_cast %get3A_347 : vector<64xf32> to vector<1x64xf32>
    %add3A_349 = vector.broadcast %broadcast_in_dim3A_348 : vector<1x64xf32> to vector<384x64xf32>
    %add3A_350 = arith.addf %dot_general3A_342, %add3A_349 : vector<384x64xf32>
    %tanh3A_351 = math.tanh %add3A_350 : vector<384x64xf32>
    %get3A_352 = arith.constant 0 : index
    %get3A_353 = arith.constant 3 : index
    %get3A_354 = arith.constant 0 : index
    %get3A_355 = arith.constant 0 : index
    %get3A_356 = vector.load %arg9[%get3A_352, %get3A_353, %get3A_354, %get3A_355] : memref<1x12x64x2xf32, #tpu.memory_space<vmem>>, vector<1x1x64x1xf32>
    %get3A_357 = vector.shape_cast %get3A_356 : vector<1x1x64x1xf32> to vector<64x1xf32>
    %dot_general3A_358 = arith.constant dense<0.000000e+00> : vector<384x1xf32>
    %dot_general3A_359 = tpu.matmul %tanh3A_351, %get3A_357, %dot_general3A_358 {dimension_numbers = #tpu.dot_dimension_numbers<[1], [0], [0], [1], [0, 0, 1, 1], [], []>, transpose_lhs_hint = false} : vector<384x64xf32>, vector<64x1xf32>, vector<384x1xf32> -> vector<384x1xf32>
    %get3A_360 = arith.constant 0 : index
    %get3A_361 = arith.constant 3 : index
    %get3A_362 = arith.constant 0 : index
    %get3A_363 = vector.load %arg10[%get3A_360, %get3A_361, %get3A_362] : memref<1x12x2xf32, #tpu.memory_space<vmem>>, vector<1x1x1xf32>
    %get3A_364 = vector.extract %get3A_363[0, 0, 0] : f32 from vector<1x1x1xf32>
    %add3A_365 = vector.broadcast %get3A_364 : f32 to vector<384x1xf32>
    %add3A_366 = arith.addf %dot_general3A_359, %add3A_365 : vector<384x1xf32>
    %sub3A_367 = arith.subf %slice3A, %add3A_366 : vector<384x1xf32>
    %neg3A_368 = arith.constant 0.000000e+00 : f32
    %neg3A_369 = vector.broadcast %neg3A_368 : f32 to vector<384x1xf32>
    %neg3A_370 = arith.subf %neg3A_369, %tanh3A_314 : vector<384x1xf32>
    %exp3A_371 = math.exp %neg3A_370 : vector<384x1xf32>
    %mul3A_372 = arith.mulf %sub3A_367, %exp3A_371 : vector<384x1xf32>
    %sub3A_373 = arith.subf %sub3A_126, %tanh3A_314 : vector<384x1xf32>
    %slice3A_374 = vector.extract_strided_slice %get3A_6 {offsets = [1, 0], sizes = [1, 5], strides = [1, 1]} : vector<8x5xf32> to vector<1x5xf32>
    %squeeze3A_375 = vector.shape_cast %slice3A_374 : vector<1x5xf32> to vector<5xf32>
    %broadcast_in_dim3A_376 = vector.shape_cast %squeeze3A_375 : vector<5xf32> to vector<1x5xf32>
    %mul3A_377 = vector.broadcast %broadcast_in_dim3A_376 : vector<1x5xf32> to vector<384x5xf32>
    %mul3A_378 = arith.mulf %add3A_259, %mul3A_377 : vector<384x5xf32>
    %get3A_379 = arith.constant 0 : index
    %get3A_380 = arith.constant 2 : index
    %get3A_381 = arith.constant 0 : index
    %get3A_382 = arith.constant 0 : index
    %get3A_383 = vector.load %arg11[%get3A_379, %get3A_380, %get3A_381, %get3A_382] : memref<1x12x5x64xf32, #tpu.memory_space<vmem>>, vector<1x1x5x64xf32>
    %get3A_384 = vector.shape_cast %get3A_383 : vector<1x1x5x64xf32> to vector<5x64xf32>
    %dot_general3A_385 = arith.constant dense<0.000000e+00> : vector<384x64xf32>
    %dot_general3A_386 = tpu.matmul %mul3A_378, %get3A_384, %dot_general3A_385 {dimension_numbers = #tpu.dot_dimension_numbers<[1], [0], [0], [1], [0, 0, 1, 1], [], []>, transpose_lhs_hint = false} : vector<384x5xf32>, vector<5x64xf32>, vector<384x64xf32> -> vector<384x64xf32>
    %get3A_387 = arith.constant 0 : index
    %get3A_388 = arith.constant 2 : index
    %get3A_389 = arith.constant 0 : index
    %get3A_390 = vector.load %arg12[%get3A_387, %get3A_388, %get3A_389] : memref<1x12x64xf32, #tpu.memory_space<vmem>>, vector<1x1x64xf32>
    %get3A_391 = vector.shape_cast %get3A_390 : vector<1x1x64xf32> to vector<64xf32>
    %broadcast_in_dim3A_392 = vector.shape_cast %get3A_391 : vector<64xf32> to vector<1x64xf32>
    %add3A_393 = vector.broadcast %broadcast_in_dim3A_392 : vector<1x64xf32> to vector<384x64xf32>
    %add3A_394 = arith.addf %dot_general3A_386, %add3A_393 : vector<384x64xf32>
    %tanh3A_395 = math.tanh %add3A_394 : vector<384x64xf32>
    %convert_element_type3A_396 = arith.truncf %tanh3A_395 : vector<384x64xf32> to vector<384x64xbf16>
    %get3A_397 = arith.constant 0 : index
    %get3A_398 = arith.constant 2 : index
    %get3A_399 = arith.constant 0 : index
    %get3A_400 = arith.constant 0 : index
    %get3A_401 = vector.load %arg13[%get3A_397, %get3A_398, %get3A_399, %get3A_400] : memref<1x12x64x64xbf16, #tpu.memory_space<vmem>>, vector<1x1x64x64xbf16>
    %get3A_402 = vector.shape_cast %get3A_401 : vector<1x1x64x64xbf16> to vector<64x64xbf16>
    %dot_general3A_403 = arith.constant dense<0.000000e+00> : vector<384x64xf32>
    %dot_general3A_404 = tpu.matmul %convert_element_type3A_396, %get3A_402, %dot_general3A_403 {dimension_numbers = #tpu.dot_dimension_numbers<[1], [0], [0], [1], [0, 0, 1, 1], [], []>, transpose_lhs_hint = false} : vector<384x64xbf16>, vector<64x64xbf16>, vector<384x64xf32> -> vector<384x64xf32>
    %get3A_405 = arith.constant 0 : index
    %get3A_406 = arith.constant 2 : index
    %get3A_407 = arith.constant 0 : index
    %get3A_408 = vector.load %arg14[%get3A_405, %get3A_406, %get3A_407] : memref<1x12x64xf32, #tpu.memory_space<vmem>>, vector<1x1x64xf32>
    %get3A_409 = vector.shape_cast %get3A_408 : vector<1x1x64xf32> to vector<64xf32>
    %broadcast_in_dim3A_410 = vector.shape_cast %get3A_409 : vector<64xf32> to vector<1x64xf32>
    %add3A_411 = vector.broadcast %broadcast_in_dim3A_410 : vector<1x64xf32> to vector<384x64xf32>
    %add3A_412 = arith.addf %dot_general3A_404, %add3A_411 : vector<384x64xf32>
    %tanh3A_413 = math.tanh %add3A_412 : vector<384x64xf32>
    %get3A_414 = arith.constant 0 : index
    %get3A_415 = arith.constant 2 : index
    %get3A_416 = arith.constant 0 : index
    %get3A_417 = arith.constant 0 : index
    %get3A_418 = vector.load %arg15[%get3A_414, %get3A_415, %get3A_416, %get3A_417] : memref<1x12x64x5xf32, #tpu.memory_space<vmem>>, vector<1x1x64x5xf32>
    %get3A_419 = vector.shape_cast %get3A_418 : vector<1x1x64x5xf32> to vector<64x5xf32>
    %dot_general3A_420 = arith.constant dense<0.000000e+00> : vector<384x5xf32>
    %dot_general3A_421 = tpu.matmul %tanh3A_413, %get3A_419, %dot_general3A_420 {dimension_numbers = #tpu.dot_dimension_numbers<[1], [0], [0], [1], [0, 0, 1, 1], [], []>, transpose_lhs_hint = false} : vector<384x64xf32>, vector<64x5xf32>, vector<384x5xf32> -> vector<384x5xf32>
    %get3A_422 = arith.constant 0 : index
    %get3A_423 = arith.constant 2 : index
    %get3A_424 = arith.constant 0 : index
    %get3A_425 = vector.load %arg16[%get3A_422, %get3A_423, %get3A_424] : memref<1x12x5xf32, #tpu.memory_space<vmem>>, vector<1x1x5xf32>
    %get3A_426 = vector.shape_cast %get3A_425 : vector<1x1x5xf32> to vector<5xf32>
    %broadcast_in_dim3A_427 = vector.shape_cast %get3A_426 : vector<5xf32> to vector<1x5xf32>
    %add3A_428 = vector.broadcast %broadcast_in_dim3A_427 : vector<1x5xf32> to vector<384x5xf32>
    %add3A_429 = arith.addf %dot_general3A_421, %add3A_428 : vector<384x5xf32>
    %tanh3A_430 = math.tanh %add3A_429 : vector<384x5xf32>
    %sub3A_431 = arith.constant 1.000000e+00 : f32
    %sub3A_432 = vector.broadcast %sub3A_431 : f32 to vector<5xf32>
    %sub3A_433 = arith.subf %sub3A_432, %squeeze3A_375 : vector<5xf32>
    %broadcast_in_dim3A_434 = vector.shape_cast %sub3A_433 : vector<5xf32> to vector<1x5xf32>
    %mul3A_435 = vector.broadcast %broadcast_in_dim3A_434 : vector<1x5xf32> to vector<384x5xf32>
    %mul3A_436 = arith.mulf %tanh3A_430, %mul3A_435 : vector<384x5xf32>
    %get3A_437 = arith.constant 0 : index
    %get3A_438 = arith.constant 3 : index
    %get3A_439 = arith.constant 0 : index
    %get3A_440 = arith.constant 0 : index
    %get3A_441 = vector.load %arg11[%get3A_437, %get3A_438, %get3A_439, %get3A_440] : memref<1x12x5x64xf32, #tpu.memory_space<vmem>>, vector<1x1x5x64xf32>
    %get3A_442 = vector.shape_cast %get3A_441 : vector<1x1x5x64xf32> to vector<5x64xf32>
    %dot_general3A_443 = arith.constant dense<0.000000e+00> : vector<384x64xf32>
    %dot_general3A_444 = tpu.matmul %mul3A_378, %get3A_442, %dot_general3A_443 {dimension_numbers = #tpu.dot_dimension_numbers<[1], [0], [0], [1], [0, 0, 1, 1], [], []>, transpose_lhs_hint = false} : vector<384x5xf32>, vector<5x64xf32>, vector<384x64xf32> -> vector<384x64xf32>
    %get3A_445 = arith.constant 0 : index
    %get3A_446 = arith.constant 3 : index
    %get3A_447 = arith.constant 0 : index
    %get3A_448 = vector.load %arg12[%get3A_445, %get3A_446, %get3A_447] : memref<1x12x64xf32, #tpu.memory_space<vmem>>, vector<1x1x64xf32>
    %get3A_449 = vector.shape_cast %get3A_448 : vector<1x1x64xf32> to vector<64xf32>
    %broadcast_in_dim3A_450 = vector.shape_cast %get3A_449 : vector<64xf32> to vector<1x64xf32>
    %add3A_451 = vector.broadcast %broadcast_in_dim3A_450 : vector<1x64xf32> to vector<384x64xf32>
    %add3A_452 = arith.addf %dot_general3A_444, %add3A_451 : vector<384x64xf32>
    %tanh3A_453 = math.tanh %add3A_452 : vector<384x64xf32>
    %convert_element_type3A_454 = arith.truncf %tanh3A_453 : vector<384x64xf32> to vector<384x64xbf16>
    %get3A_455 = arith.constant 0 : index
    %get3A_456 = arith.constant 3 : index
    %get3A_457 = arith.constant 0 : index
    %get3A_458 = arith.constant 0 : index
    %get3A_459 = vector.load %arg13[%get3A_455, %get3A_456, %get3A_457, %get3A_458] : memref<1x12x64x64xbf16, #tpu.memory_space<vmem>>, vector<1x1x64x64xbf16>
    %get3A_460 = vector.shape_cast %get3A_459 : vector<1x1x64x64xbf16> to vector<64x64xbf16>
    %dot_general3A_461 = arith.constant dense<0.000000e+00> : vector<384x64xf32>
    %dot_general3A_462 = tpu.matmul %convert_element_type3A_454, %get3A_460, %dot_general3A_461 {dimension_numbers = #tpu.dot_dimension_numbers<[1], [0], [0], [1], [0, 0, 1, 1], [], []>, transpose_lhs_hint = false} : vector<384x64xbf16>, vector<64x64xbf16>, vector<384x64xf32> -> vector<384x64xf32>
    %get3A_463 = arith.constant 0 : index
    %get3A_464 = arith.constant 3 : index
    %get3A_465 = arith.constant 0 : index
    %get3A_466 = vector.load %arg14[%get3A_463, %get3A_464, %get3A_465] : memref<1x12x64xf32, #tpu.memory_space<vmem>>, vector<1x1x64xf32>
    %get3A_467 = vector.shape_cast %get3A_466 : vector<1x1x64xf32> to vector<64xf32>
    %broadcast_in_dim3A_468 = vector.shape_cast %get3A_467 : vector<64xf32> to vector<1x64xf32>
    %add3A_469 = vector.broadcast %broadcast_in_dim3A_468 : vector<1x64xf32> to vector<384x64xf32>
    %add3A_470 = arith.addf %dot_general3A_462, %add3A_469 : vector<384x64xf32>
    %tanh3A_471 = math.tanh %add3A_470 : vector<384x64xf32>
    %get3A_472 = arith.constant 0 : index
    %get3A_473 = arith.constant 3 : index
    %get3A_474 = arith.constant 0 : index
    %get3A_475 = arith.constant 0 : index
    %get3A_476 = vector.load %arg15[%get3A_472, %get3A_473, %get3A_474, %get3A_475] : memref<1x12x64x5xf32, #tpu.memory_space<vmem>>, vector<1x1x64x5xf32>
    %get3A_477 = vector.shape_cast %get3A_476 : vector<1x1x64x5xf32> to vector<64x5xf32>
    %dot_general3A_478 = arith.constant dense<0.000000e+00> : vector<384x5xf32>
    %dot_general3A_479 = tpu.matmul %tanh3A_471, %get3A_477, %dot_general3A_478 {dimension_numbers = #tpu.dot_dimension_numbers<[1], [0], [0], [1], [0, 0, 1, 1], [], []>, transpose_lhs_hint = false} : vector<384x64xf32>, vector<64x5xf32>, vector<384x5xf32> -> vector<384x5xf32>
    %get3A_480 = arith.constant 0 : index
    %get3A_481 = arith.constant 3 : index
    %get3A_482 = arith.constant 0 : index
    %get3A_483 = vector.load %arg16[%get3A_480, %get3A_481, %get3A_482] : memref<1x12x5xf32, #tpu.memory_space<vmem>>, vector<1x1x5xf32>
    %get3A_484 = vector.shape_cast %get3A_483 : vector<1x1x5xf32> to vector<5xf32>
    %broadcast_in_dim3A_485 = vector.shape_cast %get3A_484 : vector<5xf32> to vector<1x5xf32>
    %add3A_486 = vector.broadcast %broadcast_in_dim3A_485 : vector<1x5xf32> to vector<384x5xf32>
    %add3A_487 = arith.addf %dot_general3A_479, %add3A_486 : vector<384x5xf32>
    %sub3A_488 = arith.constant 1.000000e+00 : f32
    %sub3A_489 = vector.broadcast %sub3A_488 : f32 to vector<5xf32>
    %sub3A_490 = arith.subf %sub3A_489, %squeeze3A_375 : vector<5xf32>
    %broadcast_in_dim3A_491 = vector.shape_cast %sub3A_490 : vector<5xf32> to vector<1x5xf32>
    %mul3A_492 = vector.broadcast %broadcast_in_dim3A_491 : vector<1x5xf32> to vector<384x5xf32>
    %mul3A_493 = arith.mulf %add3A_487, %mul3A_492 : vector<384x5xf32>
    %sub3A_494 = arith.constant 1.000000e+00 : f32
    %sub3A_495 = vector.broadcast %sub3A_494 : f32 to vector<5xf32>
    %sub3A_496 = arith.subf %sub3A_495, %squeeze3A_375 : vector<5xf32>
    %broadcast_in_dim3A_497 = vector.shape_cast %sub3A_496 : vector<5xf32> to vector<1x5xf32>
    %sub3A_498 = arith.subf %add3A_259, %mul3A_493 : vector<384x5xf32>
    %mul3A_499 = vector.broadcast %broadcast_in_dim3A_497 : vector<1x5xf32> to vector<384x5xf32>
    %mul3A_500 = arith.mulf %mul3A_499, %sub3A_498 : vector<384x5xf32>
    %neg3A_501 = arith.constant 0.000000e+00 : f32
    %neg3A_502 = vector.broadcast %neg3A_501 : f32 to vector<384x5xf32>
    %neg3A_503 = arith.subf %neg3A_502, %mul3A_436 : vector<384x5xf32>
    %exp3A_504 = math.exp %neg3A_503 : vector<384x5xf32>
    %mul3A_505 = arith.mulf %mul3A_500, %exp3A_504 : vector<384x5xf32>
    %add3A_506 = arith.addf %mul3A_378, %mul3A_505 : vector<384x5xf32>
    %reduce_sum3A_507 = arith.constant dense<0.000000e+00> : vector<384xf32>
    %reduce_sum3A_508 = vector.multi_reduction <add>, %mul3A_436, %reduce_sum3A_507 [1] : vector<384x5xf32> to vector<384xf32>
    %sub3A_509 = arith.subf %sub3A_261, %reduce_sum3A_508 : vector<384xf32>
    %get3A_510 = arith.constant 0 : index
    %get3A_511 = arith.constant 4 : index
    %get3A_512 = arith.constant 0 : index
    %get3A_513 = arith.constant 0 : index
    %get3A_514 = vector.load %arg5[%get3A_510, %get3A_511, %get3A_512, %get3A_513] : memref<1x12x2x64xf32, #tpu.memory_space<vmem>>, vector<1x1x1x64xf32>
    %get3A_515 = vector.shape_cast %get3A_514 : vector<1x1x1x64xf32> to vector<64xf32>
    %broadcast_in_dim3A_516 = vector.shape_cast %get3A_515 : vector<64xf32> to vector<1x64xf32>
    %mul3A_517 = vector.broadcast %mul3A_372 : vector<384x1xf32> to vector<384x64xf32>
    %mul3A_518 = vector.broadcast %broadcast_in_dim3A_516 : vector<1x64xf32> to vector<384x64xf32>
    %mul3A_519 = arith.mulf %mul3A_517, %mul3A_518 : vector<384x64xf32>
    %get3A_520 = arith.constant 0 : index
    %get3A_521 = arith.constant 4 : index
    %get3A_522 = arith.constant 0 : index
    %get3A_523 = vector.load %arg6[%get3A_520, %get3A_521, %get3A_522] : memref<1x12x64xf32, #tpu.memory_space<vmem>>, vector<1x1x64xf32>
    %get3A_524 = vector.shape_cast %get3A_523 : vector<1x1x64xf32> to vector<64xf32>
    %broadcast_in_dim3A_525 = vector.shape_cast %get3A_524 : vector<64xf32> to vector<1x64xf32>
    %add3A_526 = vector.broadcast %broadcast_in_dim3A_525 : vector<1x64xf32> to vector<384x64xf32>
    %add3A_527 = arith.addf %mul3A_519, %add3A_526 : vector<384x64xf32>
    %tanh3A_528 = math.tanh %add3A_527 : vector<384x64xf32>
    %convert_element_type3A_529 = arith.truncf %tanh3A_528 : vector<384x64xf32> to vector<384x64xbf16>
    %get3A_530 = arith.constant 0 : index
    %get3A_531 = arith.constant 4 : index
    %get3A_532 = arith.constant 0 : index
    %get3A_533 = arith.constant 0 : index
    %get3A_534 = vector.load %arg7[%get3A_530, %get3A_531, %get3A_532, %get3A_533] : memref<1x12x64x64xbf16, #tpu.memory_space<vmem>>, vector<1x1x64x64xbf16>
    %get3A_535 = vector.shape_cast %get3A_534 : vector<1x1x64x64xbf16> to vector<64x64xbf16>
    %dot_general3A_536 = arith.constant dense<0.000000e+00> : vector<384x64xf32>
    %dot_general3A_537 = tpu.matmul %convert_element_type3A_529, %get3A_535, %dot_general3A_536 {dimension_numbers = #tpu.dot_dimension_numbers<[1], [0], [0], [1], [0, 0, 1, 1], [], []>, transpose_lhs_hint = false} : vector<384x64xbf16>, vector<64x64xbf16>, vector<384x64xf32> -> vector<384x64xf32>
    %get3A_538 = arith.constant 0 : index
    %get3A_539 = arith.constant 4 : index
    %get3A_540 = arith.constant 0 : index
    %get3A_541 = vector.load %arg8[%get3A_538, %get3A_539, %get3A_540] : memref<1x12x64xf32, #tpu.memory_space<vmem>>, vector<1x1x64xf32>
    %get3A_542 = vector.shape_cast %get3A_541 : vector<1x1x64xf32> to vector<64xf32>
    %broadcast_in_dim3A_543 = vector.shape_cast %get3A_542 : vector<64xf32> to vector<1x64xf32>
    %add3A_544 = vector.broadcast %broadcast_in_dim3A_543 : vector<1x64xf32> to vector<384x64xf32>
    %add3A_545 = arith.addf %dot_general3A_537, %add3A_544 : vector<384x64xf32>
    %tanh3A_546 = math.tanh %add3A_545 : vector<384x64xf32>
    %get3A_547 = arith.constant 0 : index
    %get3A_548 = arith.constant 4 : index
    %get3A_549 = arith.constant 0 : index
    %get3A_550 = arith.constant 1 : index
    %get3A_551 = vector.load %arg9[%get3A_547, %get3A_548, %get3A_549, %get3A_550] : memref<1x12x64x2xf32, #tpu.memory_space<vmem>>, vector<1x1x64x1xf32>
    %get3A_552 = vector.shape_cast %get3A_551 : vector<1x1x64x1xf32> to vector<64x1xf32>
    %dot_general3A_553 = arith.constant dense<0.000000e+00> : vector<384x1xf32>
    %dot_general3A_554 = tpu.matmul %tanh3A_546, %get3A_552, %dot_general3A_553 {dimension_numbers = #tpu.dot_dimension_numbers<[1], [0], [0], [1], [0, 0, 1, 1], [], []>, transpose_lhs_hint = false} : vector<384x64xf32>, vector<64x1xf32>, vector<384x1xf32> -> vector<384x1xf32>
    %get3A_555 = arith.constant 0 : index
    %get3A_556 = arith.constant 4 : index
    %get3A_557 = arith.constant 1 : index
    %get3A_558 = vector.load %arg10[%get3A_555, %get3A_556, %get3A_557] : memref<1x12x2xf32, #tpu.memory_space<vmem>>, vector<1x1x1xf32>
    %get3A_559 = vector.extract %get3A_558[0, 0, 0] : f32 from vector<1x1x1xf32>
    %add3A_560 = vector.broadcast %get3A_559 : f32 to vector<384x1xf32>
    %add3A_561 = arith.addf %dot_general3A_554, %add3A_560 : vector<384x1xf32>
    %tanh3A_562 = math.tanh %add3A_561 : vector<384x1xf32>
    %get3A_563 = arith.constant 0 : index
    %get3A_564 = arith.constant 5 : index
    %get3A_565 = arith.constant 0 : index
    %get3A_566 = arith.constant 0 : index
    %get3A_567 = vector.load %arg5[%get3A_563, %get3A_564, %get3A_565, %get3A_566] : memref<1x12x2x64xf32, #tpu.memory_space<vmem>>, vector<1x1x1x64xf32>
    %get3A_568 = vector.shape_cast %get3A_567 : vector<1x1x1x64xf32> to vector<64xf32>
    %broadcast_in_dim3A_569 = vector.shape_cast %get3A_568 : vector<64xf32> to vector<1x64xf32>
    %mul3A_570 = vector.broadcast %mul3A_372 : vector<384x1xf32> to vector<384x64xf32>
    %mul3A_571 = vector.broadcast %broadcast_in_dim3A_569 : vector<1x64xf32> to vector<384x64xf32>
    %mul3A_572 = arith.mulf %mul3A_570, %mul3A_571 : vector<384x64xf32>
    %get3A_573 = arith.constant 0 : index
    %get3A_574 = arith.constant 5 : index
    %get3A_575 = arith.constant 0 : index
    %get3A_576 = vector.load %arg6[%get3A_573, %get3A_574, %get3A_575] : memref<1x12x64xf32, #tpu.memory_space<vmem>>, vector<1x1x64xf32>
    %get3A_577 = vector.shape_cast %get3A_576 : vector<1x1x64xf32> to vector<64xf32>
    %broadcast_in_dim3A_578 = vector.shape_cast %get3A_577 : vector<64xf32> to vector<1x64xf32>
    %add3A_579 = vector.broadcast %broadcast_in_dim3A_578 : vector<1x64xf32> to vector<384x64xf32>
    %add3A_580 = arith.addf %mul3A_572, %add3A_579 : vector<384x64xf32>
    %tanh3A_581 = math.tanh %add3A_580 : vector<384x64xf32>
    %convert_element_type3A_582 = arith.truncf %tanh3A_581 : vector<384x64xf32> to vector<384x64xbf16>
    %get3A_583 = arith.constant 0 : index
    %get3A_584 = arith.constant 5 : index
    %get3A_585 = arith.constant 0 : index
    %get3A_586 = arith.constant 0 : index
    %get3A_587 = vector.load %arg7[%get3A_583, %get3A_584, %get3A_585, %get3A_586] : memref<1x12x64x64xbf16, #tpu.memory_space<vmem>>, vector<1x1x64x64xbf16>
    %get3A_588 = vector.shape_cast %get3A_587 : vector<1x1x64x64xbf16> to vector<64x64xbf16>
    %dot_general3A_589 = arith.constant dense<0.000000e+00> : vector<384x64xf32>
    %dot_general3A_590 = tpu.matmul %convert_element_type3A_582, %get3A_588, %dot_general3A_589 {dimension_numbers = #tpu.dot_dimension_numbers<[1], [0], [0], [1], [0, 0, 1, 1], [], []>, transpose_lhs_hint = false} : vector<384x64xbf16>, vector<64x64xbf16>, vector<384x64xf32> -> vector<384x64xf32>
    %get3A_591 = arith.constant 0 : index
    %get3A_592 = arith.constant 5 : index
    %get3A_593 = arith.constant 0 : index
    %get3A_594 = vector.load %arg8[%get3A_591, %get3A_592, %get3A_593] : memref<1x12x64xf32, #tpu.memory_space<vmem>>, vector<1x1x64xf32>
    %get3A_595 = vector.shape_cast %get3A_594 : vector<1x1x64xf32> to vector<64xf32>
    %broadcast_in_dim3A_596 = vector.shape_cast %get3A_595 : vector<64xf32> to vector<1x64xf32>
    %add3A_597 = vector.broadcast %broadcast_in_dim3A_596 : vector<1x64xf32> to vector<384x64xf32>
    %add3A_598 = arith.addf %dot_general3A_590, %add3A_597 : vector<384x64xf32>
    %tanh3A_599 = math.tanh %add3A_598 : vector<384x64xf32>
    %get3A_600 = arith.constant 0 : index
    %get3A_601 = arith.constant 5 : index
    %get3A_602 = arith.constant 0 : index
    %get3A_603 = arith.constant 1 : index
    %get3A_604 = vector.load %arg9[%get3A_600, %get3A_601, %get3A_602, %get3A_603] : memref<1x12x64x2xf32, #tpu.memory_space<vmem>>, vector<1x1x64x1xf32>
    %get3A_605 = vector.shape_cast %get3A_604 : vector<1x1x64x1xf32> to vector<64x1xf32>
    %dot_general3A_606 = arith.constant dense<0.000000e+00> : vector<384x1xf32>
    %dot_general3A_607 = tpu.matmul %tanh3A_599, %get3A_605, %dot_general3A_606 {dimension_numbers = #tpu.dot_dimension_numbers<[1], [0], [0], [1], [0, 0, 1, 1], [], []>, transpose_lhs_hint = false} : vector<384x64xf32>, vector<64x1xf32>, vector<384x1xf32> -> vector<384x1xf32>
    %get3A_608 = arith.constant 0 : index
    %get3A_609 = arith.constant 5 : index
    %get3A_610 = arith.constant 1 : index
    %get3A_611 = vector.load %arg10[%get3A_608, %get3A_609, %get3A_610] : memref<1x12x2xf32, #tpu.memory_space<vmem>>, vector<1x1x1xf32>
    %get3A_612 = vector.extract %get3A_611[0, 0, 0] : f32 from vector<1x1x1xf32>
    %add3A_613 = vector.broadcast %get3A_612 : f32 to vector<384x1xf32>
    %add3A_614 = arith.addf %dot_general3A_607, %add3A_613 : vector<384x1xf32>
    %sub3A_615 = arith.subf %mul3A_125, %add3A_614 : vector<384x1xf32>
    %neg3A_616 = arith.constant 0.000000e+00 : f32
    %neg3A_617 = vector.broadcast %neg3A_616 : f32 to vector<384x1xf32>
    %neg3A_618 = arith.subf %neg3A_617, %tanh3A_562 : vector<384x1xf32>
    %exp3A_619 = math.exp %neg3A_618 : vector<384x1xf32>
    %mul3A_620 = arith.mulf %sub3A_615, %exp3A_619 : vector<384x1xf32>
    %sub3A_621 = arith.subf %sub3A_373, %tanh3A_562 : vector<384x1xf32>
    %slice3A_622 = vector.extract_strided_slice %get3A_6 {offsets = [2, 0], sizes = [1, 5], strides = [1, 1]} : vector<8x5xf32> to vector<1x5xf32>
    %squeeze3A_623 = vector.shape_cast %slice3A_622 : vector<1x5xf32> to vector<5xf32>
    %broadcast_in_dim3A_624 = vector.shape_cast %squeeze3A_623 : vector<5xf32> to vector<1x5xf32>
    %mul3A_625 = vector.broadcast %broadcast_in_dim3A_624 : vector<1x5xf32> to vector<384x5xf32>
    %mul3A_626 = arith.mulf %add3A_506, %mul3A_625 : vector<384x5xf32>
    %get3A_627 = arith.constant 0 : index
    %get3A_628 = arith.constant 4 : index
    %get3A_629 = arith.constant 0 : index
    %get3A_630 = arith.constant 0 : index
    %get3A_631 = vector.load %arg11[%get3A_627, %get3A_628, %get3A_629, %get3A_630] : memref<1x12x5x64xf32, #tpu.memory_space<vmem>>, vector<1x1x5x64xf32>
    %get3A_632 = vector.shape_cast %get3A_631 : vector<1x1x5x64xf32> to vector<5x64xf32>
    %dot_general3A_633 = arith.constant dense<0.000000e+00> : vector<384x64xf32>
    %dot_general3A_634 = tpu.matmul %mul3A_626, %get3A_632, %dot_general3A_633 {dimension_numbers = #tpu.dot_dimension_numbers<[1], [0], [0], [1], [0, 0, 1, 1], [], []>, transpose_lhs_hint = false} : vector<384x5xf32>, vector<5x64xf32>, vector<384x64xf32> -> vector<384x64xf32>
    %get3A_635 = arith.constant 0 : index
    %get3A_636 = arith.constant 4 : index
    %get3A_637 = arith.constant 0 : index
    %get3A_638 = vector.load %arg12[%get3A_635, %get3A_636, %get3A_637] : memref<1x12x64xf32, #tpu.memory_space<vmem>>, vector<1x1x64xf32>
    %get3A_639 = vector.shape_cast %get3A_638 : vector<1x1x64xf32> to vector<64xf32>
    %broadcast_in_dim3A_640 = vector.shape_cast %get3A_639 : vector<64xf32> to vector<1x64xf32>
    %add3A_641 = vector.broadcast %broadcast_in_dim3A_640 : vector<1x64xf32> to vector<384x64xf32>
    %add3A_642 = arith.addf %dot_general3A_634, %add3A_641 : vector<384x64xf32>
    %tanh3A_643 = math.tanh %add3A_642 : vector<384x64xf32>
    %convert_element_type3A_644 = arith.truncf %tanh3A_643 : vector<384x64xf32> to vector<384x64xbf16>
    %get3A_645 = arith.constant 0 : index
    %get3A_646 = arith.constant 4 : index
    %get3A_647 = arith.constant 0 : index
    %get3A_648 = arith.constant 0 : index
    %get3A_649 = vector.load %arg13[%get3A_645, %get3A_646, %get3A_647, %get3A_648] : memref<1x12x64x64xbf16, #tpu.memory_space<vmem>>, vector<1x1x64x64xbf16>
    %get3A_650 = vector.shape_cast %get3A_649 : vector<1x1x64x64xbf16> to vector<64x64xbf16>
    %dot_general3A_651 = arith.constant dense<0.000000e+00> : vector<384x64xf32>
    %dot_general3A_652 = tpu.matmul %convert_element_type3A_644, %get3A_650, %dot_general3A_651 {dimension_numbers = #tpu.dot_dimension_numbers<[1], [0], [0], [1], [0, 0, 1, 1], [], []>, transpose_lhs_hint = false} : vector<384x64xbf16>, vector<64x64xbf16>, vector<384x64xf32> -> vector<384x64xf32>
    %get3A_653 = arith.constant 0 : index
    %get3A_654 = arith.constant 4 : index
    %get3A_655 = arith.constant 0 : index
    %get3A_656 = vector.load %arg14[%get3A_653, %get3A_654, %get3A_655] : memref<1x12x64xf32, #tpu.memory_space<vmem>>, vector<1x1x64xf32>
    %get3A_657 = vector.shape_cast %get3A_656 : vector<1x1x64xf32> to vector<64xf32>
    %broadcast_in_dim3A_658 = vector.shape_cast %get3A_657 : vector<64xf32> to vector<1x64xf32>
    %add3A_659 = vector.broadcast %broadcast_in_dim3A_658 : vector<1x64xf32> to vector<384x64xf32>
    %add3A_660 = arith.addf %dot_general3A_652, %add3A_659 : vector<384x64xf32>
    %tanh3A_661 = math.tanh %add3A_660 : vector<384x64xf32>
    %get3A_662 = arith.constant 0 : index
    %get3A_663 = arith.constant 4 : index
    %get3A_664 = arith.constant 0 : index
    %get3A_665 = arith.constant 0 : index
    %get3A_666 = vector.load %arg15[%get3A_662, %get3A_663, %get3A_664, %get3A_665] : memref<1x12x64x5xf32, #tpu.memory_space<vmem>>, vector<1x1x64x5xf32>
    %get3A_667 = vector.shape_cast %get3A_666 : vector<1x1x64x5xf32> to vector<64x5xf32>
    %dot_general3A_668 = arith.constant dense<0.000000e+00> : vector<384x5xf32>
    %dot_general3A_669 = tpu.matmul %tanh3A_661, %get3A_667, %dot_general3A_668 {dimension_numbers = #tpu.dot_dimension_numbers<[1], [0], [0], [1], [0, 0, 1, 1], [], []>, transpose_lhs_hint = false} : vector<384x64xf32>, vector<64x5xf32>, vector<384x5xf32> -> vector<384x5xf32>
    %get3A_670 = arith.constant 0 : index
    %get3A_671 = arith.constant 4 : index
    %get3A_672 = arith.constant 0 : index
    %get3A_673 = vector.load %arg16[%get3A_670, %get3A_671, %get3A_672] : memref<1x12x5xf32, #tpu.memory_space<vmem>>, vector<1x1x5xf32>
    %get3A_674 = vector.shape_cast %get3A_673 : vector<1x1x5xf32> to vector<5xf32>
    %broadcast_in_dim3A_675 = vector.shape_cast %get3A_674 : vector<5xf32> to vector<1x5xf32>
    %add3A_676 = vector.broadcast %broadcast_in_dim3A_675 : vector<1x5xf32> to vector<384x5xf32>
    %add3A_677 = arith.addf %dot_general3A_669, %add3A_676 : vector<384x5xf32>
    %tanh3A_678 = math.tanh %add3A_677 : vector<384x5xf32>
    %sub3A_679 = arith.constant 1.000000e+00 : f32
    %sub3A_680 = vector.broadcast %sub3A_679 : f32 to vector<5xf32>
    %sub3A_681 = arith.subf %sub3A_680, %squeeze3A_623 : vector<5xf32>
    %broadcast_in_dim3A_682 = vector.shape_cast %sub3A_681 : vector<5xf32> to vector<1x5xf32>
    %mul3A_683 = vector.broadcast %broadcast_in_dim3A_682 : vector<1x5xf32> to vector<384x5xf32>
    %mul3A_684 = arith.mulf %tanh3A_678, %mul3A_683 : vector<384x5xf32>
    %get3A_685 = arith.constant 0 : index
    %get3A_686 = arith.constant 5 : index
    %get3A_687 = arith.constant 0 : index
    %get3A_688 = arith.constant 0 : index
    %get3A_689 = vector.load %arg11[%get3A_685, %get3A_686, %get3A_687, %get3A_688] : memref<1x12x5x64xf32, #tpu.memory_space<vmem>>, vector<1x1x5x64xf32>
    %get3A_690 = vector.shape_cast %get3A_689 : vector<1x1x5x64xf32> to vector<5x64xf32>
    %dot_general3A_691 = arith.constant dense<0.000000e+00> : vector<384x64xf32>
    %dot_general3A_692 = tpu.matmul %mul3A_626, %get3A_690, %dot_general3A_691 {dimension_numbers = #tpu.dot_dimension_numbers<[1], [0], [0], [1], [0, 0, 1, 1], [], []>, transpose_lhs_hint = false} : vector<384x5xf32>, vector<5x64xf32>, vector<384x64xf32> -> vector<384x64xf32>
    %get3A_693 = arith.constant 0 : index
    %get3A_694 = arith.constant 5 : index
    %get3A_695 = arith.constant 0 : index
    %get3A_696 = vector.load %arg12[%get3A_693, %get3A_694, %get3A_695] : memref<1x12x64xf32, #tpu.memory_space<vmem>>, vector<1x1x64xf32>
    %get3A_697 = vector.shape_cast %get3A_696 : vector<1x1x64xf32> to vector<64xf32>
    %broadcast_in_dim3A_698 = vector.shape_cast %get3A_697 : vector<64xf32> to vector<1x64xf32>
    %add3A_699 = vector.broadcast %broadcast_in_dim3A_698 : vector<1x64xf32> to vector<384x64xf32>
    %add3A_700 = arith.addf %dot_general3A_692, %add3A_699 : vector<384x64xf32>
    %tanh3A_701 = math.tanh %add3A_700 : vector<384x64xf32>
    %convert_element_type3A_702 = arith.truncf %tanh3A_701 : vector<384x64xf32> to vector<384x64xbf16>
    %get3A_703 = arith.constant 0 : index
    %get3A_704 = arith.constant 5 : index
    %get3A_705 = arith.constant 0 : index
    %get3A_706 = arith.constant 0 : index
    %get3A_707 = vector.load %arg13[%get3A_703, %get3A_704, %get3A_705, %get3A_706] : memref<1x12x64x64xbf16, #tpu.memory_space<vmem>>, vector<1x1x64x64xbf16>
    %get3A_708 = vector.shape_cast %get3A_707 : vector<1x1x64x64xbf16> to vector<64x64xbf16>
    %dot_general3A_709 = arith.constant dense<0.000000e+00> : vector<384x64xf32>
    %dot_general3A_710 = tpu.matmul %convert_element_type3A_702, %get3A_708, %dot_general3A_709 {dimension_numbers = #tpu.dot_dimension_numbers<[1], [0], [0], [1], [0, 0, 1, 1], [], []>, transpose_lhs_hint = false} : vector<384x64xbf16>, vector<64x64xbf16>, vector<384x64xf32> -> vector<384x64xf32>
    %get3A_711 = arith.constant 0 : index
    %get3A_712 = arith.constant 5 : index
    %get3A_713 = arith.constant 0 : index
    %get3A_714 = vector.load %arg14[%get3A_711, %get3A_712, %get3A_713] : memref<1x12x64xf32, #tpu.memory_space<vmem>>, vector<1x1x64xf32>
    %get3A_715 = vector.shape_cast %get3A_714 : vector<1x1x64xf32> to vector<64xf32>
    %broadcast_in_dim3A_716 = vector.shape_cast %get3A_715 : vector<64xf32> to vector<1x64xf32>
    %add3A_717 = vector.broadcast %broadcast_in_dim3A_716 : vector<1x64xf32> to vector<384x64xf32>
    %add3A_718 = arith.addf %dot_general3A_710, %add3A_717 : vector<384x64xf32>
    %tanh3A_719 = math.tanh %add3A_718 : vector<384x64xf32>
    %get3A_720 = arith.constant 0 : index
    %get3A_721 = arith.constant 5 : index
    %get3A_722 = arith.constant 0 : index
    %get3A_723 = arith.constant 0 : index
    %get3A_724 = vector.load %arg15[%get3A_720, %get3A_721, %get3A_722, %get3A_723] : memref<1x12x64x5xf32, #tpu.memory_space<vmem>>, vector<1x1x64x5xf32>
    %get3A_725 = vector.shape_cast %get3A_724 : vector<1x1x64x5xf32> to vector<64x5xf32>
    %dot_general3A_726 = arith.constant dense<0.000000e+00> : vector<384x5xf32>
    %dot_general3A_727 = tpu.matmul %tanh3A_719, %get3A_725, %dot_general3A_726 {dimension_numbers = #tpu.dot_dimension_numbers<[1], [0], [0], [1], [0, 0, 1, 1], [], []>, transpose_lhs_hint = false} : vector<384x64xf32>, vector<64x5xf32>, vector<384x5xf32> -> vector<384x5xf32>
    %get3A_728 = arith.constant 0 : index
    %get3A_729 = arith.constant 5 : index
    %get3A_730 = arith.constant 0 : index
    %get3A_731 = vector.load %arg16[%get3A_728, %get3A_729, %get3A_730] : memref<1x12x5xf32, #tpu.memory_space<vmem>>, vector<1x1x5xf32>
    %get3A_732 = vector.shape_cast %get3A_731 : vector<1x1x5xf32> to vector<5xf32>
    %broadcast_in_dim3A_733 = vector.shape_cast %get3A_732 : vector<5xf32> to vector<1x5xf32>
    %add3A_734 = vector.broadcast %broadcast_in_dim3A_733 : vector<1x5xf32> to vector<384x5xf32>
    %add3A_735 = arith.addf %dot_general3A_727, %add3A_734 : vector<384x5xf32>
    %sub3A_736 = arith.constant 1.000000e+00 : f32
    %sub3A_737 = vector.broadcast %sub3A_736 : f32 to vector<5xf32>
    %sub3A_738 = arith.subf %sub3A_737, %squeeze3A_623 : vector<5xf32>
    %broadcast_in_dim3A_739 = vector.shape_cast %sub3A_738 : vector<5xf32> to vector<1x5xf32>
    %mul3A_740 = vector.broadcast %broadcast_in_dim3A_739 : vector<1x5xf32> to vector<384x5xf32>
    %mul3A_741 = arith.mulf %add3A_735, %mul3A_740 : vector<384x5xf32>
    %sub3A_742 = arith.constant 1.000000e+00 : f32
    %sub3A_743 = vector.broadcast %sub3A_742 : f32 to vector<5xf32>
    %sub3A_744 = arith.subf %sub3A_743, %squeeze3A_623 : vector<5xf32>
    %broadcast_in_dim3A_745 = vector.shape_cast %sub3A_744 : vector<5xf32> to vector<1x5xf32>
    %sub3A_746 = arith.subf %add3A_506, %mul3A_741 : vector<384x5xf32>
    %mul3A_747 = vector.broadcast %broadcast_in_dim3A_745 : vector<1x5xf32> to vector<384x5xf32>
    %mul3A_748 = arith.mulf %mul3A_747, %sub3A_746 : vector<384x5xf32>
    %neg3A_749 = arith.constant 0.000000e+00 : f32
    %neg3A_750 = vector.broadcast %neg3A_749 : f32 to vector<384x5xf32>
    %neg3A_751 = arith.subf %neg3A_750, %mul3A_684 : vector<384x5xf32>
    %exp3A_752 = math.exp %neg3A_751 : vector<384x5xf32>
    %mul3A_753 = arith.mulf %mul3A_748, %exp3A_752 : vector<384x5xf32>
    %add3A_754 = arith.addf %mul3A_626, %mul3A_753 : vector<384x5xf32>
    %reduce_sum3A_755 = arith.constant dense<0.000000e+00> : vector<384xf32>
    %reduce_sum3A_756 = vector.multi_reduction <add>, %mul3A_684, %reduce_sum3A_755 [1] : vector<384x5xf32> to vector<384xf32>
    %sub3A_757 = arith.subf %sub3A_509, %reduce_sum3A_756 : vector<384xf32>
    %get3A_758 = arith.constant 0 : index
    %get3A_759 = arith.constant 6 : index
    %get3A_760 = arith.constant 1 : index
    %get3A_761 = arith.constant 0 : index
    %get3A_762 = vector.load %arg5[%get3A_758, %get3A_759, %get3A_760, %get3A_761] : memref<1x12x2x64xf32, #tpu.memory_space<vmem>>, vector<1x1x1x64xf32>
    %get3A_763 = vector.shape_cast %get3A_762 : vector<1x1x1x64xf32> to vector<64xf32>
    %broadcast_in_dim3A_764 = vector.shape_cast %get3A_763 : vector<64xf32> to vector<1x64xf32>
    %mul3A_765 = vector.broadcast %mul3A_620 : vector<384x1xf32> to vector<384x64xf32>
    %mul3A_766 = vector.broadcast %broadcast_in_dim3A_764 : vector<1x64xf32> to vector<384x64xf32>
    %mul3A_767 = arith.mulf %mul3A_765, %mul3A_766 : vector<384x64xf32>
    %get3A_768 = arith.constant 0 : index
    %get3A_769 = arith.constant 6 : index
    %get3A_770 = arith.constant 0 : index
    %get3A_771 = vector.load %arg6[%get3A_768, %get3A_769, %get3A_770] : memref<1x12x64xf32, #tpu.memory_space<vmem>>, vector<1x1x64xf32>
    %get3A_772 = vector.shape_cast %get3A_771 : vector<1x1x64xf32> to vector<64xf32>
    %broadcast_in_dim3A_773 = vector.shape_cast %get3A_772 : vector<64xf32> to vector<1x64xf32>
    %add3A_774 = vector.broadcast %broadcast_in_dim3A_773 : vector<1x64xf32> to vector<384x64xf32>
    %add3A_775 = arith.addf %mul3A_767, %add3A_774 : vector<384x64xf32>
    %tanh3A_776 = math.tanh %add3A_775 : vector<384x64xf32>
    %convert_element_type3A_777 = arith.truncf %tanh3A_776 : vector<384x64xf32> to vector<384x64xbf16>
    %get3A_778 = arith.constant 0 : index
    %get3A_779 = arith.constant 6 : index
    %get3A_780 = arith.constant 0 : index
    %get3A_781 = arith.constant 0 : index
    %get3A_782 = vector.load %arg7[%get3A_778, %get3A_779, %get3A_780, %get3A_781] : memref<1x12x64x64xbf16, #tpu.memory_space<vmem>>, vector<1x1x64x64xbf16>
    %get3A_783 = vector.shape_cast %get3A_782 : vector<1x1x64x64xbf16> to vector<64x64xbf16>
    %dot_general3A_784 = arith.constant dense<0.000000e+00> : vector<384x64xf32>
    %dot_general3A_785 = tpu.matmul %convert_element_type3A_777, %get3A_783, %dot_general3A_784 {dimension_numbers = #tpu.dot_dimension_numbers<[1], [0], [0], [1], [0, 0, 1, 1], [], []>, transpose_lhs_hint = false} : vector<384x64xbf16>, vector<64x64xbf16>, vector<384x64xf32> -> vector<384x64xf32>
    %get3A_786 = arith.constant 0 : index
    %get3A_787 = arith.constant 6 : index
    %get3A_788 = arith.constant 0 : index
    %get3A_789 = vector.load %arg8[%get3A_786, %get3A_787, %get3A_788] : memref<1x12x64xf32, #tpu.memory_space<vmem>>, vector<1x1x64xf32>
    %get3A_790 = vector.shape_cast %get3A_789 : vector<1x1x64xf32> to vector<64xf32>
    %broadcast_in_dim3A_791 = vector.shape_cast %get3A_790 : vector<64xf32> to vector<1x64xf32>
    %add3A_792 = vector.broadcast %broadcast_in_dim3A_791 : vector<1x64xf32> to vector<384x64xf32>
    %add3A_793 = arith.addf %dot_general3A_785, %add3A_792 : vector<384x64xf32>
    %tanh3A_794 = math.tanh %add3A_793 : vector<384x64xf32>
    %get3A_795 = arith.constant 0 : index
    %get3A_796 = arith.constant 6 : index
    %get3A_797 = arith.constant 0 : index
    %get3A_798 = arith.constant 0 : index
    %get3A_799 = vector.load %arg9[%get3A_795, %get3A_796, %get3A_797, %get3A_798] : memref<1x12x64x2xf32, #tpu.memory_space<vmem>>, vector<1x1x64x1xf32>
    %get3A_800 = vector.shape_cast %get3A_799 : vector<1x1x64x1xf32> to vector<64x1xf32>
    %dot_general3A_801 = arith.constant dense<0.000000e+00> : vector<384x1xf32>
    %dot_general3A_802 = tpu.matmul %tanh3A_794, %get3A_800, %dot_general3A_801 {dimension_numbers = #tpu.dot_dimension_numbers<[1], [0], [0], [1], [0, 0, 1, 1], [], []>, transpose_lhs_hint = false} : vector<384x64xf32>, vector<64x1xf32>, vector<384x1xf32> -> vector<384x1xf32>
    %get3A_803 = arith.constant 0 : index
    %get3A_804 = arith.constant 6 : index
    %get3A_805 = arith.constant 0 : index
    %get3A_806 = vector.load %arg10[%get3A_803, %get3A_804, %get3A_805] : memref<1x12x2xf32, #tpu.memory_space<vmem>>, vector<1x1x1xf32>
    %get3A_807 = vector.extract %get3A_806[0, 0, 0] : f32 from vector<1x1x1xf32>
    %add3A_808 = vector.broadcast %get3A_807 : f32 to vector<384x1xf32>
    %add3A_809 = arith.addf %dot_general3A_802, %add3A_808 : vector<384x1xf32>
    %tanh3A_810 = math.tanh %add3A_809 : vector<384x1xf32>
    %get3A_811 = arith.constant 0 : index
    %get3A_812 = arith.constant 7 : index
    %get3A_813 = arith.constant 1 : index
    %get3A_814 = arith.constant 0 : index
    %get3A_815 = vector.load %arg5[%get3A_811, %get3A_812, %get3A_813, %get3A_814] : memref<1x12x2x64xf32, #tpu.memory_space<vmem>>, vector<1x1x1x64xf32>
    %get3A_816 = vector.shape_cast %get3A_815 : vector<1x1x1x64xf32> to vector<64xf32>
    %broadcast_in_dim3A_817 = vector.shape_cast %get3A_816 : vector<64xf32> to vector<1x64xf32>
    %mul3A_818 = vector.broadcast %mul3A_620 : vector<384x1xf32> to vector<384x64xf32>
    %mul3A_819 = vector.broadcast %broadcast_in_dim3A_817 : vector<1x64xf32> to vector<384x64xf32>
    %mul3A_820 = arith.mulf %mul3A_818, %mul3A_819 : vector<384x64xf32>
    %get3A_821 = arith.constant 0 : index
    %get3A_822 = arith.constant 7 : index
    %get3A_823 = arith.constant 0 : index
    %get3A_824 = vector.load %arg6[%get3A_821, %get3A_822, %get3A_823] : memref<1x12x64xf32, #tpu.memory_space<vmem>>, vector<1x1x64xf32>
    %get3A_825 = vector.shape_cast %get3A_824 : vector<1x1x64xf32> to vector<64xf32>
    %broadcast_in_dim3A_826 = vector.shape_cast %get3A_825 : vector<64xf32> to vector<1x64xf32>
    %add3A_827 = vector.broadcast %broadcast_in_dim3A_826 : vector<1x64xf32> to vector<384x64xf32>
    %add3A_828 = arith.addf %mul3A_820, %add3A_827 : vector<384x64xf32>
    %tanh3A_829 = math.tanh %add3A_828 : vector<384x64xf32>
    %convert_element_type3A_830 = arith.truncf %tanh3A_829 : vector<384x64xf32> to vector<384x64xbf16>
    %get3A_831 = arith.constant 0 : index
    %get3A_832 = arith.constant 7 : index
    %get3A_833 = arith.constant 0 : index
    %get3A_834 = arith.constant 0 : index
    %get3A_835 = vector.load %arg7[%get3A_831, %get3A_832, %get3A_833, %get3A_834] : memref<1x12x64x64xbf16, #tpu.memory_space<vmem>>, vector<1x1x64x64xbf16>
    %get3A_836 = vector.shape_cast %get3A_835 : vector<1x1x64x64xbf16> to vector<64x64xbf16>
    %dot_general3A_837 = arith.constant dense<0.000000e+00> : vector<384x64xf32>
    %dot_general3A_838 = tpu.matmul %convert_element_type3A_830, %get3A_836, %dot_general3A_837 {dimension_numbers = #tpu.dot_dimension_numbers<[1], [0], [0], [1], [0, 0, 1, 1], [], []>, transpose_lhs_hint = false} : vector<384x64xbf16>, vector<64x64xbf16>, vector<384x64xf32> -> vector<384x64xf32>
    %get3A_839 = arith.constant 0 : index
    %get3A_840 = arith.constant 7 : index
    %get3A_841 = arith.constant 0 : index
    %get3A_842 = vector.load %arg8[%get3A_839, %get3A_840, %get3A_841] : memref<1x12x64xf32, #tpu.memory_space<vmem>>, vector<1x1x64xf32>
    %get3A_843 = vector.shape_cast %get3A_842 : vector<1x1x64xf32> to vector<64xf32>
    %broadcast_in_dim3A_844 = vector.shape_cast %get3A_843 : vector<64xf32> to vector<1x64xf32>
    %add3A_845 = vector.broadcast %broadcast_in_dim3A_844 : vector<1x64xf32> to vector<384x64xf32>
    %add3A_846 = arith.addf %dot_general3A_838, %add3A_845 : vector<384x64xf32>
    %tanh3A_847 = math.tanh %add3A_846 : vector<384x64xf32>
    %get3A_848 = arith.constant 0 : index
    %get3A_849 = arith.constant 7 : index
    %get3A_850 = arith.constant 0 : index
    %get3A_851 = arith.constant 0 : index
    %get3A_852 = vector.load %arg9[%get3A_848, %get3A_849, %get3A_850, %get3A_851] : memref<1x12x64x2xf32, #tpu.memory_space<vmem>>, vector<1x1x64x1xf32>
    %get3A_853 = vector.shape_cast %get3A_852 : vector<1x1x64x1xf32> to vector<64x1xf32>
    %dot_general3A_854 = arith.constant dense<0.000000e+00> : vector<384x1xf32>
    %dot_general3A_855 = tpu.matmul %tanh3A_847, %get3A_853, %dot_general3A_854 {dimension_numbers = #tpu.dot_dimension_numbers<[1], [0], [0], [1], [0, 0, 1, 1], [], []>, transpose_lhs_hint = false} : vector<384x64xf32>, vector<64x1xf32>, vector<384x1xf32> -> vector<384x1xf32>
    %get3A_856 = arith.constant 0 : index
    %get3A_857 = arith.constant 7 : index
    %get3A_858 = arith.constant 0 : index
    %get3A_859 = vector.load %arg10[%get3A_856, %get3A_857, %get3A_858] : memref<1x12x2xf32, #tpu.memory_space<vmem>>, vector<1x1x1xf32>
    %get3A_860 = vector.extract %get3A_859[0, 0, 0] : f32 from vector<1x1x1xf32>
    %add3A_861 = vector.broadcast %get3A_860 : f32 to vector<384x1xf32>
    %add3A_862 = arith.addf %dot_general3A_855, %add3A_861 : vector<384x1xf32>
    %sub3A_863 = arith.subf %mul3A_372, %add3A_862 : vector<384x1xf32>
    %neg3A_864 = arith.constant 0.000000e+00 : f32
    %neg3A_865 = vector.broadcast %neg3A_864 : f32 to vector<384x1xf32>
    %neg3A_866 = arith.subf %neg3A_865, %tanh3A_810 : vector<384x1xf32>
    %exp3A_867 = math.exp %neg3A_866 : vector<384x1xf32>
    %mul3A_868 = arith.mulf %sub3A_863, %exp3A_867 : vector<384x1xf32>
    %sub3A_869 = arith.subf %sub3A_621, %tanh3A_810 : vector<384x1xf32>
    %slice3A_870 = vector.extract_strided_slice %get3A_6 {offsets = [3, 0], sizes = [1, 5], strides = [1, 1]} : vector<8x5xf32> to vector<1x5xf32>
    %squeeze3A_871 = vector.shape_cast %slice3A_870 : vector<1x5xf32> to vector<5xf32>
    %broadcast_in_dim3A_872 = vector.shape_cast %squeeze3A_871 : vector<5xf32> to vector<1x5xf32>
    %mul3A_873 = vector.broadcast %broadcast_in_dim3A_872 : vector<1x5xf32> to vector<384x5xf32>
    %mul3A_874 = arith.mulf %add3A_754, %mul3A_873 : vector<384x5xf32>
    %get3A_875 = arith.constant 0 : index
    %get3A_876 = arith.constant 6 : index
    %get3A_877 = arith.constant 0 : index
    %get3A_878 = arith.constant 0 : index
    %get3A_879 = vector.load %arg11[%get3A_875, %get3A_876, %get3A_877, %get3A_878] : memref<1x12x5x64xf32, #tpu.memory_space<vmem>>, vector<1x1x5x64xf32>
    %get3A_880 = vector.shape_cast %get3A_879 : vector<1x1x5x64xf32> to vector<5x64xf32>
    %dot_general3A_881 = arith.constant dense<0.000000e+00> : vector<384x64xf32>
    %dot_general3A_882 = tpu.matmul %mul3A_874, %get3A_880, %dot_general3A_881 {dimension_numbers = #tpu.dot_dimension_numbers<[1], [0], [0], [1], [0, 0, 1, 1], [], []>, transpose_lhs_hint = false} : vector<384x5xf32>, vector<5x64xf32>, vector<384x64xf32> -> vector<384x64xf32>
    %get3A_883 = arith.constant 0 : index
    %get3A_884 = arith.constant 6 : index
    %get3A_885 = arith.constant 0 : index
    %get3A_886 = vector.load %arg12[%get3A_883, %get3A_884, %get3A_885] : memref<1x12x64xf32, #tpu.memory_space<vmem>>, vector<1x1x64xf32>
    %get3A_887 = vector.shape_cast %get3A_886 : vector<1x1x64xf32> to vector<64xf32>
    %broadcast_in_dim3A_888 = vector.shape_cast %get3A_887 : vector<64xf32> to vector<1x64xf32>
    %add3A_889 = vector.broadcast %broadcast_in_dim3A_888 : vector<1x64xf32> to vector<384x64xf32>
    %add3A_890 = arith.addf %dot_general3A_882, %add3A_889 : vector<384x64xf32>
    %tanh3A_891 = math.tanh %add3A_890 : vector<384x64xf32>
    %convert_element_type3A_892 = arith.truncf %tanh3A_891 : vector<384x64xf32> to vector<384x64xbf16>
    %get3A_893 = arith.constant 0 : index
    %get3A_894 = arith.constant 6 : index
    %get3A_895 = arith.constant 0 : index
    %get3A_896 = arith.constant 0 : index
    %get3A_897 = vector.load %arg13[%get3A_893, %get3A_894, %get3A_895, %get3A_896] : memref<1x12x64x64xbf16, #tpu.memory_space<vmem>>, vector<1x1x64x64xbf16>
    %get3A_898 = vector.shape_cast %get3A_897 : vector<1x1x64x64xbf16> to vector<64x64xbf16>
    %dot_general3A_899 = arith.constant dense<0.000000e+00> : vector<384x64xf32>
    %dot_general3A_900 = tpu.matmul %convert_element_type3A_892, %get3A_898, %dot_general3A_899 {dimension_numbers = #tpu.dot_dimension_numbers<[1], [0], [0], [1], [0, 0, 1, 1], [], []>, transpose_lhs_hint = false} : vector<384x64xbf16>, vector<64x64xbf16>, vector<384x64xf32> -> vector<384x64xf32>
    %get3A_901 = arith.constant 0 : index
    %get3A_902 = arith.constant 6 : index
    %get3A_903 = arith.constant 0 : index
    %get3A_904 = vector.load %arg14[%get3A_901, %get3A_902, %get3A_903] : memref<1x12x64xf32, #tpu.memory_space<vmem>>, vector<1x1x64xf32>
    %get3A_905 = vector.shape_cast %get3A_904 : vector<1x1x64xf32> to vector<64xf32>
    %broadcast_in_dim3A_906 = vector.shape_cast %get3A_905 : vector<64xf32> to vector<1x64xf32>
    %add3A_907 = vector.broadcast %broadcast_in_dim3A_906 : vector<1x64xf32> to vector<384x64xf32>
    %add3A_908 = arith.addf %dot_general3A_900, %add3A_907 : vector<384x64xf32>
    %tanh3A_909 = math.tanh %add3A_908 : vector<384x64xf32>
    %get3A_910 = arith.constant 0 : index
    %get3A_911 = arith.constant 6 : index
    %get3A_912 = arith.constant 0 : index
    %get3A_913 = arith.constant 0 : index
    %get3A_914 = vector.load %arg15[%get3A_910, %get3A_911, %get3A_912, %get3A_913] : memref<1x12x64x5xf32, #tpu.memory_space<vmem>>, vector<1x1x64x5xf32>
    %get3A_915 = vector.shape_cast %get3A_914 : vector<1x1x64x5xf32> to vector<64x5xf32>
    %dot_general3A_916 = arith.constant dense<0.000000e+00> : vector<384x5xf32>
    %dot_general3A_917 = tpu.matmul %tanh3A_909, %get3A_915, %dot_general3A_916 {dimension_numbers = #tpu.dot_dimension_numbers<[1], [0], [0], [1], [0, 0, 1, 1], [], []>, transpose_lhs_hint = false} : vector<384x64xf32>, vector<64x5xf32>, vector<384x5xf32> -> vector<384x5xf32>
    %get3A_918 = arith.constant 0 : index
    %get3A_919 = arith.constant 6 : index
    %get3A_920 = arith.constant 0 : index
    %get3A_921 = vector.load %arg16[%get3A_918, %get3A_919, %get3A_920] : memref<1x12x5xf32, #tpu.memory_space<vmem>>, vector<1x1x5xf32>
    %get3A_922 = vector.shape_cast %get3A_921 : vector<1x1x5xf32> to vector<5xf32>
    %broadcast_in_dim3A_923 = vector.shape_cast %get3A_922 : vector<5xf32> to vector<1x5xf32>
    %add3A_924 = vector.broadcast %broadcast_in_dim3A_923 : vector<1x5xf32> to vector<384x5xf32>
    %add3A_925 = arith.addf %dot_general3A_917, %add3A_924 : vector<384x5xf32>
    %tanh3A_926 = math.tanh %add3A_925 : vector<384x5xf32>
    %sub3A_927 = arith.constant 1.000000e+00 : f32
    %sub3A_928 = vector.broadcast %sub3A_927 : f32 to vector<5xf32>
    %sub3A_929 = arith.subf %sub3A_928, %squeeze3A_871 : vector<5xf32>
    %broadcast_in_dim3A_930 = vector.shape_cast %sub3A_929 : vector<5xf32> to vector<1x5xf32>
    %mul3A_931 = vector.broadcast %broadcast_in_dim3A_930 : vector<1x5xf32> to vector<384x5xf32>
    %mul3A_932 = arith.mulf %tanh3A_926, %mul3A_931 : vector<384x5xf32>
    %get3A_933 = arith.constant 0 : index
    %get3A_934 = arith.constant 7 : index
    %get3A_935 = arith.constant 0 : index
    %get3A_936 = arith.constant 0 : index
    %get3A_937 = vector.load %arg11[%get3A_933, %get3A_934, %get3A_935, %get3A_936] : memref<1x12x5x64xf32, #tpu.memory_space<vmem>>, vector<1x1x5x64xf32>
    %get3A_938 = vector.shape_cast %get3A_937 : vector<1x1x5x64xf32> to vector<5x64xf32>
    %dot_general3A_939 = arith.constant dense<0.000000e+00> : vector<384x64xf32>
    %dot_general3A_940 = tpu.matmul %mul3A_874, %get3A_938, %dot_general3A_939 {dimension_numbers = #tpu.dot_dimension_numbers<[1], [0], [0], [1], [0, 0, 1, 1], [], []>, transpose_lhs_hint = false} : vector<384x5xf32>, vector<5x64xf32>, vector<384x64xf32> -> vector<384x64xf32>
    %get3A_941 = arith.constant 0 : index
    %get3A_942 = arith.constant 7 : index
    %get3A_943 = arith.constant 0 : index
    %get3A_944 = vector.load %arg12[%get3A_941, %get3A_942, %get3A_943] : memref<1x12x64xf32, #tpu.memory_space<vmem>>, vector<1x1x64xf32>
    %get3A_945 = vector.shape_cast %get3A_944 : vector<1x1x64xf32> to vector<64xf32>
    %broadcast_in_dim3A_946 = vector.shape_cast %get3A_945 : vector<64xf32> to vector<1x64xf32>
    %add3A_947 = vector.broadcast %broadcast_in_dim3A_946 : vector<1x64xf32> to vector<384x64xf32>
    %add3A_948 = arith.addf %dot_general3A_940, %add3A_947 : vector<384x64xf32>
    %tanh3A_949 = math.tanh %add3A_948 : vector<384x64xf32>
    %convert_element_type3A_950 = arith.truncf %tanh3A_949 : vector<384x64xf32> to vector<384x64xbf16>
    %get3A_951 = arith.constant 0 : index
    %get3A_952 = arith.constant 7 : index
    %get3A_953 = arith.constant 0 : index
    %get3A_954 = arith.constant 0 : index
    %get3A_955 = vector.load %arg13[%get3A_951, %get3A_952, %get3A_953, %get3A_954] : memref<1x12x64x64xbf16, #tpu.memory_space<vmem>>, vector<1x1x64x64xbf16>
    %get3A_956 = vector.shape_cast %get3A_955 : vector<1x1x64x64xbf16> to vector<64x64xbf16>
    %dot_general3A_957 = arith.constant dense<0.000000e+00> : vector<384x64xf32>
    %dot_general3A_958 = tpu.matmul %convert_element_type3A_950, %get3A_956, %dot_general3A_957 {dimension_numbers = #tpu.dot_dimension_numbers<[1], [0], [0], [1], [0, 0, 1, 1], [], []>, transpose_lhs_hint = false} : vector<384x64xbf16>, vector<64x64xbf16>, vector<384x64xf32> -> vector<384x64xf32>
    %get3A_959 = arith.constant 0 : index
    %get3A_960 = arith.constant 7 : index
    %get3A_961 = arith.constant 0 : index
    %get3A_962 = vector.load %arg14[%get3A_959, %get3A_960, %get3A_961] : memref<1x12x64xf32, #tpu.memory_space<vmem>>, vector<1x1x64xf32>
    %get3A_963 = vector.shape_cast %get3A_962 : vector<1x1x64xf32> to vector<64xf32>
    %broadcast_in_dim3A_964 = vector.shape_cast %get3A_963 : vector<64xf32> to vector<1x64xf32>
    %add3A_965 = vector.broadcast %broadcast_in_dim3A_964 : vector<1x64xf32> to vector<384x64xf32>
    %add3A_966 = arith.addf %dot_general3A_958, %add3A_965 : vector<384x64xf32>
    %tanh3A_967 = math.tanh %add3A_966 : vector<384x64xf32>
    %get3A_968 = arith.constant 0 : index
    %get3A_969 = arith.constant 7 : index
    %get3A_970 = arith.constant 0 : index
    %get3A_971 = arith.constant 0 : index
    %get3A_972 = vector.load %arg15[%get3A_968, %get3A_969, %get3A_970, %get3A_971] : memref<1x12x64x5xf32, #tpu.memory_space<vmem>>, vector<1x1x64x5xf32>
    %get3A_973 = vector.shape_cast %get3A_972 : vector<1x1x64x5xf32> to vector<64x5xf32>
    %dot_general3A_974 = arith.constant dense<0.000000e+00> : vector<384x5xf32>
    %dot_general3A_975 = tpu.matmul %tanh3A_967, %get3A_973, %dot_general3A_974 {dimension_numbers = #tpu.dot_dimension_numbers<[1], [0], [0], [1], [0, 0, 1, 1], [], []>, transpose_lhs_hint = false} : vector<384x64xf32>, vector<64x5xf32>, vector<384x5xf32> -> vector<384x5xf32>
    %get3A_976 = arith.constant 0 : index
    %get3A_977 = arith.constant 7 : index
    %get3A_978 = arith.constant 0 : index
    %get3A_979 = vector.load %arg16[%get3A_976, %get3A_977, %get3A_978] : memref<1x12x5xf32, #tpu.memory_space<vmem>>, vector<1x1x5xf32>
    %get3A_980 = vector.shape_cast %get3A_979 : vector<1x1x5xf32> to vector<5xf32>
    %broadcast_in_dim3A_981 = vector.shape_cast %get3A_980 : vector<5xf32> to vector<1x5xf32>
    %add3A_982 = vector.broadcast %broadcast_in_dim3A_981 : vector<1x5xf32> to vector<384x5xf32>
    %add3A_983 = arith.addf %dot_general3A_975, %add3A_982 : vector<384x5xf32>
    %sub3A_984 = arith.constant 1.000000e+00 : f32
    %sub3A_985 = vector.broadcast %sub3A_984 : f32 to vector<5xf32>
    %sub3A_986 = arith.subf %sub3A_985, %squeeze3A_871 : vector<5xf32>
    %broadcast_in_dim3A_987 = vector.shape_cast %sub3A_986 : vector<5xf32> to vector<1x5xf32>
    %mul3A_988 = vector.broadcast %broadcast_in_dim3A_987 : vector<1x5xf32> to vector<384x5xf32>
    %mul3A_989 = arith.mulf %add3A_983, %mul3A_988 : vector<384x5xf32>
    %sub3A_990 = arith.constant 1.000000e+00 : f32
    %sub3A_991 = vector.broadcast %sub3A_990 : f32 to vector<5xf32>
    %sub3A_992 = arith.subf %sub3A_991, %squeeze3A_871 : vector<5xf32>
    %broadcast_in_dim3A_993 = vector.shape_cast %sub3A_992 : vector<5xf32> to vector<1x5xf32>
    %sub3A_994 = arith.subf %add3A_754, %mul3A_989 : vector<384x5xf32>
    %mul3A_995 = vector.broadcast %broadcast_in_dim3A_993 : vector<1x5xf32> to vector<384x5xf32>
    %mul3A_996 = arith.mulf %mul3A_995, %sub3A_994 : vector<384x5xf32>
    %neg3A_997 = arith.constant 0.000000e+00 : f32
    %neg3A_998 = vector.broadcast %neg3A_997 : f32 to vector<384x5xf32>
    %neg3A_999 = arith.subf %neg3A_998, %mul3A_932 : vector<384x5xf32>
    %exp3A_1000 = math.exp %neg3A_999 : vector<384x5xf32>
    %mul3A_1001 = arith.mulf %mul3A_996, %exp3A_1000 : vector<384x5xf32>
    %add3A_1002 = arith.addf %mul3A_874, %mul3A_1001 : vector<384x5xf32>
    %reduce_sum3A_1003 = arith.constant dense<0.000000e+00> : vector<384xf32>
    %reduce_sum3A_1004 = vector.multi_reduction <add>, %mul3A_932, %reduce_sum3A_1003 [1] : vector<384x5xf32> to vector<384xf32>
    %sub3A_1005 = arith.subf %sub3A_757, %reduce_sum3A_1004 : vector<384xf32>
    %get3A_1006 = arith.constant 0 : index
    %get3A_1007 = arith.constant 8 : index
    %get3A_1008 = arith.constant 0 : index
    %get3A_1009 = arith.constant 0 : index
    %get3A_1010 = vector.load %arg5[%get3A_1006, %get3A_1007, %get3A_1008, %get3A_1009] : memref<1x12x2x64xf32, #tpu.memory_space<vmem>>, vector<1x1x1x64xf32>
    %get3A_1011 = vector.shape_cast %get3A_1010 : vector<1x1x1x64xf32> to vector<64xf32>
    %broadcast_in_dim3A_1012 = vector.shape_cast %get3A_1011 : vector<64xf32> to vector<1x64xf32>
    %mul3A_1013 = vector.broadcast %mul3A_868 : vector<384x1xf32> to vector<384x64xf32>
    %mul3A_1014 = vector.broadcast %broadcast_in_dim3A_1012 : vector<1x64xf32> to vector<384x64xf32>
    %mul3A_1015 = arith.mulf %mul3A_1013, %mul3A_1014 : vector<384x64xf32>
    %get3A_1016 = arith.constant 0 : index
    %get3A_1017 = arith.constant 8 : index
    %get3A_1018 = arith.constant 0 : index
    %get3A_1019 = vector.load %arg6[%get3A_1016, %get3A_1017, %get3A_1018] : memref<1x12x64xf32, #tpu.memory_space<vmem>>, vector<1x1x64xf32>
    %get3A_1020 = vector.shape_cast %get3A_1019 : vector<1x1x64xf32> to vector<64xf32>
    %broadcast_in_dim3A_1021 = vector.shape_cast %get3A_1020 : vector<64xf32> to vector<1x64xf32>
    %add3A_1022 = vector.broadcast %broadcast_in_dim3A_1021 : vector<1x64xf32> to vector<384x64xf32>
    %add3A_1023 = arith.addf %mul3A_1015, %add3A_1022 : vector<384x64xf32>
    %tanh3A_1024 = math.tanh %add3A_1023 : vector<384x64xf32>
    %convert_element_type3A_1025 = arith.truncf %tanh3A_1024 : vector<384x64xf32> to vector<384x64xbf16>
    %get3A_1026 = arith.constant 0 : index
    %get3A_1027 = arith.constant 8 : index
    %get3A_1028 = arith.constant 0 : index
    %get3A_1029 = arith.constant 0 : index
    %get3A_1030 = vector.load %arg7[%get3A_1026, %get3A_1027, %get3A_1028, %get3A_1029] : memref<1x12x64x64xbf16, #tpu.memory_space<vmem>>, vector<1x1x64x64xbf16>
    %get3A_1031 = vector.shape_cast %get3A_1030 : vector<1x1x64x64xbf16> to vector<64x64xbf16>
    %dot_general3A_1032 = arith.constant dense<0.000000e+00> : vector<384x64xf32>
    %dot_general3A_1033 = tpu.matmul %convert_element_type3A_1025, %get3A_1031, %dot_general3A_1032 {dimension_numbers = #tpu.dot_dimension_numbers<[1], [0], [0], [1], [0, 0, 1, 1], [], []>, transpose_lhs_hint = false} : vector<384x64xbf16>, vector<64x64xbf16>, vector<384x64xf32> -> vector<384x64xf32>
    %get3A_1034 = arith.constant 0 : index
    %get3A_1035 = arith.constant 8 : index
    %get3A_1036 = arith.constant 0 : index
    %get3A_1037 = vector.load %arg8[%get3A_1034, %get3A_1035, %get3A_1036] : memref<1x12x64xf32, #tpu.memory_space<vmem>>, vector<1x1x64xf32>
    %get3A_1038 = vector.shape_cast %get3A_1037 : vector<1x1x64xf32> to vector<64xf32>
    %broadcast_in_dim3A_1039 = vector.shape_cast %get3A_1038 : vector<64xf32> to vector<1x64xf32>
    %add3A_1040 = vector.broadcast %broadcast_in_dim3A_1039 : vector<1x64xf32> to vector<384x64xf32>
    %add3A_1041 = arith.addf %dot_general3A_1033, %add3A_1040 : vector<384x64xf32>
    %tanh3A_1042 = math.tanh %add3A_1041 : vector<384x64xf32>
    %get3A_1043 = arith.constant 0 : index
    %get3A_1044 = arith.constant 8 : index
    %get3A_1045 = arith.constant 0 : index
    %get3A_1046 = arith.constant 1 : index
    %get3A_1047 = vector.load %arg9[%get3A_1043, %get3A_1044, %get3A_1045, %get3A_1046] : memref<1x12x64x2xf32, #tpu.memory_space<vmem>>, vector<1x1x64x1xf32>
    %get3A_1048 = vector.shape_cast %get3A_1047 : vector<1x1x64x1xf32> to vector<64x1xf32>
    %dot_general3A_1049 = arith.constant dense<0.000000e+00> : vector<384x1xf32>
    %dot_general3A_1050 = tpu.matmul %tanh3A_1042, %get3A_1048, %dot_general3A_1049 {dimension_numbers = #tpu.dot_dimension_numbers<[1], [0], [0], [1], [0, 0, 1, 1], [], []>, transpose_lhs_hint = false} : vector<384x64xf32>, vector<64x1xf32>, vector<384x1xf32> -> vector<384x1xf32>
    %get3A_1051 = arith.constant 0 : index
    %get3A_1052 = arith.constant 8 : index
    %get3A_1053 = arith.constant 1 : index
    %get3A_1054 = vector.load %arg10[%get3A_1051, %get3A_1052, %get3A_1053] : memref<1x12x2xf32, #tpu.memory_space<vmem>>, vector<1x1x1xf32>
    %get3A_1055 = vector.extract %get3A_1054[0, 0, 0] : f32 from vector<1x1x1xf32>
    %add3A_1056 = vector.broadcast %get3A_1055 : f32 to vector<384x1xf32>
    %add3A_1057 = arith.addf %dot_general3A_1050, %add3A_1056 : vector<384x1xf32>
    %tanh3A_1058 = math.tanh %add3A_1057 : vector<384x1xf32>
    %get3A_1059 = arith.constant 0 : index
    %get3A_1060 = arith.constant 9 : index
    %get3A_1061 = arith.constant 0 : index
    %get3A_1062 = arith.constant 0 : index
    %get3A_1063 = vector.load %arg5[%get3A_1059, %get3A_1060, %get3A_1061, %get3A_1062] : memref<1x12x2x64xf32, #tpu.memory_space<vmem>>, vector<1x1x1x64xf32>
    %get3A_1064 = vector.shape_cast %get3A_1063 : vector<1x1x1x64xf32> to vector<64xf32>
    %broadcast_in_dim3A_1065 = vector.shape_cast %get3A_1064 : vector<64xf32> to vector<1x64xf32>
    %mul3A_1066 = vector.broadcast %mul3A_868 : vector<384x1xf32> to vector<384x64xf32>
    %mul3A_1067 = vector.broadcast %broadcast_in_dim3A_1065 : vector<1x64xf32> to vector<384x64xf32>
    %mul3A_1068 = arith.mulf %mul3A_1066, %mul3A_1067 : vector<384x64xf32>
    %get3A_1069 = arith.constant 0 : index
    %get3A_1070 = arith.constant 9 : index
    %get3A_1071 = arith.constant 0 : index
    %get3A_1072 = vector.load %arg6[%get3A_1069, %get3A_1070, %get3A_1071] : memref<1x12x64xf32, #tpu.memory_space<vmem>>, vector<1x1x64xf32>
    %get3A_1073 = vector.shape_cast %get3A_1072 : vector<1x1x64xf32> to vector<64xf32>
    %broadcast_in_dim3A_1074 = vector.shape_cast %get3A_1073 : vector<64xf32> to vector<1x64xf32>
    %add3A_1075 = vector.broadcast %broadcast_in_dim3A_1074 : vector<1x64xf32> to vector<384x64xf32>
    %add3A_1076 = arith.addf %mul3A_1068, %add3A_1075 : vector<384x64xf32>
    %tanh3A_1077 = math.tanh %add3A_1076 : vector<384x64xf32>
    %convert_element_type3A_1078 = arith.truncf %tanh3A_1077 : vector<384x64xf32> to vector<384x64xbf16>
    %get3A_1079 = arith.constant 0 : index
    %get3A_1080 = arith.constant 9 : index
    %get3A_1081 = arith.constant 0 : index
    %get3A_1082 = arith.constant 0 : index
    %get3A_1083 = vector.load %arg7[%get3A_1079, %get3A_1080, %get3A_1081, %get3A_1082] : memref<1x12x64x64xbf16, #tpu.memory_space<vmem>>, vector<1x1x64x64xbf16>
    %get3A_1084 = vector.shape_cast %get3A_1083 : vector<1x1x64x64xbf16> to vector<64x64xbf16>
    %dot_general3A_1085 = arith.constant dense<0.000000e+00> : vector<384x64xf32>
    %dot_general3A_1086 = tpu.matmul %convert_element_type3A_1078, %get3A_1084, %dot_general3A_1085 {dimension_numbers = #tpu.dot_dimension_numbers<[1], [0], [0], [1], [0, 0, 1, 1], [], []>, transpose_lhs_hint = false} : vector<384x64xbf16>, vector<64x64xbf16>, vector<384x64xf32> -> vector<384x64xf32>
    %get3A_1087 = arith.constant 0 : index
    %get3A_1088 = arith.constant 9 : index
    %get3A_1089 = arith.constant 0 : index
    %get3A_1090 = vector.load %arg8[%get3A_1087, %get3A_1088, %get3A_1089] : memref<1x12x64xf32, #tpu.memory_space<vmem>>, vector<1x1x64xf32>
    %get3A_1091 = vector.shape_cast %get3A_1090 : vector<1x1x64xf32> to vector<64xf32>
    %broadcast_in_dim3A_1092 = vector.shape_cast %get3A_1091 : vector<64xf32> to vector<1x64xf32>
    %add3A_1093 = vector.broadcast %broadcast_in_dim3A_1092 : vector<1x64xf32> to vector<384x64xf32>
    %add3A_1094 = arith.addf %dot_general3A_1086, %add3A_1093 : vector<384x64xf32>
    %tanh3A_1095 = math.tanh %add3A_1094 : vector<384x64xf32>
    %get3A_1096 = arith.constant 0 : index
    %get3A_1097 = arith.constant 9 : index
    %get3A_1098 = arith.constant 0 : index
    %get3A_1099 = arith.constant 1 : index
    %get3A_1100 = vector.load %arg9[%get3A_1096, %get3A_1097, %get3A_1098, %get3A_1099] : memref<1x12x64x2xf32, #tpu.memory_space<vmem>>, vector<1x1x64x1xf32>
    %get3A_1101 = vector.shape_cast %get3A_1100 : vector<1x1x64x1xf32> to vector<64x1xf32>
    %dot_general3A_1102 = arith.constant dense<0.000000e+00> : vector<384x1xf32>
    %dot_general3A_1103 = tpu.matmul %tanh3A_1095, %get3A_1101, %dot_general3A_1102 {dimension_numbers = #tpu.dot_dimension_numbers<[1], [0], [0], [1], [0, 0, 1, 1], [], []>, transpose_lhs_hint = false} : vector<384x64xf32>, vector<64x1xf32>, vector<384x1xf32> -> vector<384x1xf32>
    %get3A_1104 = arith.constant 0 : index
    %get3A_1105 = arith.constant 9 : index
    %get3A_1106 = arith.constant 1 : index
    %get3A_1107 = vector.load %arg10[%get3A_1104, %get3A_1105, %get3A_1106] : memref<1x12x2xf32, #tpu.memory_space<vmem>>, vector<1x1x1xf32>
    %get3A_1108 = vector.extract %get3A_1107[0, 0, 0] : f32 from vector<1x1x1xf32>
    %add3A_1109 = vector.broadcast %get3A_1108 : f32 to vector<384x1xf32>
    %add3A_1110 = arith.addf %dot_general3A_1103, %add3A_1109 : vector<384x1xf32>
    %sub3A_1111 = arith.subf %mul3A_620, %add3A_1110 : vector<384x1xf32>
    %neg3A_1112 = arith.constant 0.000000e+00 : f32
    %neg3A_1113 = vector.broadcast %neg3A_1112 : f32 to vector<384x1xf32>
    %neg3A_1114 = arith.subf %neg3A_1113, %tanh3A_1058 : vector<384x1xf32>
    %exp3A_1115 = math.exp %neg3A_1114 : vector<384x1xf32>
    %mul3A_1116 = arith.mulf %sub3A_1111, %exp3A_1115 : vector<384x1xf32>
    %sub3A_1117 = arith.subf %sub3A_869, %tanh3A_1058 : vector<384x1xf32>
    %slice3A_1118 = vector.extract_strided_slice %get3A_6 {offsets = [4, 0], sizes = [1, 5], strides = [1, 1]} : vector<8x5xf32> to vector<1x5xf32>
    %squeeze3A_1119 = vector.shape_cast %slice3A_1118 : vector<1x5xf32> to vector<5xf32>
    %broadcast_in_dim3A_1120 = vector.shape_cast %squeeze3A_1119 : vector<5xf32> to vector<1x5xf32>
    %mul3A_1121 = vector.broadcast %broadcast_in_dim3A_1120 : vector<1x5xf32> to vector<384x5xf32>
    %mul3A_1122 = arith.mulf %add3A_1002, %mul3A_1121 : vector<384x5xf32>
    %get3A_1123 = arith.constant 0 : index
    %get3A_1124 = arith.constant 8 : index
    %get3A_1125 = arith.constant 0 : index
    %get3A_1126 = arith.constant 0 : index
    %get3A_1127 = vector.load %arg11[%get3A_1123, %get3A_1124, %get3A_1125, %get3A_1126] : memref<1x12x5x64xf32, #tpu.memory_space<vmem>>, vector<1x1x5x64xf32>
    %get3A_1128 = vector.shape_cast %get3A_1127 : vector<1x1x5x64xf32> to vector<5x64xf32>
    %dot_general3A_1129 = arith.constant dense<0.000000e+00> : vector<384x64xf32>
    %dot_general3A_1130 = tpu.matmul %mul3A_1122, %get3A_1128, %dot_general3A_1129 {dimension_numbers = #tpu.dot_dimension_numbers<[1], [0], [0], [1], [0, 0, 1, 1], [], []>, transpose_lhs_hint = false} : vector<384x5xf32>, vector<5x64xf32>, vector<384x64xf32> -> vector<384x64xf32>
    %get3A_1131 = arith.constant 0 : index
    %get3A_1132 = arith.constant 8 : index
    %get3A_1133 = arith.constant 0 : index
    %get3A_1134 = vector.load %arg12[%get3A_1131, %get3A_1132, %get3A_1133] : memref<1x12x64xf32, #tpu.memory_space<vmem>>, vector<1x1x64xf32>
    %get3A_1135 = vector.shape_cast %get3A_1134 : vector<1x1x64xf32> to vector<64xf32>
    %broadcast_in_dim3A_1136 = vector.shape_cast %get3A_1135 : vector<64xf32> to vector<1x64xf32>
    %add3A_1137 = vector.broadcast %broadcast_in_dim3A_1136 : vector<1x64xf32> to vector<384x64xf32>
    %add3A_1138 = arith.addf %dot_general3A_1130, %add3A_1137 : vector<384x64xf32>
    %tanh3A_1139 = math.tanh %add3A_1138 : vector<384x64xf32>
    %convert_element_type3A_1140 = arith.truncf %tanh3A_1139 : vector<384x64xf32> to vector<384x64xbf16>
    %get3A_1141 = arith.constant 0 : index
    %get3A_1142 = arith.constant 8 : index
    %get3A_1143 = arith.constant 0 : index
    %get3A_1144 = arith.constant 0 : index
    %get3A_1145 = vector.load %arg13[%get3A_1141, %get3A_1142, %get3A_1143, %get3A_1144] : memref<1x12x64x64xbf16, #tpu.memory_space<vmem>>, vector<1x1x64x64xbf16>
    %get3A_1146 = vector.shape_cast %get3A_1145 : vector<1x1x64x64xbf16> to vector<64x64xbf16>
    %dot_general3A_1147 = arith.constant dense<0.000000e+00> : vector<384x64xf32>
    %dot_general3A_1148 = tpu.matmul %convert_element_type3A_1140, %get3A_1146, %dot_general3A_1147 {dimension_numbers = #tpu.dot_dimension_numbers<[1], [0], [0], [1], [0, 0, 1, 1], [], []>, transpose_lhs_hint = false} : vector<384x64xbf16>, vector<64x64xbf16>, vector<384x64xf32> -> vector<384x64xf32>
    %get3A_1149 = arith.constant 0 : index
    %get3A_1150 = arith.constant 8 : index
    %get3A_1151 = arith.constant 0 : index
    %get3A_1152 = vector.load %arg14[%get3A_1149, %get3A_1150, %get3A_1151] : memref<1x12x64xf32, #tpu.memory_space<vmem>>, vector<1x1x64xf32>
    %get3A_1153 = vector.shape_cast %get3A_1152 : vector<1x1x64xf32> to vector<64xf32>
    %broadcast_in_dim3A_1154 = vector.shape_cast %get3A_1153 : vector<64xf32> to vector<1x64xf32>
    %add3A_1155 = vector.broadcast %broadcast_in_dim3A_1154 : vector<1x64xf32> to vector<384x64xf32>
    %add3A_1156 = arith.addf %dot_general3A_1148, %add3A_1155 : vector<384x64xf32>
    %tanh3A_1157 = math.tanh %add3A_1156 : vector<384x64xf32>
    %get3A_1158 = arith.constant 0 : index
    %get3A_1159 = arith.constant 8 : index
    %get3A_1160 = arith.constant 0 : index
    %get3A_1161 = arith.constant 0 : index
    %get3A_1162 = vector.load %arg15[%get3A_1158, %get3A_1159, %get3A_1160, %get3A_1161] : memref<1x12x64x5xf32, #tpu.memory_space<vmem>>, vector<1x1x64x5xf32>
    %get3A_1163 = vector.shape_cast %get3A_1162 : vector<1x1x64x5xf32> to vector<64x5xf32>
    %dot_general3A_1164 = arith.constant dense<0.000000e+00> : vector<384x5xf32>
    %dot_general3A_1165 = tpu.matmul %tanh3A_1157, %get3A_1163, %dot_general3A_1164 {dimension_numbers = #tpu.dot_dimension_numbers<[1], [0], [0], [1], [0, 0, 1, 1], [], []>, transpose_lhs_hint = false} : vector<384x64xf32>, vector<64x5xf32>, vector<384x5xf32> -> vector<384x5xf32>
    %get3A_1166 = arith.constant 0 : index
    %get3A_1167 = arith.constant 8 : index
    %get3A_1168 = arith.constant 0 : index
    %get3A_1169 = vector.load %arg16[%get3A_1166, %get3A_1167, %get3A_1168] : memref<1x12x5xf32, #tpu.memory_space<vmem>>, vector<1x1x5xf32>
    %get3A_1170 = vector.shape_cast %get3A_1169 : vector<1x1x5xf32> to vector<5xf32>
    %broadcast_in_dim3A_1171 = vector.shape_cast %get3A_1170 : vector<5xf32> to vector<1x5xf32>
    %add3A_1172 = vector.broadcast %broadcast_in_dim3A_1171 : vector<1x5xf32> to vector<384x5xf32>
    %add3A_1173 = arith.addf %dot_general3A_1165, %add3A_1172 : vector<384x5xf32>
    %tanh3A_1174 = math.tanh %add3A_1173 : vector<384x5xf32>
    %sub3A_1175 = arith.constant 1.000000e+00 : f32
    %sub3A_1176 = vector.broadcast %sub3A_1175 : f32 to vector<5xf32>
    %sub3A_1177 = arith.subf %sub3A_1176, %squeeze3A_1119 : vector<5xf32>
    %broadcast_in_dim3A_1178 = vector.shape_cast %sub3A_1177 : vector<5xf32> to vector<1x5xf32>
    %mul3A_1179 = vector.broadcast %broadcast_in_dim3A_1178 : vector<1x5xf32> to vector<384x5xf32>
    %mul3A_1180 = arith.mulf %tanh3A_1174, %mul3A_1179 : vector<384x5xf32>
    %get3A_1181 = arith.constant 0 : index
    %get3A_1182 = arith.constant 9 : index
    %get3A_1183 = arith.constant 0 : index
    %get3A_1184 = arith.constant 0 : index
    %get3A_1185 = vector.load %arg11[%get3A_1181, %get3A_1182, %get3A_1183, %get3A_1184] : memref<1x12x5x64xf32, #tpu.memory_space<vmem>>, vector<1x1x5x64xf32>
    %get3A_1186 = vector.shape_cast %get3A_1185 : vector<1x1x5x64xf32> to vector<5x64xf32>
    %dot_general3A_1187 = arith.constant dense<0.000000e+00> : vector<384x64xf32>
    %dot_general3A_1188 = tpu.matmul %mul3A_1122, %get3A_1186, %dot_general3A_1187 {dimension_numbers = #tpu.dot_dimension_numbers<[1], [0], [0], [1], [0, 0, 1, 1], [], []>, transpose_lhs_hint = false} : vector<384x5xf32>, vector<5x64xf32>, vector<384x64xf32> -> vector<384x64xf32>
    %get3A_1189 = arith.constant 0 : index
    %get3A_1190 = arith.constant 9 : index
    %get3A_1191 = arith.constant 0 : index
    %get3A_1192 = vector.load %arg12[%get3A_1189, %get3A_1190, %get3A_1191] : memref<1x12x64xf32, #tpu.memory_space<vmem>>, vector<1x1x64xf32>
    %get3A_1193 = vector.shape_cast %get3A_1192 : vector<1x1x64xf32> to vector<64xf32>
    %broadcast_in_dim3A_1194 = vector.shape_cast %get3A_1193 : vector<64xf32> to vector<1x64xf32>
    %add3A_1195 = vector.broadcast %broadcast_in_dim3A_1194 : vector<1x64xf32> to vector<384x64xf32>
    %add3A_1196 = arith.addf %dot_general3A_1188, %add3A_1195 : vector<384x64xf32>
    %tanh3A_1197 = math.tanh %add3A_1196 : vector<384x64xf32>
    %convert_element_type3A_1198 = arith.truncf %tanh3A_1197 : vector<384x64xf32> to vector<384x64xbf16>
    %get3A_1199 = arith.constant 0 : index
    %get3A_1200 = arith.constant 9 : index
    %get3A_1201 = arith.constant 0 : index
    %get3A_1202 = arith.constant 0 : index
    %get3A_1203 = vector.load %arg13[%get3A_1199, %get3A_1200, %get3A_1201, %get3A_1202] : memref<1x12x64x64xbf16, #tpu.memory_space<vmem>>, vector<1x1x64x64xbf16>
    %get3A_1204 = vector.shape_cast %get3A_1203 : vector<1x1x64x64xbf16> to vector<64x64xbf16>
    %dot_general3A_1205 = arith.constant dense<0.000000e+00> : vector<384x64xf32>
    %dot_general3A_1206 = tpu.matmul %convert_element_type3A_1198, %get3A_1204, %dot_general3A_1205 {dimension_numbers = #tpu.dot_dimension_numbers<[1], [0], [0], [1], [0, 0, 1, 1], [], []>, transpose_lhs_hint = false} : vector<384x64xbf16>, vector<64x64xbf16>, vector<384x64xf32> -> vector<384x64xf32>
    %get3A_1207 = arith.constant 0 : index
    %get3A_1208 = arith.constant 9 : index
    %get3A_1209 = arith.constant 0 : index
    %get3A_1210 = vector.load %arg14[%get3A_1207, %get3A_1208, %get3A_1209] : memref<1x12x64xf32, #tpu.memory_space<vmem>>, vector<1x1x64xf32>
    %get3A_1211 = vector.shape_cast %get3A_1210 : vector<1x1x64xf32> to vector<64xf32>
    %broadcast_in_dim3A_1212 = vector.shape_cast %get3A_1211 : vector<64xf32> to vector<1x64xf32>
    %add3A_1213 = vector.broadcast %broadcast_in_dim3A_1212 : vector<1x64xf32> to vector<384x64xf32>
    %add3A_1214 = arith.addf %dot_general3A_1206, %add3A_1213 : vector<384x64xf32>
    %tanh3A_1215 = math.tanh %add3A_1214 : vector<384x64xf32>
    %get3A_1216 = arith.constant 0 : index
    %get3A_1217 = arith.constant 9 : index
    %get3A_1218 = arith.constant 0 : index
    %get3A_1219 = arith.constant 0 : index
    %get3A_1220 = vector.load %arg15[%get3A_1216, %get3A_1217, %get3A_1218, %get3A_1219] : memref<1x12x64x5xf32, #tpu.memory_space<vmem>>, vector<1x1x64x5xf32>
    %get3A_1221 = vector.shape_cast %get3A_1220 : vector<1x1x64x5xf32> to vector<64x5xf32>
    %dot_general3A_1222 = arith.constant dense<0.000000e+00> : vector<384x5xf32>
    %dot_general3A_1223 = tpu.matmul %tanh3A_1215, %get3A_1221, %dot_general3A_1222 {dimension_numbers = #tpu.dot_dimension_numbers<[1], [0], [0], [1], [0, 0, 1, 1], [], []>, transpose_lhs_hint = false} : vector<384x64xf32>, vector<64x5xf32>, vector<384x5xf32> -> vector<384x5xf32>
    %get3A_1224 = arith.constant 0 : index
    %get3A_1225 = arith.constant 9 : index
    %get3A_1226 = arith.constant 0 : index
    %get3A_1227 = vector.load %arg16[%get3A_1224, %get3A_1225, %get3A_1226] : memref<1x12x5xf32, #tpu.memory_space<vmem>>, vector<1x1x5xf32>
    %get3A_1228 = vector.shape_cast %get3A_1227 : vector<1x1x5xf32> to vector<5xf32>
    %broadcast_in_dim3A_1229 = vector.shape_cast %get3A_1228 : vector<5xf32> to vector<1x5xf32>
    %add3A_1230 = vector.broadcast %broadcast_in_dim3A_1229 : vector<1x5xf32> to vector<384x5xf32>
    %add3A_1231 = arith.addf %dot_general3A_1223, %add3A_1230 : vector<384x5xf32>
    %sub3A_1232 = arith.constant 1.000000e+00 : f32
    %sub3A_1233 = vector.broadcast %sub3A_1232 : f32 to vector<5xf32>
    %sub3A_1234 = arith.subf %sub3A_1233, %squeeze3A_1119 : vector<5xf32>
    %broadcast_in_dim3A_1235 = vector.shape_cast %sub3A_1234 : vector<5xf32> to vector<1x5xf32>
    %mul3A_1236 = vector.broadcast %broadcast_in_dim3A_1235 : vector<1x5xf32> to vector<384x5xf32>
    %mul3A_1237 = arith.mulf %add3A_1231, %mul3A_1236 : vector<384x5xf32>
    %sub3A_1238 = arith.constant 1.000000e+00 : f32
    %sub3A_1239 = vector.broadcast %sub3A_1238 : f32 to vector<5xf32>
    %sub3A_1240 = arith.subf %sub3A_1239, %squeeze3A_1119 : vector<5xf32>
    %broadcast_in_dim3A_1241 = vector.shape_cast %sub3A_1240 : vector<5xf32> to vector<1x5xf32>
    %sub3A_1242 = arith.subf %add3A_1002, %mul3A_1237 : vector<384x5xf32>
    %mul3A_1243 = vector.broadcast %broadcast_in_dim3A_1241 : vector<1x5xf32> to vector<384x5xf32>
    %mul3A_1244 = arith.mulf %mul3A_1243, %sub3A_1242 : vector<384x5xf32>
    %neg3A_1245 = arith.constant 0.000000e+00 : f32
    %neg3A_1246 = vector.broadcast %neg3A_1245 : f32 to vector<384x5xf32>
    %neg3A_1247 = arith.subf %neg3A_1246, %mul3A_1180 : vector<384x5xf32>
    %exp3A_1248 = math.exp %neg3A_1247 : vector<384x5xf32>
    %mul3A_1249 = arith.mulf %mul3A_1244, %exp3A_1248 : vector<384x5xf32>
    %add3A_1250 = arith.addf %mul3A_1122, %mul3A_1249 : vector<384x5xf32>
    %reduce_sum3A_1251 = arith.constant dense<0.000000e+00> : vector<384xf32>
    %reduce_sum3A_1252 = vector.multi_reduction <add>, %mul3A_1180, %reduce_sum3A_1251 [1] : vector<384x5xf32> to vector<384xf32>
    %sub3A_1253 = arith.subf %sub3A_1005, %reduce_sum3A_1252 : vector<384xf32>
    %get3A_1254 = arith.constant 0 : index
    %get3A_1255 = arith.constant 10 : index
    %get3A_1256 = arith.constant 1 : index
    %get3A_1257 = arith.constant 0 : index
    %get3A_1258 = vector.load %arg5[%get3A_1254, %get3A_1255, %get3A_1256, %get3A_1257] : memref<1x12x2x64xf32, #tpu.memory_space<vmem>>, vector<1x1x1x64xf32>
    %get3A_1259 = vector.shape_cast %get3A_1258 : vector<1x1x1x64xf32> to vector<64xf32>
    %broadcast_in_dim3A_1260 = vector.shape_cast %get3A_1259 : vector<64xf32> to vector<1x64xf32>
    %mul3A_1261 = vector.broadcast %mul3A_1116 : vector<384x1xf32> to vector<384x64xf32>
    %mul3A_1262 = vector.broadcast %broadcast_in_dim3A_1260 : vector<1x64xf32> to vector<384x64xf32>
    %mul3A_1263 = arith.mulf %mul3A_1261, %mul3A_1262 : vector<384x64xf32>
    %get3A_1264 = arith.constant 0 : index
    %get3A_1265 = arith.constant 10 : index
    %get3A_1266 = arith.constant 0 : index
    %get3A_1267 = vector.load %arg6[%get3A_1264, %get3A_1265, %get3A_1266] : memref<1x12x64xf32, #tpu.memory_space<vmem>>, vector<1x1x64xf32>
    %get3A_1268 = vector.shape_cast %get3A_1267 : vector<1x1x64xf32> to vector<64xf32>
    %broadcast_in_dim3A_1269 = vector.shape_cast %get3A_1268 : vector<64xf32> to vector<1x64xf32>
    %add3A_1270 = vector.broadcast %broadcast_in_dim3A_1269 : vector<1x64xf32> to vector<384x64xf32>
    %add3A_1271 = arith.addf %mul3A_1263, %add3A_1270 : vector<384x64xf32>
    %tanh3A_1272 = math.tanh %add3A_1271 : vector<384x64xf32>
    %convert_element_type3A_1273 = arith.truncf %tanh3A_1272 : vector<384x64xf32> to vector<384x64xbf16>
    %get3A_1274 = arith.constant 0 : index
    %get3A_1275 = arith.constant 10 : index
    %get3A_1276 = arith.constant 0 : index
    %get3A_1277 = arith.constant 0 : index
    %get3A_1278 = vector.load %arg7[%get3A_1274, %get3A_1275, %get3A_1276, %get3A_1277] : memref<1x12x64x64xbf16, #tpu.memory_space<vmem>>, vector<1x1x64x64xbf16>
    %get3A_1279 = vector.shape_cast %get3A_1278 : vector<1x1x64x64xbf16> to vector<64x64xbf16>
    %dot_general3A_1280 = arith.constant dense<0.000000e+00> : vector<384x64xf32>
    %dot_general3A_1281 = tpu.matmul %convert_element_type3A_1273, %get3A_1279, %dot_general3A_1280 {dimension_numbers = #tpu.dot_dimension_numbers<[1], [0], [0], [1], [0, 0, 1, 1], [], []>, transpose_lhs_hint = false} : vector<384x64xbf16>, vector<64x64xbf16>, vector<384x64xf32> -> vector<384x64xf32>
    %get3A_1282 = arith.constant 0 : index
    %get3A_1283 = arith.constant 10 : index
    %get3A_1284 = arith.constant 0 : index
    %get3A_1285 = vector.load %arg8[%get3A_1282, %get3A_1283, %get3A_1284] : memref<1x12x64xf32, #tpu.memory_space<vmem>>, vector<1x1x64xf32>
    %get3A_1286 = vector.shape_cast %get3A_1285 : vector<1x1x64xf32> to vector<64xf32>
    %broadcast_in_dim3A_1287 = vector.shape_cast %get3A_1286 : vector<64xf32> to vector<1x64xf32>
    %add3A_1288 = vector.broadcast %broadcast_in_dim3A_1287 : vector<1x64xf32> to vector<384x64xf32>
    %add3A_1289 = arith.addf %dot_general3A_1281, %add3A_1288 : vector<384x64xf32>
    %tanh3A_1290 = math.tanh %add3A_1289 : vector<384x64xf32>
    %get3A_1291 = arith.constant 0 : index
    %get3A_1292 = arith.constant 10 : index
    %get3A_1293 = arith.constant 0 : index
    %get3A_1294 = arith.constant 0 : index
    %get3A_1295 = vector.load %arg9[%get3A_1291, %get3A_1292, %get3A_1293, %get3A_1294] : memref<1x12x64x2xf32, #tpu.memory_space<vmem>>, vector<1x1x64x1xf32>
    %get3A_1296 = vector.shape_cast %get3A_1295 : vector<1x1x64x1xf32> to vector<64x1xf32>
    %dot_general3A_1297 = arith.constant dense<0.000000e+00> : vector<384x1xf32>
    %dot_general3A_1298 = tpu.matmul %tanh3A_1290, %get3A_1296, %dot_general3A_1297 {dimension_numbers = #tpu.dot_dimension_numbers<[1], [0], [0], [1], [0, 0, 1, 1], [], []>, transpose_lhs_hint = false} : vector<384x64xf32>, vector<64x1xf32>, vector<384x1xf32> -> vector<384x1xf32>
    %get3A_1299 = arith.constant 0 : index
    %get3A_1300 = arith.constant 10 : index
    %get3A_1301 = arith.constant 0 : index
    %get3A_1302 = vector.load %arg10[%get3A_1299, %get3A_1300, %get3A_1301] : memref<1x12x2xf32, #tpu.memory_space<vmem>>, vector<1x1x1xf32>
    %get3A_1303 = vector.extract %get3A_1302[0, 0, 0] : f32 from vector<1x1x1xf32>
    %add3A_1304 = vector.broadcast %get3A_1303 : f32 to vector<384x1xf32>
    %add3A_1305 = arith.addf %dot_general3A_1298, %add3A_1304 : vector<384x1xf32>
    %tanh3A_1306 = math.tanh %add3A_1305 : vector<384x1xf32>
    %get3A_1307 = arith.constant 0 : index
    %get3A_1308 = arith.constant 11 : index
    %get3A_1309 = arith.constant 1 : index
    %get3A_1310 = arith.constant 0 : index
    %get3A_1311 = vector.load %arg5[%get3A_1307, %get3A_1308, %get3A_1309, %get3A_1310] : memref<1x12x2x64xf32, #tpu.memory_space<vmem>>, vector<1x1x1x64xf32>
    %get3A_1312 = vector.shape_cast %get3A_1311 : vector<1x1x1x64xf32> to vector<64xf32>
    %broadcast_in_dim3A_1313 = vector.shape_cast %get3A_1312 : vector<64xf32> to vector<1x64xf32>
    %mul3A_1314 = vector.broadcast %mul3A_1116 : vector<384x1xf32> to vector<384x64xf32>
    %mul3A_1315 = vector.broadcast %broadcast_in_dim3A_1313 : vector<1x64xf32> to vector<384x64xf32>
    %mul3A_1316 = arith.mulf %mul3A_1314, %mul3A_1315 : vector<384x64xf32>
    %get3A_1317 = arith.constant 0 : index
    %get3A_1318 = arith.constant 11 : index
    %get3A_1319 = arith.constant 0 : index
    %get3A_1320 = vector.load %arg6[%get3A_1317, %get3A_1318, %get3A_1319] : memref<1x12x64xf32, #tpu.memory_space<vmem>>, vector<1x1x64xf32>
    %get3A_1321 = vector.shape_cast %get3A_1320 : vector<1x1x64xf32> to vector<64xf32>
    %broadcast_in_dim3A_1322 = vector.shape_cast %get3A_1321 : vector<64xf32> to vector<1x64xf32>
    %add3A_1323 = vector.broadcast %broadcast_in_dim3A_1322 : vector<1x64xf32> to vector<384x64xf32>
    %add3A_1324 = arith.addf %mul3A_1316, %add3A_1323 : vector<384x64xf32>
    %tanh3A_1325 = math.tanh %add3A_1324 : vector<384x64xf32>
    %convert_element_type3A_1326 = arith.truncf %tanh3A_1325 : vector<384x64xf32> to vector<384x64xbf16>
    %get3A_1327 = arith.constant 0 : index
    %get3A_1328 = arith.constant 11 : index
    %get3A_1329 = arith.constant 0 : index
    %get3A_1330 = arith.constant 0 : index
    %get3A_1331 = vector.load %arg7[%get3A_1327, %get3A_1328, %get3A_1329, %get3A_1330] : memref<1x12x64x64xbf16, #tpu.memory_space<vmem>>, vector<1x1x64x64xbf16>
    %get3A_1332 = vector.shape_cast %get3A_1331 : vector<1x1x64x64xbf16> to vector<64x64xbf16>
    %dot_general3A_1333 = arith.constant dense<0.000000e+00> : vector<384x64xf32>
    %dot_general3A_1334 = tpu.matmul %convert_element_type3A_1326, %get3A_1332, %dot_general3A_1333 {dimension_numbers = #tpu.dot_dimension_numbers<[1], [0], [0], [1], [0, 0, 1, 1], [], []>, transpose_lhs_hint = false} : vector<384x64xbf16>, vector<64x64xbf16>, vector<384x64xf32> -> vector<384x64xf32>
    %get3A_1335 = arith.constant 0 : index
    %get3A_1336 = arith.constant 11 : index
    %get3A_1337 = arith.constant 0 : index
    %get3A_1338 = vector.load %arg8[%get3A_1335, %get3A_1336, %get3A_1337] : memref<1x12x64xf32, #tpu.memory_space<vmem>>, vector<1x1x64xf32>
    %get3A_1339 = vector.shape_cast %get3A_1338 : vector<1x1x64xf32> to vector<64xf32>
    %broadcast_in_dim3A_1340 = vector.shape_cast %get3A_1339 : vector<64xf32> to vector<1x64xf32>
    %add3A_1341 = vector.broadcast %broadcast_in_dim3A_1340 : vector<1x64xf32> to vector<384x64xf32>
    %add3A_1342 = arith.addf %dot_general3A_1334, %add3A_1341 : vector<384x64xf32>
    %tanh3A_1343 = math.tanh %add3A_1342 : vector<384x64xf32>
    %get3A_1344 = arith.constant 0 : index
    %get3A_1345 = arith.constant 11 : index
    %get3A_1346 = arith.constant 0 : index
    %get3A_1347 = arith.constant 0 : index
    %get3A_1348 = vector.load %arg9[%get3A_1344, %get3A_1345, %get3A_1346, %get3A_1347] : memref<1x12x64x2xf32, #tpu.memory_space<vmem>>, vector<1x1x64x1xf32>
    %get3A_1349 = vector.shape_cast %get3A_1348 : vector<1x1x64x1xf32> to vector<64x1xf32>
    %dot_general3A_1350 = arith.constant dense<0.000000e+00> : vector<384x1xf32>
    %dot_general3A_1351 = tpu.matmul %tanh3A_1343, %get3A_1349, %dot_general3A_1350 {dimension_numbers = #tpu.dot_dimension_numbers<[1], [0], [0], [1], [0, 0, 1, 1], [], []>, transpose_lhs_hint = false} : vector<384x64xf32>, vector<64x1xf32>, vector<384x1xf32> -> vector<384x1xf32>
    %get3A_1352 = arith.constant 0 : index
    %get3A_1353 = arith.constant 11 : index
    %get3A_1354 = arith.constant 0 : index
    %get3A_1355 = vector.load %arg10[%get3A_1352, %get3A_1353, %get3A_1354] : memref<1x12x2xf32, #tpu.memory_space<vmem>>, vector<1x1x1xf32>
    %get3A_1356 = vector.extract %get3A_1355[0, 0, 0] : f32 from vector<1x1x1xf32>
    %add3A_1357 = vector.broadcast %get3A_1356 : f32 to vector<384x1xf32>
    %add3A_1358 = arith.addf %dot_general3A_1351, %add3A_1357 : vector<384x1xf32>
    %sub3A_1359 = arith.subf %mul3A_868, %add3A_1358 : vector<384x1xf32>
    %neg3A_1360 = arith.constant 0.000000e+00 : f32
    %neg3A_1361 = vector.broadcast %neg3A_1360 : f32 to vector<384x1xf32>
    %neg3A_1362 = arith.subf %neg3A_1361, %tanh3A_1306 : vector<384x1xf32>
    %exp3A_1363 = math.exp %neg3A_1362 : vector<384x1xf32>
    %mul3A_1364 = arith.mulf %sub3A_1359, %exp3A_1363 : vector<384x1xf32>
    %sub3A_1365 = arith.subf %sub3A_1117, %tanh3A_1306 : vector<384x1xf32>
    %slice3A_1366 = vector.extract_strided_slice %get3A_6 {offsets = [5, 0], sizes = [1, 5], strides = [1, 1]} : vector<8x5xf32> to vector<1x5xf32>
    %squeeze3A_1367 = vector.shape_cast %slice3A_1366 : vector<1x5xf32> to vector<5xf32>
    %broadcast_in_dim3A_1368 = vector.shape_cast %squeeze3A_1367 : vector<5xf32> to vector<1x5xf32>
    %mul3A_1369 = vector.broadcast %broadcast_in_dim3A_1368 : vector<1x5xf32> to vector<384x5xf32>
    %mul3A_1370 = arith.mulf %add3A_1250, %mul3A_1369 : vector<384x5xf32>
    %get3A_1371 = arith.constant 0 : index
    %get3A_1372 = arith.constant 10 : index
    %get3A_1373 = arith.constant 0 : index
    %get3A_1374 = arith.constant 0 : index
    %get3A_1375 = vector.load %arg11[%get3A_1371, %get3A_1372, %get3A_1373, %get3A_1374] : memref<1x12x5x64xf32, #tpu.memory_space<vmem>>, vector<1x1x5x64xf32>
    %get3A_1376 = vector.shape_cast %get3A_1375 : vector<1x1x5x64xf32> to vector<5x64xf32>
    %dot_general3A_1377 = arith.constant dense<0.000000e+00> : vector<384x64xf32>
    %dot_general3A_1378 = tpu.matmul %mul3A_1370, %get3A_1376, %dot_general3A_1377 {dimension_numbers = #tpu.dot_dimension_numbers<[1], [0], [0], [1], [0, 0, 1, 1], [], []>, transpose_lhs_hint = false} : vector<384x5xf32>, vector<5x64xf32>, vector<384x64xf32> -> vector<384x64xf32>
    %get3A_1379 = arith.constant 0 : index
    %get3A_1380 = arith.constant 10 : index
    %get3A_1381 = arith.constant 0 : index
    %get3A_1382 = vector.load %arg12[%get3A_1379, %get3A_1380, %get3A_1381] : memref<1x12x64xf32, #tpu.memory_space<vmem>>, vector<1x1x64xf32>
    %get3A_1383 = vector.shape_cast %get3A_1382 : vector<1x1x64xf32> to vector<64xf32>
    %broadcast_in_dim3A_1384 = vector.shape_cast %get3A_1383 : vector<64xf32> to vector<1x64xf32>
    %add3A_1385 = vector.broadcast %broadcast_in_dim3A_1384 : vector<1x64xf32> to vector<384x64xf32>
    %add3A_1386 = arith.addf %dot_general3A_1378, %add3A_1385 : vector<384x64xf32>
    %tanh3A_1387 = math.tanh %add3A_1386 : vector<384x64xf32>
    %convert_element_type3A_1388 = arith.truncf %tanh3A_1387 : vector<384x64xf32> to vector<384x64xbf16>
    %get3A_1389 = arith.constant 0 : index
    %get3A_1390 = arith.constant 10 : index
    %get3A_1391 = arith.constant 0 : index
    %get3A_1392 = arith.constant 0 : index
    %get3A_1393 = vector.load %arg13[%get3A_1389, %get3A_1390, %get3A_1391, %get3A_1392] : memref<1x12x64x64xbf16, #tpu.memory_space<vmem>>, vector<1x1x64x64xbf16>
    %get3A_1394 = vector.shape_cast %get3A_1393 : vector<1x1x64x64xbf16> to vector<64x64xbf16>
    %dot_general3A_1395 = arith.constant dense<0.000000e+00> : vector<384x64xf32>
    %dot_general3A_1396 = tpu.matmul %convert_element_type3A_1388, %get3A_1394, %dot_general3A_1395 {dimension_numbers = #tpu.dot_dimension_numbers<[1], [0], [0], [1], [0, 0, 1, 1], [], []>, transpose_lhs_hint = false} : vector<384x64xbf16>, vector<64x64xbf16>, vector<384x64xf32> -> vector<384x64xf32>
    %get3A_1397 = arith.constant 0 : index
    %get3A_1398 = arith.constant 10 : index
    %get3A_1399 = arith.constant 0 : index
    %get3A_1400 = vector.load %arg14[%get3A_1397, %get3A_1398, %get3A_1399] : memref<1x12x64xf32, #tpu.memory_space<vmem>>, vector<1x1x64xf32>
    %get3A_1401 = vector.shape_cast %get3A_1400 : vector<1x1x64xf32> to vector<64xf32>
    %broadcast_in_dim3A_1402 = vector.shape_cast %get3A_1401 : vector<64xf32> to vector<1x64xf32>
    %add3A_1403 = vector.broadcast %broadcast_in_dim3A_1402 : vector<1x64xf32> to vector<384x64xf32>
    %add3A_1404 = arith.addf %dot_general3A_1396, %add3A_1403 : vector<384x64xf32>
    %tanh3A_1405 = math.tanh %add3A_1404 : vector<384x64xf32>
    %get3A_1406 = arith.constant 0 : index
    %get3A_1407 = arith.constant 10 : index
    %get3A_1408 = arith.constant 0 : index
    %get3A_1409 = arith.constant 0 : index
    %get3A_1410 = vector.load %arg15[%get3A_1406, %get3A_1407, %get3A_1408, %get3A_1409] : memref<1x12x64x5xf32, #tpu.memory_space<vmem>>, vector<1x1x64x5xf32>
    %get3A_1411 = vector.shape_cast %get3A_1410 : vector<1x1x64x5xf32> to vector<64x5xf32>
    %dot_general3A_1412 = arith.constant dense<0.000000e+00> : vector<384x5xf32>
    %dot_general3A_1413 = tpu.matmul %tanh3A_1405, %get3A_1411, %dot_general3A_1412 {dimension_numbers = #tpu.dot_dimension_numbers<[1], [0], [0], [1], [0, 0, 1, 1], [], []>, transpose_lhs_hint = false} : vector<384x64xf32>, vector<64x5xf32>, vector<384x5xf32> -> vector<384x5xf32>
    %get3A_1414 = arith.constant 0 : index
    %get3A_1415 = arith.constant 10 : index
    %get3A_1416 = arith.constant 0 : index
    %get3A_1417 = vector.load %arg16[%get3A_1414, %get3A_1415, %get3A_1416] : memref<1x12x5xf32, #tpu.memory_space<vmem>>, vector<1x1x5xf32>
    %get3A_1418 = vector.shape_cast %get3A_1417 : vector<1x1x5xf32> to vector<5xf32>
    %broadcast_in_dim3A_1419 = vector.shape_cast %get3A_1418 : vector<5xf32> to vector<1x5xf32>
    %add3A_1420 = vector.broadcast %broadcast_in_dim3A_1419 : vector<1x5xf32> to vector<384x5xf32>
    %add3A_1421 = arith.addf %dot_general3A_1413, %add3A_1420 : vector<384x5xf32>
    %tanh3A_1422 = math.tanh %add3A_1421 : vector<384x5xf32>
    %sub3A_1423 = arith.constant 1.000000e+00 : f32
    %sub3A_1424 = vector.broadcast %sub3A_1423 : f32 to vector<5xf32>
    %sub3A_1425 = arith.subf %sub3A_1424, %squeeze3A_1367 : vector<5xf32>
    %broadcast_in_dim3A_1426 = vector.shape_cast %sub3A_1425 : vector<5xf32> to vector<1x5xf32>
    %mul3A_1427 = vector.broadcast %broadcast_in_dim3A_1426 : vector<1x5xf32> to vector<384x5xf32>
    %mul3A_1428 = arith.mulf %tanh3A_1422, %mul3A_1427 : vector<384x5xf32>
    %get3A_1429 = arith.constant 0 : index
    %get3A_1430 = arith.constant 11 : index
    %get3A_1431 = arith.constant 0 : index
    %get3A_1432 = arith.constant 0 : index
    %get3A_1433 = vector.load %arg11[%get3A_1429, %get3A_1430, %get3A_1431, %get3A_1432] : memref<1x12x5x64xf32, #tpu.memory_space<vmem>>, vector<1x1x5x64xf32>
    %get3A_1434 = vector.shape_cast %get3A_1433 : vector<1x1x5x64xf32> to vector<5x64xf32>
    %dot_general3A_1435 = arith.constant dense<0.000000e+00> : vector<384x64xf32>
    %dot_general3A_1436 = tpu.matmul %mul3A_1370, %get3A_1434, %dot_general3A_1435 {dimension_numbers = #tpu.dot_dimension_numbers<[1], [0], [0], [1], [0, 0, 1, 1], [], []>, transpose_lhs_hint = false} : vector<384x5xf32>, vector<5x64xf32>, vector<384x64xf32> -> vector<384x64xf32>
    %get3A_1437 = arith.constant 0 : index
    %get3A_1438 = arith.constant 11 : index
    %get3A_1439 = arith.constant 0 : index
    %get3A_1440 = vector.load %arg12[%get3A_1437, %get3A_1438, %get3A_1439] : memref<1x12x64xf32, #tpu.memory_space<vmem>>, vector<1x1x64xf32>
    %get3A_1441 = vector.shape_cast %get3A_1440 : vector<1x1x64xf32> to vector<64xf32>
    %broadcast_in_dim3A_1442 = vector.shape_cast %get3A_1441 : vector<64xf32> to vector<1x64xf32>
    %add3A_1443 = vector.broadcast %broadcast_in_dim3A_1442 : vector<1x64xf32> to vector<384x64xf32>
    %add3A_1444 = arith.addf %dot_general3A_1436, %add3A_1443 : vector<384x64xf32>
    %tanh3A_1445 = math.tanh %add3A_1444 : vector<384x64xf32>
    %convert_element_type3A_1446 = arith.truncf %tanh3A_1445 : vector<384x64xf32> to vector<384x64xbf16>
    %get3A_1447 = arith.constant 0 : index
    %get3A_1448 = arith.constant 11 : index
    %get3A_1449 = arith.constant 0 : index
    %get3A_1450 = arith.constant 0 : index
    %get3A_1451 = vector.load %arg13[%get3A_1447, %get3A_1448, %get3A_1449, %get3A_1450] : memref<1x12x64x64xbf16, #tpu.memory_space<vmem>>, vector<1x1x64x64xbf16>
    %get3A_1452 = vector.shape_cast %get3A_1451 : vector<1x1x64x64xbf16> to vector<64x64xbf16>
    %dot_general3A_1453 = arith.constant dense<0.000000e+00> : vector<384x64xf32>
    %dot_general3A_1454 = tpu.matmul %convert_element_type3A_1446, %get3A_1452, %dot_general3A_1453 {dimension_numbers = #tpu.dot_dimension_numbers<[1], [0], [0], [1], [0, 0, 1, 1], [], []>, transpose_lhs_hint = false} : vector<384x64xbf16>, vector<64x64xbf16>, vector<384x64xf32> -> vector<384x64xf32>
    %get3A_1455 = arith.constant 0 : index
    %get3A_1456 = arith.constant 11 : index
    %get3A_1457 = arith.constant 0 : index
    %get3A_1458 = vector.load %arg14[%get3A_1455, %get3A_1456, %get3A_1457] : memref<1x12x64xf32, #tpu.memory_space<vmem>>, vector<1x1x64xf32>
    %get3A_1459 = vector.shape_cast %get3A_1458 : vector<1x1x64xf32> to vector<64xf32>
    %broadcast_in_dim3A_1460 = vector.shape_cast %get3A_1459 : vector<64xf32> to vector<1x64xf32>
    %add3A_1461 = vector.broadcast %broadcast_in_dim3A_1460 : vector<1x64xf32> to vector<384x64xf32>
    %add3A_1462 = arith.addf %dot_general3A_1454, %add3A_1461 : vector<384x64xf32>
    %tanh3A_1463 = math.tanh %add3A_1462 : vector<384x64xf32>
    %get3A_1464 = arith.constant 0 : index
    %get3A_1465 = arith.constant 11 : index
    %get3A_1466 = arith.constant 0 : index
    %get3A_1467 = arith.constant 0 : index
    %get3A_1468 = vector.load %arg15[%get3A_1464, %get3A_1465, %get3A_1466, %get3A_1467] : memref<1x12x64x5xf32, #tpu.memory_space<vmem>>, vector<1x1x64x5xf32>
    %get3A_1469 = vector.shape_cast %get3A_1468 : vector<1x1x64x5xf32> to vector<64x5xf32>
    %dot_general3A_1470 = arith.constant dense<0.000000e+00> : vector<384x5xf32>
    %dot_general3A_1471 = tpu.matmul %tanh3A_1463, %get3A_1469, %dot_general3A_1470 {dimension_numbers = #tpu.dot_dimension_numbers<[1], [0], [0], [1], [0, 0, 1, 1], [], []>, transpose_lhs_hint = false} : vector<384x64xf32>, vector<64x5xf32>, vector<384x5xf32> -> vector<384x5xf32>
    %get3A_1472 = arith.constant 0 : index
    %get3A_1473 = arith.constant 11 : index
    %get3A_1474 = arith.constant 0 : index
    %get3A_1475 = vector.load %arg16[%get3A_1472, %get3A_1473, %get3A_1474] : memref<1x12x5xf32, #tpu.memory_space<vmem>>, vector<1x1x5xf32>
    %get3A_1476 = vector.shape_cast %get3A_1475 : vector<1x1x5xf32> to vector<5xf32>
    %broadcast_in_dim3A_1477 = vector.shape_cast %get3A_1476 : vector<5xf32> to vector<1x5xf32>
    %add3A_1478 = vector.broadcast %broadcast_in_dim3A_1477 : vector<1x5xf32> to vector<384x5xf32>
    %add3A_1479 = arith.addf %dot_general3A_1471, %add3A_1478 : vector<384x5xf32>
    %sub3A_1480 = arith.constant 1.000000e+00 : f32
    %sub3A_1481 = vector.broadcast %sub3A_1480 : f32 to vector<5xf32>
    %sub3A_1482 = arith.subf %sub3A_1481, %squeeze3A_1367 : vector<5xf32>
    %broadcast_in_dim3A_1483 = vector.shape_cast %sub3A_1482 : vector<5xf32> to vector<1x5xf32>
    %mul3A_1484 = vector.broadcast %broadcast_in_dim3A_1483 : vector<1x5xf32> to vector<384x5xf32>
    %mul3A_1485 = arith.mulf %add3A_1479, %mul3A_1484 : vector<384x5xf32>
    %sub3A_1486 = arith.constant 1.000000e+00 : f32
    %sub3A_1487 = vector.broadcast %sub3A_1486 : f32 to vector<5xf32>
    %sub3A_1488 = arith.subf %sub3A_1487, %squeeze3A_1367 : vector<5xf32>
    %broadcast_in_dim3A_1489 = vector.shape_cast %sub3A_1488 : vector<5xf32> to vector<1x5xf32>
    %sub3A_1490 = arith.subf %add3A_1250, %mul3A_1485 : vector<384x5xf32>
    %mul3A_1491 = vector.broadcast %broadcast_in_dim3A_1489 : vector<1x5xf32> to vector<384x5xf32>
    %mul3A_1492 = arith.mulf %mul3A_1491, %sub3A_1490 : vector<384x5xf32>
    %neg3A_1493 = arith.constant 0.000000e+00 : f32
    %neg3A_1494 = vector.broadcast %neg3A_1493 : f32 to vector<384x5xf32>
    %neg3A_1495 = arith.subf %neg3A_1494, %mul3A_1428 : vector<384x5xf32>
    %exp3A_1496 = math.exp %neg3A_1495 : vector<384x5xf32>
    %mul3A_1497 = arith.mulf %mul3A_1492, %exp3A_1496 : vector<384x5xf32>
    %add3A_1498 = arith.addf %mul3A_1370, %mul3A_1497 : vector<384x5xf32>
    %reduce_sum3A_1499 = arith.constant dense<0.000000e+00> : vector<384xf32>
    %reduce_sum3A_1500 = vector.multi_reduction <add>, %mul3A_1428, %reduce_sum3A_1499 [1] : vector<384x5xf32> to vector<384xf32>
    %sub3A_1501 = arith.subf %sub3A_1253, %reduce_sum3A_1500 : vector<384xf32>
    %mul3A_1502 = arith.mulf %mul3A_1364, %mul3A_1364 : vector<384x1xf32>
    %mul3A_1503 = arith.mulf %mul3A_1116, %mul3A_1116 : vector<384x1xf32>
    %add3A_1504 = arith.addf %mul3A_1502, %mul3A_1503 : vector<384x1xf32>
    %add3A_1505 = arith.constant 3.67575407 : f32
    %add3A_1506 = vector.broadcast %add3A_1505 : f32 to vector<384x1xf32>
    %add3A_1507 = arith.addf %add3A_1504, %add3A_1506 : vector<384x1xf32>
    %mul3A_1508 = arith.constant -5.000000e-01 : f32
    %mul3A_1509 = vector.broadcast %mul3A_1508 : f32 to vector<384x1xf32>
    %mul3A_1510 = arith.mulf %mul3A_1509, %add3A_1507 : vector<384x1xf32>
    %add3A_1511 = arith.addf %mul3A_1510, %sub3A_1365 : vector<384x1xf32>
    %squeeze3A_1512 = vector.shape_cast %add3A_1511 : vector<384x1xf32> to vector<384xf32>
    %mul3A_1513 = arith.mulf %add3A_1498, %add3A_1498 : vector<384x5xf32>
    %reduce_sum3A_1514 = arith.constant dense<0.000000e+00> : vector<384xf32>
    %reduce_sum3A_1515 = vector.multi_reduction <add>, %mul3A_1513, %reduce_sum3A_1514 [1] : vector<384x5xf32> to vector<384xf32>
    %mul3A_1516 = arith.constant -5.000000e-01 : f32
    %mul3A_1517 = vector.broadcast %mul3A_1516 : f32 to vector<384xf32>
    %mul3A_1518 = arith.mulf %mul3A_1517, %reduce_sum3A_1515 : vector<384xf32>
    %sub3A_1519 = arith.constant 4.59469271 : f32
    %sub3A_1520 = vector.broadcast %sub3A_1519 : f32 to vector<384xf32>
    %sub3A_1521 = arith.subf %mul3A_1518, %sub3A_1520 : vector<384xf32>
    %slice3A_1522 = vector.extract_strided_slice %get3A_11 {offsets = [4], sizes = [1], strides = [1]} : vector<8xf32> to vector<1xf32>
    %squeeze3A_1523 = vector.extract %slice3A_1522[0] : f32 from vector<1xf32>
    %add3A_1524 = vector.broadcast %squeeze3A_1523 : f32 to vector<384xf32>
    %add3A_1525 = arith.addf %sub3A_1521, %add3A_1524 : vector<384xf32>
    %add3A_1526 = arith.addf %add3A_1525, %sub3A_1501 : vector<384xf32>
    %slice3A_1527 = vector.extract_strided_slice %get3A_11 {offsets = [0], sizes = [1], strides = [1]} : vector<8xf32> to vector<1xf32>
    %squeeze3A_1528 = vector.extract %slice3A_1527[0] : f32 from vector<1xf32>
    %mul3A_1529 = vector.broadcast %squeeze3A_1528 : f32 to vector<384xf32>
    %mul3A_1530 = arith.mulf %mul3A_1529, %squeeze3A : vector<384xf32>
    %slice3A_1531 = vector.extract_strided_slice %get3A_11 {offsets = [1], sizes = [1], strides = [1]} : vector<8xf32> to vector<1xf32>
    %squeeze3A_1532 = vector.extract %slice3A_1531[0] : f32 from vector<1xf32>
    %add3A_1533 = vector.broadcast %squeeze3A_1532 : f32 to vector<384xf32>
    %add3A_1534 = arith.addf %mul3A_1530, %add3A_1533 : vector<384xf32>
    %mul3A_1535 = arith.mulf %add3A_1534, %add3A_1534 : vector<384xf32>
    %add3A_1536 = arith.constant 1.83787704 : f32
    %add3A_1537 = vector.broadcast %add3A_1536 : f32 to vector<384xf32>
    %add3A_1538 = arith.addf %mul3A_1535, %add3A_1537 : vector<384xf32>
    %mul3A_1539 = arith.constant -5.000000e-01 : f32
    %mul3A_1540 = vector.broadcast %mul3A_1539 : f32 to vector<384xf32>
    %mul3A_1541 = arith.mulf %mul3A_1540, %add3A_1538 : vector<384xf32>
    %slice3A_1542 = vector.extract_strided_slice %get3A_11 {offsets = [2], sizes = [1], strides = [1]} : vector<8xf32> to vector<1xf32>
    %squeeze3A_1543 = vector.extract %slice3A_1542[0] : f32 from vector<1xf32>
    %add3A_1544 = vector.broadcast %squeeze3A_1543 : f32 to vector<384xf32>
    %add3A_1545 = arith.addf %mul3A_1541, %add3A_1544 : vector<384xf32>
    %slice3A_1546 = vector.extract_strided_slice %get3A_11 {offsets = [5], sizes = [1], strides = [1]} : vector<8xf32> to vector<1xf32>
    %squeeze3A_1547 = vector.extract %slice3A_1546[0] : f32 from vector<1xf32>
    %mul3A_1548 = vector.broadcast %squeeze3A_1547 : f32 to vector<384xf32>
    %mul3A_1549 = arith.mulf %squeeze3A_1512, %mul3A_1548 : vector<384xf32>
    %min3A = arith.constant 5.000000e+00 : f32
    %min3A_1550 = vector.broadcast %min3A : f32 to vector<384xf32>
    %min3A_1551 = arith.minimumf %mul3A_1549, %min3A_1550 : vector<384xf32>
    %slice3A_1552 = vector.extract_strided_slice %get3A_11 {offsets = [6], sizes = [1], strides = [1]} : vector<8xf32> to vector<1xf32>
    %squeeze3A_1553 = vector.extract %slice3A_1552[0] : f32 from vector<1xf32>
    %mul3A_1554 = vector.broadcast %squeeze3A_1553 : f32 to vector<384xf32>
    %mul3A_1555 = arith.mulf %add3A_1545, %mul3A_1554 : vector<384xf32>
    %slice3A_1556 = vector.extract_strided_slice %get3A_11 {offsets = [3], sizes = [1], strides = [1]} : vector<8xf32> to vector<1xf32>
    %squeeze3A_1557 = vector.extract %slice3A_1556[0] : f32 from vector<1xf32>
    %mul3A_1558 = vector.broadcast %squeeze3A_1557 : f32 to vector<384xf32>
    %mul3A_1559 = arith.mulf %add3A_1526, %mul3A_1558 : vector<384xf32>
    %min3A_1560 = arith.constant 5.000000e+00 : f32
    %min3A_1561 = vector.broadcast %min3A_1560 : f32 to vector<384xf32>
    %min3A_1562 = arith.minimumf %mul3A_1559, %min3A_1561 : vector<384xf32>
    %add3A_1563 = arith.addf %min3A_1551, %mul3A_1555 : vector<384xf32>
    %add3A_1564 = arith.addf %add3A_1563, %min3A_1562 : vector<384xf32>
    %neg3A_1565 = arith.constant 0.000000e+00 : f32
    %neg3A_1566 = vector.broadcast %neg3A_1565 : f32 to vector<384xf32>
    %neg3A_1567 = arith.subf %neg3A_1566, %add3A_1564 : vector<384xf32>
    %jit3A = arith.constant 0.000000e+00 : f32
    %jit3A_1568 = arith.constant 5.000000e+00 : f32
    %max3A = vector.broadcast %jit3A : f32 to vector<384xf32>
    %max3A_1569 = arith.maximumf %max3A, %neg3A_1567 : vector<384xf32>
    %min3A_1570 = vector.broadcast %jit3A_1568 : f32 to vector<384xf32>
    %min3A_1571 = arith.minimumf %min3A_1570, %max3A_1569 : vector<384xf32>
    %reshape3A = vector.shape_cast %min3A_1571 : vector<384xf32> to vector<128x3xf32>
    %swap3A = arith.constant 0 : index
    %swap3A_1572 = arith.constant 0 : index
    %swap3A_1573 = vector.load %arg17[%swap3A, %swap3A_1572] : memref<128x3xf32, #tpu.memory_space<vmem>>, vector<128x3xf32>
    tpu.vector_store %arg17[%swap3A, %swap3A_1572], %reshape3A {strides = array<i32>} : memref<128x3xf32, #tpu.memory_space<vmem>>, vector<128x3xf32>,
    return
  }
  func.func @transform_0(%arg0: i32, %arg1: memref<148xi32, #tpu.memory_space<smem>>) -> (i32, i32) {
    %c0_i32 = arith.constant 0 : i32
    %c0_i32_0 = arith.constant 0 : i32
    return %arg0, %c0_i32 : i32, i32
  }
  func.func @transform_1(%arg0: i32, %arg1: memref<148xi32, #tpu.memory_space<smem>>) -> (i32, i32, i32) {
    %get3A = arith.index_cast %arg0 : i32 to index
    %get3A_0 = memref.load %arg1[%get3A] : memref<148xi32, #tpu.memory_space<smem>>
    %c0_i32 = arith.constant 0 : i32
    %c0_i32_1 = arith.constant 0 : i32
    %c0_i32_2 = arith.constant 0 : i32
    return %get3A_0, %c0_i32, %c0_i32_1 : i32, i32, i32
  }
  func.func @transform_2(%arg0: i32, %arg1: memref<148xi32, #tpu.memory_space<smem>>) -> (i32, i32, i32) {
    %get3A = arith.index_cast %arg0 : i32 to index
    %get3A_0 = memref.load %arg1[%get3A] : memref<148xi32, #tpu.memory_space<smem>>
    %c0_i32 = arith.constant 0 : i32
    %c0_i32_1 = arith.constant 0 : i32
    %c0_i32_2 = arith.constant 0 : i32
    return %get3A_0, %c0_i32, %c0_i32_1 : i32, i32, i32
  }
  func.func @transform_3(%arg0: i32, %arg1: memref<148xi32, #tpu.memory_space<smem>>) -> (i32, i32, i32, i32) {
    %get3A = arith.index_cast %arg0 : i32 to index
    %get3A_0 = memref.load %arg1[%get3A] : memref<148xi32, #tpu.memory_space<smem>>
    %c0_i32 = arith.constant 0 : i32
    %c0_i32_1 = arith.constant 0 : i32
    %c0_i32_2 = arith.constant 0 : i32
    %c0_i32_3 = arith.constant 0 : i32
    return %get3A_0, %c0_i32, %c0_i32_1, %c0_i32_2 : i32, i32, i32, i32
  }
  func.func @transform_4(%arg0: i32, %arg1: memref<148xi32, #tpu.memory_space<smem>>) -> (i32, i32, i32) {
    %get3A = arith.index_cast %arg0 : i32 to index
    %get3A_0 = memref.load %arg1[%get3A] : memref<148xi32, #tpu.memory_space<smem>>
    %c0_i32 = arith.constant 0 : i32
    %c0_i32_1 = arith.constant 0 : i32
    %c0_i32_2 = arith.constant 0 : i32
    return %get3A_0, %c0_i32, %c0_i32_1 : i32, i32, i32
  }
  func.func @transform_5(%arg0: i32, %arg1: memref<148xi32, #tpu.memory_space<smem>>) -> (i32, i32, i32, i32) {
    %get3A = arith.index_cast %arg0 : i32 to index
    %get3A_0 = memref.load %arg1[%get3A] : memref<148xi32, #tpu.memory_space<smem>>
    %c0_i32 = arith.constant 0 : i32
    %c0_i32_1 = arith.constant 0 : i32
    %c0_i32_2 = arith.constant 0 : i32
    %c0_i32_3 = arith.constant 0 : i32
    return %get3A_0, %c0_i32, %c0_i32_1, %c0_i32_2 : i32, i32, i32, i32
  }
  func.func @transform_6(%arg0: i32, %arg1: memref<148xi32, #tpu.memory_space<smem>>) -> (i32, i32, i32) {
    %get3A = arith.index_cast %arg0 : i32 to index
    %get3A_0 = memref.load %arg1[%get3A] : memref<148xi32, #tpu.memory_space<smem>>
    %c0_i32 = arith.constant 0 : i32
    %c0_i32_1 = arith.constant 0 : i32
    %c0_i32_2 = arith.constant 0 : i32
    return %get3A_0, %c0_i32, %c0_i32_1 : i32, i32, i32
  }
  func.func @transform_7(%arg0: i32, %arg1: memref<148xi32, #tpu.memory_space<smem>>) -> (i32, i32, i32, i32) {
    %get3A = arith.index_cast %arg0 : i32 to index
    %get3A_0 = memref.load %arg1[%get3A] : memref<148xi32, #tpu.memory_space<smem>>
    %c0_i32 = arith.constant 0 : i32
    %c0_i32_1 = arith.constant 0 : i32
    %c0_i32_2 = arith.constant 0 : i32
    %c0_i32_3 = arith.constant 0 : i32
    return %get3A_0, %c0_i32, %c0_i32_1, %c0_i32_2 : i32, i32, i32, i32
  }
  func.func @transform_8(%arg0: i32, %arg1: memref<148xi32, #tpu.memory_space<smem>>) -> (i32, i32, i32) {
    %get3A = arith.index_cast %arg0 : i32 to index
    %get3A_0 = memref.load %arg1[%get3A] : memref<148xi32, #tpu.memory_space<smem>>
    %c0_i32 = arith.constant 0 : i32
    %c0_i32_1 = arith.constant 0 : i32
    %c0_i32_2 = arith.constant 0 : i32
    return %get3A_0, %c0_i32, %c0_i32_1 : i32, i32, i32
  }
  func.func @transform_9(%arg0: i32, %arg1: memref<148xi32, #tpu.memory_space<smem>>) -> (i32, i32, i32, i32) {
    %get3A = arith.index_cast %arg0 : i32 to index
    %get3A_0 = memref.load %arg1[%get3A] : memref<148xi32, #tpu.memory_space<smem>>
    %c0_i32 = arith.constant 0 : i32
    %c0_i32_1 = arith.constant 0 : i32
    %c0_i32_2 = arith.constant 0 : i32
    %c0_i32_3 = arith.constant 0 : i32
    return %get3A_0, %c0_i32, %c0_i32_1, %c0_i32_2 : i32, i32, i32, i32
  }
  func.func @transform_10(%arg0: i32, %arg1: memref<148xi32, #tpu.memory_space<smem>>) -> (i32, i32, i32) {
    %get3A = arith.index_cast %arg0 : i32 to index
    %get3A_0 = memref.load %arg1[%get3A] : memref<148xi32, #tpu.memory_space<smem>>
    %c0_i32 = arith.constant 0 : i32
    %c0_i32_1 = arith.constant 0 : i32
    %c0_i32_2 = arith.constant 0 : i32
    return %get3A_0, %c0_i32, %c0_i32_1 : i32, i32, i32
  }
  func.func @transform_11(%arg0: i32, %arg1: memref<148xi32, #tpu.memory_space<smem>>) -> (i32, i32, i32, i32) {
    %get3A = arith.index_cast %arg0 : i32 to index
    %get3A_0 = memref.load %arg1[%get3A] : memref<148xi32, #tpu.memory_space<smem>>
    %c0_i32 = arith.constant 0 : i32
    %c0_i32_1 = arith.constant 0 : i32
    %c0_i32_2 = arith.constant 0 : i32
    %c0_i32_3 = arith.constant 0 : i32
    return %get3A_0, %c0_i32, %c0_i32_1, %c0_i32_2 : i32, i32, i32, i32
  }
  func.func @transform_12(%arg0: i32, %arg1: memref<148xi32, #tpu.memory_space<smem>>) -> (i32, i32, i32) {
    %get3A = arith.index_cast %arg0 : i32 to index
    %get3A_0 = memref.load %arg1[%get3A] : memref<148xi32, #tpu.memory_space<smem>>
    %c0_i32 = arith.constant 0 : i32
    %c0_i32_1 = arith.constant 0 : i32
    %c0_i32_2 = arith.constant 0 : i32
    return %get3A_0, %c0_i32, %c0_i32_1 : i32, i32, i32
  }
  func.func @transform_13(%arg0: i32, %arg1: memref<148xi32, #tpu.memory_space<smem>>) -> (i32, i32, i32, i32) {
    %get3A = arith.index_cast %arg0 : i32 to index
    %get3A_0 = memref.load %arg1[%get3A] : memref<148xi32, #tpu.memory_space<smem>>
    %c0_i32 = arith.constant 0 : i32
    %c0_i32_1 = arith.constant 0 : i32
    %c0_i32_2 = arith.constant 0 : i32
    %c0_i32_3 = arith.constant 0 : i32
    return %get3A_0, %c0_i32, %c0_i32_1, %c0_i32_2 : i32, i32, i32, i32
  }
  func.func @transform_14(%arg0: i32, %arg1: memref<148xi32, #tpu.memory_space<smem>>) -> (i32, i32, i32) {
    %get3A = arith.index_cast %arg0 : i32 to index
    %get3A_0 = memref.load %arg1[%get3A] : memref<148xi32, #tpu.memory_space<smem>>
    %c0_i32 = arith.constant 0 : i32
    %c0_i32_1 = arith.constant 0 : i32
    %c0_i32_2 = arith.constant 0 : i32
    return %get3A_0, %c0_i32, %c0_i32_1 : i32, i32, i32
  }
  func.func @transform_15(%arg0: i32, %arg1: memref<148xi32, #tpu.memory_space<smem>>) -> (i32, i32) {
    %c0_i32 = arith.constant 0 : i32
    %c0_i32_0 = arith.constant 0 : i32
    return %arg0, %c0_i32 : i32, i32
  }
}

</mosaic_0001>

<sc_bundles>
// kernel: gather_offload_async_start.1
scs
__scs_entry_jumppad:
0x0: {  	(pc) =	sbr.rel $0x88, $3  }
0x1: {  	(tag) =	ssettag $0x0;
	lr =	simm.s32 $0x1  }
0x2: {  	[smem:$0x3F9C] =	sst lr;
	_ =	strace $0xD0000000  }
0x3: {  	_ = 	snop  }
0x4: {  	_ = 	snop  }
0x5: {  	_ = 	snop  }
0x6: {  	_ = 	snop  }
0x7: {  	_ = 	snop  }
__scs_overlays_trampoline_lowered:
0x8: {  	[smem:$0x3FAB] =	sst s0  }
0x9: {  	[smem:$0x3FAC] =	sst s1  }
0xa: {  	[smem:$0x3FAD] =	sst s2  }
0xb: {  	[smem:$0x3FAE] =	sst s3  }
0xc: {  	[smem:$0x3FAF] =	sst s4  }
0xd: {  	[smem:$0x3FB0] =	sst s5  }
0xe: {  	[smem:$0x3FB1] =	sst s6  }
0xf: {  	[smem:$0x3FB2] =	sst s7  }
0x10: {  	[smem:$0x3FB3] =	sst s8  }
0x11: {  	[smem:$0x3FB4] =	sst s9;
	s0 =	simm.s32 @!p0 $0x0  }
0x12: {  	s1 =	sld [smem:$0x3F9A];
	s0 =	simm.s32 @p0 $0x1  }
0x13: {  	[smem:$0x3FB5] =	sst s0;
	s0 =	simm.s32 @!p1 $0x0  }
0x14: {  	s2 =	sld [smem:$0x3F99];
	s0 =	simm.s32 @p1 $0x1  }
0x15: {  	[smem:$0x3FB6] =	sst s0;
	s0 =	simm.s32 @!p2 $0x0  }
0x16: {  	s3 =	sld [smem:$0x3FDB];
	s0 =	simm.s32 @p2 $0x1  }
0x17: {  	s4 =	simm.s32 $0x1BF5;
	[smem:$0x3FB8] =	sst s0  }
0x18: {  	s0 =	sld [smem:$0x3F9B];
	_ =	swait.ge [sflag:s4], $0x0  }
0x19: {  	s7 =	sld [smem:$0x3F9C]  }
0x1a: {  	s8 =	sadd.s32 $0xFFFFE003, lr  }
0x1b: {  	s9 =	sadd.s32 $0xFFFFFEF7, lr;
	s5 =	simm.s32 $0xFFFFFFFF;
	p2 =	slt.u32 s8, $0xFFFFF086  }
0x1c: {  	p1 =	slt.u32 s9, $0xF7A;
	s5 =	simm.s32 @!p2 $0x0  }
0x1d: {  	s5 =	simm.s32 @p1 $0x1;
	p0 =	seq.s32 s7, s2  }
0x1e: {  	s7 =	smul.u32 @!p0 $0xF7A, s2;
	p2 =	seq.s32 @!p0 s5, $0x0  }
0x1f: {  	s9 =	smul.u32 $0xF7A, s1;
	s8 =	simm.s32 @!p0 $0x1BF5;
	p2 =	por !p2, p0  }
0x20: {  	[sflag:s8] =	ssyncset.s32 @!p0 $0xFFFFF086;
	s6 =	sadd.s32 @!p0 s3, s7;
	s7 =	simm.s32 @!p0 $0x108  }
0x21: {  	s3 =	sadd.s32 s3, s9;
	s6 =	sadd.s32 @!p0 $0x88, s6;
	s7 =	simm.s32 @p2 $0x1082  }
0x22: {  	[simem:s7], [sflag:s8] =	dma.local @!p0 [hbm:s6], $0xF7A  }
0x23: {  	s9 =	sor.u32 $0xD0000000, s2;
	s6 =	simm.s32 $0x108;
	_ =	swait.ge @!p0 [sflag:s8], $0x0  }
0x24: {  	s3 =	sadd.s32 $0x88, s3;
	s6 =	simm.s32 @!p1 $0x1082;
	[sflag:s4] =	ssyncset.s32 $0xFFFFF086  }
0x25: {  	[simem:s6], [sflag:s4] =	dma.local [hbm:s3], $0xF7A  }
0x26: {  	[smem:$0x3F9C] =	sst s1;
	(tag) =	ssettag s2;
	_ =	strace s9  }
0x27: {  	s1 =	sld [smem:$0x3FAC]  }
0x28: {  	s2 =	sld [smem:$0x3FAD]  }
0x29: {  	s4 =	sld [smem:$0x3FAF]  }
0x2a: {  	p0 =	seq.s32 s5, $0x0;
	s5 =	sld [smem:$0x3FB0]  }
0x2b: {  	s6 =	sld [smem:$0x3FB1]  }
0x2c: {  	s7 =	sld [smem:$0x3FB2]  }
0x2d: {  	s3 =	simm.s32 $0x108;
	s8 =	sld [smem:$0x3FB3]  }
0x2e: {  	s3 =	simm.s32 @!p0 $0x1082;
	s9 =	sld [smem:$0x3FB4]  }
0x2f: {  	lr =	sadd.s32 s0, s3;
	s0 =	sld [smem:$0x3FAB]  }
0x30: {  	s3 =	sld [smem:$0x3FAE]  }
0x31: {  	[smem:$0x3FB7] =	sst s10  }
0x32: {  	s10 =	sld [smem:$0x3FB5];
	_ =	sdelay $0x3  }
0x33: {  	p0 =	seq.s32 s10, $0x1;
	s10 =	sld [smem:$0x3FB7];
	_ =	sdelay $0x3  }
0x34: {  	[smem:$0x3FB7] =	sst s10  }
0x35: {  	s10 =	sld [smem:$0x3FB6];
	_ =	sdelay $0x3  }
0x36: {  	p1 =	seq.s32 s10, $0x1;
	s10 =	sld [smem:$0x3FB7];
	_ =	sdelay $0x3  }
0x37: {  	[smem:$0x3FB7] =	sst s10  }
0x38: {  	s10 =	sld [smem:$0x3FB8]  }
0x39: {  	_ = 	snop;
	(pc) =	sbr.ind lr, $3  }
0x3a: {  	_ = 	snop  }
0x3b: {  	_ = 	snop  }
0x3c: {  	p2 =	seq.s32 s10, $0x1;
	s10 =	sld [smem:$0x3FB7]  }
0x3d: {  	_ =	shalt  }
0x3e: {  	_ =	shalt  }
0x3f: {  	_ =	shalt  }
0x40: {  	_ =	shalt  }
0x41: {  	_ =	shalt  }
0x42: {  	_ =	shalt  }
0x43: {  	_ =	shalt  }
0x44: {  	_ =	shalt  }
0x45: {  	_ =	shalt  }
0x46: {  	_ =	shalt  }
0x47: {  	_ =	shalt  }
0x48: {  	_ =	shalt  }
0x49: {  	_ =	shalt  }
0x4a: {  	_ =	shalt  }
0x4b: {  	_ =	shalt  }
0x4c: {  	_ =	shalt  }
0x4d: {  	_ =	shalt  }
0x4e: {  	_ =	shalt  }
0x4f: {  	_ =	shalt  }
0x50: {  	_ =	shalt  }
0x51: {  	_ =	shalt  }
0x52: {  	_ =	shalt  }
0x53: {  	_ =	shalt  }
0x54: {  	_ =	shalt  }
0x55: {  	_ =	shalt  }
0x56: {  	_ =	shalt  }
0x57: {  	_ =	shalt  }
0x58: {  	_ =	shalt  }
0x59: {  	_ =	shalt  }
0x5a: {  	_ =	shalt  }
0x5b: {  	_ =	shalt  }
0x5c: {  	_ =	shalt  }
0x5d: {  	_ =	shalt  }
0x5e: {  	_ =	shalt  }
0x5f: {  	_ =	shalt  }
0x60: {  	_ =	shalt  }
0x61: {  	_ =	shalt  }
0x62: {  	_ =	shalt  }
0x63: {  	_ =	shalt  }
0x64: {  	_ =	shalt  }
0x65: {  	_ =	shalt  }
0x66: {  	_ =	shalt  }
0x67: {  	_ =	shalt  }
0x68: {  	_ =	shalt  }
0x69: {  	_ =	shalt  }
0x6a: {  	_ =	shalt  }
0x6b: {  	_ =	shalt  }
0x6c: {  	_ =	shalt  }
0x6d: {  	_ =	shalt  }
0x6e: {  	_ =	shalt  }
0x6f: {  	_ =	shalt  }
0x70: {  	_ =	shalt  }
0x71: {  	_ =	shalt  }
0x72: {  	_ =	shalt  }
0x73: {  	_ =	shalt  }
0x74: {  	_ =	shalt  }
0x75: {  	_ =	shalt  }
0x76: {  	_ =	shalt  }
0x77: {  	_ =	shalt  }
0x78: {  	_ =	shalt  }
0x79: {  	_ =	shalt  }
0x7a: {  	_ =	shalt  }
0x7b: {  	_ =	shalt  }
0x7c: {  	_ =	shalt  }
0x7d: {  	_ =	shalt  }
0x7e: {  	_ =	shalt  }
0x7f: {  	_ =	shalt  }
0x80: {  	_ =	shalt  }
0x81: {  	_ =	shalt  }
0x82: {  	_ =	shalt  }
0x83: {  	_ =	shalt  }
0x84: {  	_ =	shalt  }
0x85: {  	_ =	shalt  }
0x86: {  	_ =	shalt  }
0x87: {  	_ =	shalt  }
.Lfunc_end0:
.L_simem_size_0:
called_computation.2_lowered:
.L_overlay_start_0:
0x88: {  	s2 =	sld [smem:$0x3FD9]  }
0x89: {  	s3 =	sld [smem:$0x3FFE];
	_ =	sdelay $0x1  }
0x8a: {  	s1 =	srdreg.scid  }
0x8b: {  	s0 =	sand.u32 $0x1, s1  }
0x8c: {  	s14 =	sshll.u32 s0, $0xA;
	s2 =	sadd.s32 s3, s2  }
0x8d: {  	s2 =	sadd.s32 s2, s14  }
0x8e: {  	[smem:$0x3FC3] =	sst s2  }
0x8f: {  	_ = 	snop  }
0x90: {  	s2 =	sld [smem:$0x3FD0];
	_ =	sdelay $0x2  }
0x91: {  	s15 =	simm.s32 $0xA;
	s4 =	simm.s32 $0x10  }
0x92: {  	[smem:s4], [sflag:s15] =	dma.local [hbm:s2], $0x1  }
0x93: {  	_ =	swait.eq [sflag:s15], $0x1  }
0x94: {  	[sflag:s15] =	ssyncset.done $0x0  }
0x95: {  	[sflag:s15] =	ssyncadd.s32 $0xFFFFFFFF  }
0x96: {  	s16 =	sld [smem:$0x11];
	(tm) =	ssettm $0x1  }
0x97: {  	s17 =	sld [smem:$0x3FFB];
	_ =	sdelay $0x3  }
0x98: {  	_ =	strace s17  }
0x99: {  	s3 =	sld [smem:$0x3FFC];
	_ =	sdelay $0x3  }
0x9a: {  	_ =	strace s3  }
0x9b: {  	s3 =	sld [smem:$0x3FFD];
	_ =	sdelay $0x3  }
0x9c: {  	_ =	strace s3  }
0x9d: {  	_ =	strace $0x8FFFFFFF  }
0x9e: {  	s18 =	sld [smem:$0x3FDB];
	_ =	sdelay $0x1  }
0x9f: {  	s19 =	simm.s32 $_scs_section_size  }
0xa0: {  	s5 =	simm.s32 $_size__tile_overlayer_lowered;
	s6 =	simm.s32 $_tile_overlayer_lowered  }
0xa1: {  	s22 =	simm.s32 $0x1BFF;
	s21 =	sshll.u32 s6, $0x1;
	s3 =	sadd.s32 s19, s18  }
0xa2: {  	s7 =	simm.s32 $0x0;
	s20 =	sshll.u32 s5, $0x1;
	s5 =	sadd.s32 s21, s3  }
0xa3: {  	[timem:s7], [sflag:s22] =	dma.local [hbm:s5], s20  }
0xa4: {  	_ =	swait.ge [sflag:s22], s20  }
0xa5: {  	s4 =	ssub.s32 $0x0, s20;
	[sflag:s22] =	ssyncset.done $0x0  }
0xa6: {  	[sflag:s22] =	ssyncadd.s32 s4;
	_ =	sdelay $0x1  }
0xa7: {  	s23 =	simm.s32 $0x1B8B  }
0xa8: {  	_ =	swait.ge [sflag:s23], $0x1  }
0xa9: {  	[sflag:s23] =	ssyncset.done $0x0  }
0xaa: {  	s25 =	simm.s32 $0x1B8E;
	s24 =	sld [smem:$0x3FFE];
	[sflag:s23] =	ssyncadd.s32 $0xFFFFFFFF  }
0xab: {  	s26 =	simm.s32 $execute0_lowered;
	[smem:$0x3FD2] =	sst s25  }
0xac: {  	s5 =	sshll.u32 s26, $0x1;
	_ =	strace $0x8000004C;
	[dreg:$0x1] =	wrdreg $0xFFFFFFFF  }
0xad: {  	s28 =	simm.s32 $_size_execute0_lowered;
	s3 =	sadd.s32 s3, s5;
	[dreg:$0x0] =	wrdreg $0x0  }
0xae: {  	s5 =	sshll.u32 s28, $0x1;
	[dreg:$0x2] =	wrdreg s3  }
0xaf: {  	[dreg:$0x3] =	wrdreg s5  }
0xb0: {  	[dreg:$0x4] =	wrdreg $0xC0  }
0xb1: {  	_ =	task [dreg:s7], $0x5FFFF  }
0xb2: {  	[dreg:$0x1] =	wrdreg $0xFFFFFFFF  }
0xb3: {  	[dreg:$0x0] =	wrdreg $0x60  }
0xb4: {  	[dreg:$0x2] =	wrdreg s24  }
0xb5: {  	[dreg:$0x3] =	wrdreg s16  }
0xb6: {  	[dreg:$0x4] =	wrdreg $0x9  }
0xb7: {  	_ =	task.clear_ibuf [dreg:s7], $0x5FFFF;
	_ =	strace $0x9000004C  }
0xb8: {  	s29 =	simm.s32 $0x9;
	_ =	strace $0x8000004E  }
0xb9: {  	_ =	swait.ge [sflag:s29], $0x1  }
0xba: {  	[sflag:s29] =	ssyncadd.s32 $0xFFFFFFFF  }
0xbb: {  	_ =	strace $0x9000004E  }
0xbc: {  	_ =	sfence  }
0xbd: {  	s30 =	sld [smem:$0x0];
	_ =	sdelay $0x2  }
0xbe: {  	s31 =	sshll.u32 s1, $0xD;
	s1 =	sshrl.u32 s1, $0x2  }
0xbf: {  	s3 =	sand.u32 $0x4000, s31;
	s1 =	sadd.s32 s1, s30  }
0xc0: {  	s0 =	sor.u32 s3, s0;
	s1 =	sshll.u32 s1, $0x11  }
0xc1: {  	s0 =	sor.u32 s1, s0  }
0xc2: {  	s0 =	sadd.s32 $0x8F2B, s0  }
0xc3: {  	[sflag:s0] =	ssyncadd.remote.s32 $0x1  }
0xc4: {  	_ =	sfence.sel $0xFFFF  }
0xc5: {  	[dreg:$0x0] =	wrdreg $0xFFFFFFFF;
	(pc) =	sbr.abs _section_cstart, $3  }
0xc6: {  	[dreg:$0x1] =	wrdreg $0xFFFFFFFF  }
0xc7: {  	_ =	task.clear_ibuf [dreg:s7], $0x2FFFF;
	_ =	strace $0x9FFFFFFF  }
0xc8: {  	(tm) =	ssettm $0x7FFFFFFF  }
0xc9: {  	_ =	shalt  }
tec
execute0_lowered:
.L_overlay_start_1:
0x0: {  	(tag) =	ssettag $0x1  }
0x1: {  	s0 =	srdreg.scid  }
0x2: {  	s1 =	sshll.u32 s0, $0x4  }
0x3: {  	s0 =	stileid.u32;
	s1 =	sand.u32 $0x10, s1  }
0x4: {  	s9 =	rddreg [dreg:$0x0];
	s1 =	sor.u32 s0, s1  }
0x5: {  	s6 =	simm.s32 $0x1;
	s2 =	smin.u32 s1, $0xA;
	s3 =	sshll.u32 s1, $0x9  }
0x6: {  	p0 =	slt.u32 s1, $0xA;
	s1 =	simm.s32 $0x300;
	s2 =	sshll.u32 s2, $0x8  }
0x7: {  	s7 =	simm.s32 $0x2;
	s1 =	simm.s32 @!p0 $0x200;
	s2 =	sadd.s32 s3, s2  }
0x8: {  	s10 =	simm.s32 $0x3;
	s13 =	simm.s32 $0x0;
	s4 =	sadd.s32 s1, s2  }
0x9: {  	s12 =	simm.s32 $0x0;
	s5 =	sadd.s32 $0x2000, s9;
	s4 =	smin.u32 s4, $0x4A00  }
.Ltmp0:
0xa: {  	s3 =	rddreg [dreg:$0x1];
	s8 =	ssub.s32 s4, s2;
	(pc) =	sbr.rel .LBB2_1-.Ltmp0, $4  }
0xb: {  	s1 =	rddreg [dreg:$0x2];
	_ =	strace $0x8000004D;
	p0 =	sgt.s32 s8, $0x0  }
0xc: {  	s9 =	sadd.s32 $0x42000, s9;
	[sflag:s6] =	ssyncpa.u1 $0x0;
	s8 =	simm.s32 @!p0 $0x0  }
0xd: {  	s11 =	smov.u32 s2;
	[sflag:s7] =	ssyncpa.u1 $0x0;
	s8 =	sshrl.u32 s8, $0x8  }
0xe: {  	vm0 =	vmmov $0xff;
	vm1 =	vcmask $0x3F20;
	[sflag:s10] =	ssyncpa.u1 $0x0;
	p0 =	por $0x0, $0x0;
	s10 =	sadd.s32 $0x1, s8  }
.LBB2_6:
0xf: {  	[hbm:s17] =	stream.linear.scatter [tilespmem:s14], [sflag:$0x3], $0x400, $0x38;
	[tilespmem:$0x10200] =	vst v63  }
.LBB2_7:
0x10: {  	s13 =	sadd.s32 $0x100, s11  }
0x11: {  	s15 =	smov.u32 s2;
	p2 =	slt.s32 s13, s4  }
0x12: {  	s15 =	smov.u32 @p2 s13;
	p2 =	sne.s32 s12, s10  }
.Ltmp1:
0x13: {  	p1 =	slt.u32 s12, $0x2;
	(pc) =	sbr.rel @!p2 .LBB2_8-.Ltmp1, $4  }
0x14: {  	s14 =	simm.s32 @!p1 $0x3  }
0x15: {  	s16 =	sadd.s32 $0x1, s12;
	_ =	swait.ge @!p1 [sflag:s14], $0x8000  }
0x16: {  	p0 =	por !p0, !p0;
	s13 =	smov.u32 s11;
	[sflag:s14] =	ssyncset.done @!p1 $0x0  }
0x17: {  	s12 =	smov.u32 s16;
	s11 =	smov.u32 s15;
	[sflag:s14] =	ssyncadd.s32 @!p1 $0xFFFF8000  }
.LBB2_1:
0x18: {  	p1 =	sge.u32 s12, s8  }
0x19: {  	s14 =	sxor.u32 @!p1 $0xFFFFFFFF, s12  }
0x1a: {  	s31 =	sadd.s32 $0xFFFFFFFF, s12;
	s15 =	sshrl.u32 @!p1 s11, $0x3;
	s14 =	sshll.u32 @!p1 s14, $0x8  }
0x1b: {  	s16 =	sand.u32 @!p1 $0x7, s11;
	s15 =	sadd.s32 @!p1 s3, s15;
	s14 =	sand.u32 @!p1 $0x100, s14  }
0x1c: {  	[tilespmem:s14], [sflag:$0x2] =	stream.linear.gather @!p1 [hbm4b:s15+s16], $0x100, $0x38;
	[tilespmem:$0x10200] =	vst v63  }
0x1d: {  	p1 =	sge.u32 s31, s8  }
.Ltmp2:
0x1e: {  	_ = 	snop;
	(pc) =	sbr.rel @p1 .LBB2_7-.Ltmp2, $1  }
0x1f: {  	_ =	sdelay $0x3  }
0x20: {  	s14 =	simm.s32 $0x1  }
0x21: {  	_ =	swait.ge [sflag:s7], $0x100;
	s14 =	simm.s32 @!p0 $0x0  }
0x22: {  	[sflag:s7] =	ssyncset.done $0x0;
	s16 =	sshll.u32 s14, $0x8  }
0x23: {  	[sflag:s7] =	ssyncadd.s32 $0xFFFFFF00;
	s15 =	sadd.s32 $0x0, s16  }
0x24: {  	v0 =	vld.msk [tilespmem:s15+$0x0 ss:$0x1], $0xffff;
	_ =	sdelay $0x4  }
0x25: {  	vm2 =	vgt.s32 v0, $0x0  }
0x26: {  	v0 =	vnsel vm2, $0x0, v0  }
0x27: {  	v0 =	vmin.u32 v0, $0x3FFF  }
0x28: {  	v0 =	vshll.u32 v0, $0x4;
	_ =	sdelay $0x2  }
0x29: {  	s14 =	sshll.u32 s14, $0xF  }
0x2a: {  	s14 =	sor.u32 $0x200, s14  }
0x2b: {  	[tilespmem:s14], [sflag:$0x1] =	stream.indirect_vreg.gather [hbm:s5], $0x80, v0, vm0, $0x38;
	[tilespmem:$0x10200] =	vst v63  }
0x2c: {  	s17 =	sadd.s32 $0x10, s16;
	s15 =	sadd.s32 $0x400, s14  }
0x2d: {  	[tilespmem:s15], [sflag:$0x1] =	stream.indirect_vreg.gather [hbm:s5], $0x80, v0, vm1, $0x38;
	[tilespmem:$0x10200] =	vst v63  }
0x2e: {  	s18 =	simm.s32 $0x80;
	v0 =	vld.msk [tilespmem:s17+$0x0 ss:$0x1], $0xffff;
	s17 =	smov.u32 s14  }
.LBB2_3:
0x2f: {  	p1 =	sne.s32 s18, $0x3C0;
	_ =	sdelay $0x4  }
0x30: {  	vm2 =	vgt.s32 v0, $0x0  }
0x31: {  	v0 =	vnsel vm2, $0x0, v0  }
0x32: {  	v0 =	vmin.u32 v0, $0x3FFF  }
0x33: {  	v0 =	vshll.u32 v0, $0x4;
	_ =	sdelay $0x3  }
.Ltmp3:
0x34: {  	s19 =	sshra.s32 s18, $0x2;
	s17 =	sadd.s32 $0x800, s17;
	(pc) =	sbr.rel @p1 .LBB2_3-.Ltmp3, $4  }
0x35: {  	[tilespmem:s17], [sflag:$0x1] =	stream.indirect_vreg.gather [hbm:s5], $0x80, v0, vm0, $0x38;
	[tilespmem:$0x10200] =	vst v63  }
0x36: {  	s19 =	sadd.s32 s19, s16;
	s20 =	sadd.s32 $0x400, s17  }
0x37: {  	[tilespmem:s20], [sflag:$0x1] =	stream.indirect_vreg.gather [hbm:s5], $0x80, v0, vm1, $0x38;
	[tilespmem:$0x10200] =	vst v63  }
0x38: {  	s18 =	sadd.s32 $0x40, s18;
	v0 =	vld.msk [tilespmem:s19+$0x0 ss:$0x1], $0xffff  }
0x39: {  	_ =	sdelay $0x3  }
0x3a: {  	vm2 =	vgt.s32 v0, $0x0  }
0x3b: {  	v0 =	vnsel vm2, $0x0, v0  }
0x3c: {  	v0 =	vmin.u32 v0, $0x3FFF  }
0x3d: {  	v0 =	vshll.u32 v0, $0x4;
	_ =	sdelay $0x3  }
0x3e: {  	s16 =	sadd.s32 $0x800, s17  }
0x3f: {  	[tilespmem:s16], [sflag:$0x1] =	stream.indirect_vreg.gather [hbm:s5], $0x80, v0, vm0, $0x38;
	[tilespmem:$0x10200] =	vst v63  }
0x40: {  	s16 =	sadd.s32 $0x400, s16  }
0x41: {  	[tilespmem:s16], [sflag:$0x1] =	stream.indirect_vreg.gather [hbm:s5], $0x80, v0, vm1, $0x38;
	[tilespmem:$0x10200] =	vst v63  }
0x42: {  	s13 =	sshll.u32 s13, $0x4;
	_ =	swait.ge [sflag:s6], $0x8000  }
0x43: {  	s13 =	sadd.s32 s13, s9;
	[sflag:s6] =	ssyncset.done $0x0  }
0x44: {  	s17 =	sadd.s32 $0x0, s13;
	s16 =	simm.s32 $0x80;
	[sflag:s6] =	ssyncadd.s32 $0xFFFF8000  }
.LBB2_5:
0x45: {  	[hbm:s17] =	stream.linear.scatter [tilespmem:s14], [sflag:$0x3], $0x400, $0x38;
	[tilespmem:$0x10200] =	vst v63  }
0x46: {  	s17 =	smov.u32 s16;
	s14 =	smov.u32 s15;
	p1 =	sne.s32 s16, $0xF80  }
.Ltmp4:
0x47: {  	s16 =	sadd.s32 $0x80, s16;
	(pc) =	sbr.rel @p1 .LBB2_5-.Ltmp4, $2  }
0x48: {  	_ =	sdelay $0x2  }
0x49: {  	s15 =	sadd.s32 $0x400, s15;
	s17 =	sadd.s32 s17, s13  }
.Ltmp5:
0x4a: {  	_ = 	snop;
	(pc) =	sbr.rel .LBB2_6-.Ltmp5, $1  }
0x4b: {  	_ =	sdelay $0x3  }
.LBB2_8:
0x4c: {  	_ =	sfence.sel $0x180000  }
0x4d: {  	s2 =	simm.s32 $0x2;
	[bflag:$0x0] =	sbarrier.arrive $0xFFFF  }
0x4e: {  	s30 =	simm.s32 $0x3;
	[sflag:s2] =	ssyncpa.u1 $0x1  }
0x4f: {  	s31 =	simm.s32 $0x1;
	[sflag:s30] =	ssyncpa.u1 $0x1  }
0x50: {  	[sflag:s31] =	ssyncpa.u1 $0x1  }
0x51: {  	p0 =	sne.s32 s0, $0x0;
	_ =	strace $0x9000004D  }
0x52: {  	s0 =	sadd.s32 @!p0 $0x100000, s1;
	[bflag:$0x2] =	sbarrier.arrive $0xFFFF  }
0x53: {  	[sflag:s0] =	ssyncadd.tile.s32 @!p0 $0x1;
	_ =	shalt  }
.Lfunc_end2:
_tile_overlayer_lowered:
.L_overlay_start_2:
0x54: {  	(tag) =	ssettag $0x2  }
0x55: {  	s0 =	rddreg [dreg:$0x0];
	s2 =	stileid.u32  }
0x56: {  	s1 =	rddreg [dreg:$0x1];
	p0 =	sne.s32 s2, $0x0  }
0x57: {  	s3 =	rddreg [dreg:$0x2];
	[bflag:$0x3] =	sbarrier.arrive $0xFFFF;
	s2 =	simm.s32 @!p0 $0x1C01  }
0x58: {  	[timem:s3], [sflag:s2] =	dma.local @!p0 [hbm:s0], s1  }
0x59: {  	s0 =	simm.s32 @!p0 $0x1  }
0x5a: {  	_ =	swait.ge @!p0 [sflag:s0], s1  }
0x5b: {  	s1 =	ssub.s32 @!p0 $0x0, s1;
	[sflag:s0] =	ssyncset.done @!p0 $0x0  }
0x5c: {  	[sflag:s0] =	ssyncadd.s32 @!p0 s1  }
0x5d: {  	[bflag:$0x3] =	sbarrier.arrive $0xFFFF  }
0x5e: {  	_ =	shalt  }

// kernel: gather_offload_async_start.2
scs
__scs_entry_jumppad:
0x0: {  	(pc) =	sbr.rel $0x88, $3  }
0x1: {  	(tag) =	ssettag $0x0;
	lr =	simm.s32 $0x1  }
0x2: {  	[smem:$0x3F9C] =	sst lr;
	_ =	strace $0xD0000000  }
0x3: {  	_ = 	snop  }
0x4: {  	_ = 	snop  }
0x5: {  	_ = 	snop  }
0x6: {  	_ = 	snop  }
0x7: {  	_ = 	snop  }
__scs_overlays_trampoline_lowered:
0x8: {  	[smem:$0x3FAB] =	sst s0  }
0x9: {  	[smem:$0x3FAC] =	sst s1  }
0xa: {  	[smem:$0x3FAD] =	sst s2  }
0xb: {  	[smem:$0x3FAE] =	sst s3  }
0xc: {  	[smem:$0x3FAF] =	sst s4  }
0xd: {  	[smem:$0x3FB0] =	sst s5  }
0xe: {  	[smem:$0x3FB1] =	sst s6  }
0xf: {  	[smem:$0x3FB2] =	sst s7  }
0x10: {  	[smem:$0x3FB3] =	sst s8  }
0x11: {  	[smem:$0x3FB4] =	sst s9;
	s0 =	simm.s32 @!p0 $0x0  }
0x12: {  	s1 =	sld [smem:$0x3F9A];
	s0 =	simm.s32 @p0 $0x1  }
0x13: {  	[smem:$0x3FB5] =	sst s0;
	s0 =	simm.s32 @!p1 $0x0  }
0x14: {  	s2 =	sld [smem:$0x3F99];
	s0 =	simm.s32 @p1 $0x1  }
0x15: {  	[smem:$0x3FB6] =	sst s0;
	s0 =	simm.s32 @!p2 $0x0  }
0x16: {  	s3 =	sld [smem:$0x3FDB];
	s0 =	simm.s32 @p2 $0x1  }
0x17: {  	s4 =	simm.s32 $0x1BF5;
	[smem:$0x3FB8] =	sst s0  }
0x18: {  	s0 =	sld [smem:$0x3F9B];
	_ =	swait.ge [sflag:s4], $0x0  }
0x19: {  	s7 =	sld [smem:$0x3F9C]  }
0x1a: {  	s8 =	sadd.s32 $0xFFFFE003, lr  }
0x1b: {  	s9 =	sadd.s32 $0xFFFFFEF7, lr;
	s5 =	simm.s32 $0xFFFFFFFF;
	p2 =	slt.u32 s8, $0xFFFFF086  }
0x1c: {  	p1 =	slt.u32 s9, $0xF7A;
	s5 =	simm.s32 @!p2 $0x0  }
0x1d: {  	s5 =	simm.s32 @p1 $0x1;
	p0 =	seq.s32 s7, s2  }
0x1e: {  	s7 =	smul.u32 @!p0 $0xF7A, s2;
	p2 =	seq.s32 @!p0 s5, $0x0  }
0x1f: {  	s9 =	smul.u32 $0xF7A, s1;
	s8 =	simm.s32 @!p0 $0x1BF5;
	p2 =	por !p2, p0  }
0x20: {  	[sflag:s8] =	ssyncset.s32 @!p0 $0xFFFFF086;
	s6 =	sadd.s32 @!p0 s3, s7;
	s7 =	simm.s32 @!p0 $0x108  }
0x21: {  	s3 =	sadd.s32 s3, s9;
	s6 =	sadd.s32 @!p0 $0x88, s6;
	s7 =	simm.s32 @p2 $0x1082  }
0x22: {  	[simem:s7], [sflag:s8] =	dma.local @!p0 [hbm:s6], $0xF7A  }
0x23: {  	s9 =	sor.u32 $0xD0000000, s2;
	s6 =	simm.s32 $0x108;
	_ =	swait.ge @!p0 [sflag:s8], $0x0  }
0x24: {  	s3 =	sadd.s32 $0x88, s3;
	s6 =	simm.s32 @!p1 $0x1082;
	[sflag:s4] =	ssyncset.s32 $0xFFFFF086  }
0x25: {  	[simem:s6], [sflag:s4] =	dma.local [hbm:s3], $0xF7A  }
0x26: {  	[smem:$0x3F9C] =	sst s1;
	(tag) =	ssettag s2;
	_ =	strace s9  }
0x27: {  	s1 =	sld [smem:$0x3FAC]  }
0x28: {  	s2 =	sld [smem:$0x3FAD]  }
0x29: {  	s4 =	sld [smem:$0x3FAF]  }
0x2a: {  	p0 =	seq.s32 s5, $0x0;
	s5 =	sld [smem:$0x3FB0]  }
0x2b: {  	s6 =	sld [smem:$0x3FB1]  }
0x2c: {  	s7 =	sld [smem:$0x3FB2]  }
0x2d: {  	s3 =	simm.s32 $0x108;
	s8 =	sld [smem:$0x3FB3]  }
0x2e: {  	s3 =	simm.s32 @!p0 $0x1082;
	s9 =	sld [smem:$0x3FB4]  }
0x2f: {  	lr =	sadd.s32 s0, s3;
	s0 =	sld [smem:$0x3FAB]  }
0x30: {  	s3 =	sld [smem:$0x3FAE]  }
0x31: {  	[smem:$0x3FB7] =	sst s10  }
0x32: {  	s10 =	sld [smem:$0x3FB5];
	_ =	sdelay $0x3  }
0x33: {  	p0 =	seq.s32 s10, $0x1;
	s10 =	sld [smem:$0x3FB7];
	_ =	sdelay $0x3  }
0x34: {  	[smem:$0x3FB7] =	sst s10  }
0x35: {  	s10 =	sld [smem:$0x3FB6];
	_ =	sdelay $0x3  }
0x36: {  	p1 =	seq.s32 s10, $0x1;
	s10 =	sld [smem:$0x3FB7];
	_ =	sdelay $0x3  }
0x37: {  	[smem:$0x3FB7] =	sst s10  }
0x38: {  	s10 =	sld [smem:$0x3FB8]  }
0x39: {  	_ = 	snop;
	(pc) =	sbr.ind lr, $3  }
0x3a: {  	_ = 	snop  }
0x3b: {  	_ = 	snop  }
0x3c: {  	p2 =	seq.s32 s10, $0x1;
	s10 =	sld [smem:$0x3FB7]  }
0x3d: {  	_ =	shalt  }
0x3e: {  	_ =	shalt  }
0x3f: {  	_ =	shalt  }
0x40: {  	_ =	shalt  }
0x41: {  	_ =	shalt  }
0x42: {  	_ =	shalt  }
0x43: {  	_ =	shalt  }
0x44: {  	_ =	shalt  }
0x45: {  	_ =	shalt  }
0x46: {  	_ =	shalt  }
0x47: {  	_ =	shalt  }
0x48: {  	_ =	shalt  }
0x49: {  	_ =	shalt  }
0x4a: {  	_ =	shalt  }
0x4b: {  	_ =	shalt  }
0x4c: {  	_ =	shalt  }
0x4d: {  	_ =	shalt  }
0x4e: {  	_ =	shalt  }
0x4f: {  	_ =	shalt  }
0x50: {  	_ =	shalt  }
0x51: {  	_ =	shalt  }
0x52: {  	_ =	shalt  }
0x53: {  	_ =	shalt  }
0x54: {  	_ =	shalt  }
0x55: {  	_ =	shalt  }
0x56: {  	_ =	shalt  }
0x57: {  	_ =	shalt  }
0x58: {  	_ =	shalt  }
0x59: {  	_ =	shalt  }
0x5a: {  	_ =	shalt  }
0x5b: {  	_ =	shalt  }
0x5c: {  	_ =	shalt  }
0x5d: {  	_ =	shalt  }
0x5e: {  	_ =	shalt  }
0x5f: {  	_ =	shalt  }
0x60: {  	_ =	shalt  }
0x61: {  	_ =	shalt  }
0x62: {  	_ =	shalt  }
0x63: {  	_ =	shalt  }
0x64: {  	_ =	shalt  }
0x65: {  	_ =	shalt  }
0x66: {  	_ =	shalt  }
0x67: {  	_ =	shalt  }
0x68: {  	_ =	shalt  }
0x69: {  	_ =	shalt  }
0x6a: {  	_ =	shalt  }
0x6b: {  	_ =	shalt  }
0x6c: {  	_ =	shalt  }
0x6d: {  	_ =	shalt  }
0x6e: {  	_ =	shalt  }
0x6f: {  	_ =	shalt  }
0x70: {  	_ =	shalt  }
0x71: {  	_ =	shalt  }
0x72: {  	_ =	shalt  }
0x73: {  	_ =	shalt  }
0x74: {  	_ =	shalt  }
0x75: {  	_ =	shalt  }
0x76: {  	_ =	shalt  }
0x77: {  	_ =	shalt  }
0x78: {  	_ =	shalt  }
0x79: {  	_ =	shalt  }
0x7a: {  	_ =	shalt  }
0x7b: {  	_ =	shalt  }
0x7c: {  	_ =	shalt  }
0x7d: {  	_ =	shalt  }
0x7e: {  	_ =	shalt  }
0x7f: {  	_ =	shalt  }
0x80: {  	_ =	shalt  }
0x81: {  	_ =	shalt  }
0x82: {  	_ =	shalt  }
0x83: {  	_ =	shalt  }
0x84: {  	_ =	shalt  }
0x85: {  	_ =	shalt  }
0x86: {  	_ =	shalt  }
0x87: {  	_ =	shalt  }
.Lfunc_end0:
.L_simem_size_0:
called_computation.3_lowered:
.L_overlay_start_0:
0x88: {  	s2 =	sld [smem:$0x3FD9]  }
0x89: {  	s3 =	sld [smem:$0x3FFE];
	_ =	sdelay $0x1  }
0x8a: {  	s1 =	srdreg.scid  }
0x8b: {  	s0 =	sand.u32 $0x1, s1  }
0x8c: {  	s14 =	sshll.u32 s0, $0xA;
	s2 =	sadd.s32 s3, s2  }
0x8d: {  	s2 =	sadd.s32 s2, s14  }
0x8e: {  	[smem:$0x3FC3] =	sst s2  }
0x8f: {  	_ = 	snop  }
0x90: {  	s2 =	sld [smem:$0x3FD0];
	_ =	sdelay $0x2  }
0x91: {  	s15 =	simm.s32 $0xA;
	s4 =	simm.s32 $0x10  }
0x92: {  	[smem:s4], [sflag:s15] =	dma.local [hbm:s2], $0x1  }
0x93: {  	_ =	swait.eq [sflag:s15], $0x1  }
0x94: {  	[sflag:s15] =	ssyncset.done $0x0  }
0x95: {  	[sflag:s15] =	ssyncadd.s32 $0xFFFFFFFF  }
0x96: {  	s16 =	sld [smem:$0x10];
	(tm) =	ssettm $0x1  }
0x97: {  	s17 =	sld [smem:$0x3FFB];
	_ =	sdelay $0x3  }
0x98: {  	_ =	strace s17  }
0x99: {  	s3 =	sld [smem:$0x3FFC];
	_ =	sdelay $0x3  }
0x9a: {  	_ =	strace s3  }
0x9b: {  	s3 =	sld [smem:$0x3FFD];
	_ =	sdelay $0x3  }
0x9c: {  	_ =	strace s3  }
0x9d: {  	_ =	strace $0x8FFFFFFF  }
0x9e: {  	s18 =	sld [smem:$0x3FDB];
	_ =	sdelay $0x1  }
0x9f: {  	s19 =	simm.s32 $_scs_section_size  }
0xa0: {  	s5 =	simm.s32 $_size__tile_overlayer_lowered;
	s6 =	simm.s32 $_tile_overlayer_lowered  }
0xa1: {  	s22 =	simm.s32 $0x1BFF;
	s21 =	sshll.u32 s6, $0x1;
	s3 =	sadd.s32 s19, s18  }
0xa2: {  	s7 =	simm.s32 $0x0;
	s20 =	sshll.u32 s5, $0x1;
	s5 =	sadd.s32 s21, s3  }
0xa3: {  	[timem:s7], [sflag:s22] =	dma.local [hbm:s5], s20  }
0xa4: {  	_ =	swait.ge [sflag:s22], s20  }
0xa5: {  	s4 =	ssub.s32 $0x0, s20;
	[sflag:s22] =	ssyncset.done $0x0  }
0xa6: {  	[sflag:s22] =	ssyncadd.s32 s4;
	_ =	sdelay $0x1  }
0xa7: {  	s23 =	simm.s32 $0x1B8B  }
0xa8: {  	_ =	swait.ge [sflag:s23], $0x1  }
0xa9: {  	[sflag:s23] =	ssyncset.done $0x0  }
0xaa: {  	s25 =	simm.s32 $0x1B8E;
	s24 =	sld [smem:$0x3FFE];
	[sflag:s23] =	ssyncadd.s32 $0xFFFFFFFF  }
0xab: {  	s26 =	simm.s32 $execute0_lowered;
	[smem:$0x3FD2] =	sst s25  }
0xac: {  	s5 =	sshll.u32 s26, $0x1;
	_ =	strace $0x8000004F;
	[dreg:$0x1] =	wrdreg $0xFFFFFFFF  }
0xad: {  	s28 =	simm.s32 $_size_execute0_lowered;
	s3 =	sadd.s32 s3, s5;
	[dreg:$0x0] =	wrdreg $0x0  }
0xae: {  	s5 =	sshll.u32 s28, $0x1;
	[dreg:$0x2] =	wrdreg s3  }
0xaf: {  	[dreg:$0x3] =	wrdreg s5  }
0xb0: {  	[dreg:$0x4] =	wrdreg $0xC0  }
0xb1: {  	_ =	task [dreg:s7], $0x5FFFF  }
0xb2: {  	[dreg:$0x1] =	wrdreg $0xFFFFFFFF  }
0xb3: {  	[dreg:$0x0] =	wrdreg $0x60  }
0xb4: {  	[dreg:$0x2] =	wrdreg s24  }
0xb5: {  	[dreg:$0x3] =	wrdreg s16  }
0xb6: {  	[dreg:$0x4] =	wrdreg $0x9  }
0xb7: {  	_ =	task.clear_ibuf [dreg:s7], $0x5FFFF;
	_ =	strace $0x9000004F  }
0xb8: {  	s29 =	simm.s32 $0x9;
	_ =	strace $0x80000051  }
0xb9: {  	_ =	swait.ge [sflag:s29], $0x1  }
0xba: {  	[sflag:s29] =	ssyncadd.s32 $0xFFFFFFFF  }
0xbb: {  	_ =	strace $0x90000051  }
0xbc: {  	_ =	sfence  }
0xbd: {  	s30 =	sld [smem:$0x0];
	_ =	sdelay $0x2  }
0xbe: {  	s31 =	sshll.u32 s1, $0xD;
	s1 =	sshrl.u32 s1, $0x2  }
0xbf: {  	s3 =	sand.u32 $0x4000, s31;
	s1 =	sadd.s32 s1, s30  }
0xc0: {  	s0 =	sor.u32 s3, s0;
	s1 =	sshll.u32 s1, $0x11  }
0xc1: {  	s0 =	sor.u32 s1, s0  }
0xc2: {  	s0 =	sadd.s32 $0x8F2B, s0  }
0xc3: {  	[sflag:s0] =	ssyncadd.remote.s32 $0x1  }
0xc4: {  	_ =	sfence.sel $0xFFFF  }
0xc5: {  	[dreg:$0x0] =	wrdreg $0xFFFFFFFF;
	(pc) =	sbr.abs _section_cstart, $3  }
0xc6: {  	[dreg:$0x1] =	wrdreg $0xFFFFFFFF  }
0xc7: {  	_ =	task.clear_ibuf [dreg:s7], $0x2FFFF;
	_ =	strace $0x9FFFFFFF  }
0xc8: {  	(tm) =	ssettm $0x7FFFFFFF  }
0xc9: {  	_ =	shalt  }
tec
execute0_lowered:
.L_overlay_start_1:
0x0: {  	(tag) =	ssettag $0x1  }
0x1: {  	s2 =	rddreg [dreg:$0x0]  }
0x2: {  	s3 =	rddreg [dreg:$0x1]  }
0x3: {  	s0 =	rddreg [dreg:$0x2];
	s1 =	srdreg.scid;
	_ =	strace $0x80000050  }
0x4: {  	s4 =	simm.s32 $0x1;
	s9 =	simm.s32 $0x3;
	s5 =	sshll.u32 s1, $0x4  }
.Ltmp0:
0x5: {  	s1 =	stileid.u32;
	s5 =	sand.u32 $0x10, s5;
	(pc) =	sbr.rel .LBB2_1-.Ltmp0, $4  }
0x6: {  	s11 =	simm.s32 $0x0;
	p0 =	por $0x0, $0x0;
	s6 =	sor.u32 s1, s5  }
0x7: {  	[sflag:s4] =	ssyncpa.u1 $0x0;
	s5 =	simm.s32 $0x2;
	s6 =	sshll.u32 s6, $0x9  }
0x8: {  	s7 =	sadd.s32 $0x4A000, s2;
	[sflag:s5] =	ssyncpa.u1 $0x0;
	s8 =	sadd.s32 $0x200, s6  }
0x9: {  	vm0 =	vmmov $0xff;
	vm1 =	vcmask $0x3F20;
	[sflag:s9] =	ssyncpa.u1 $0x0;
	s10 =	smov.u32 s6;
	s9 =	simm.s32 $0x0  }
.LBB2_7:
0xa: {  	p1 =	slt.u32 s9, $0x2;
	s11 =	sadd.s32 $0x100, s10  }
0xb: {  	s13 =	smov.u32 s6;
	s9 =	sadd.s32 $0x1, s9;
	p2 =	slt.s32 s11, s8  }
0xc: {  	s13 =	smov.u32 @p2 s11;
	p2 =	sne.s32 s9, $0x4  }
.Ltmp1:
0xd: {  	_ = 	snop;
	(pc) =	sbr.rel @!p2 .LBB2_8-.Ltmp1, $4  }
0xe: {  	s12 =	simm.s32 @!p1 $0x3  }
0xf: {  	_ =	swait.ge @!p1 [sflag:s12], $0x8000  }
0x10: {  	p0 =	por !p0, !p0;
	[sflag:s12] =	ssyncset.done @!p1 $0x0  }
0x11: {  	s11 =	smov.u32 s10;
	s10 =	smov.u32 s13;
	[sflag:s12] =	ssyncadd.s32 @!p1 $0xFFFF8000  }
.LBB2_1:
0x12: {  	p1 =	sgt.u32 s9, $0x1  }
0x13: {  	s12 =	sshll.u32 @!p1 s9, $0x8;
	s13 =	sshrl.u32 @!p1 s10, $0x3  }
0x14: {  	s14 =	sand.u32 @!p1 $0x7, s10;
	s12 =	sxor.u32 @!p1 $0x100, s12;
	s13 =	sadd.s32 @!p1 s3, s13  }
0x15: {  	[tilespmem:s12], [sflag:$0x2] =	stream.linear.gather @!p1 [hbm4b:s13+s14], $0x100, $0x38;
	[tilespmem:$0x10200] =	vst v63  }
0x16: {  	p1 =	seq.s32 s9, $0x0  }
0x17: {  	p2 =	seq.s32 @!p1 s9, $0x3  }
0x18: {  	p1 =	por p1, p2  }
.Ltmp2:
0x19: {  	_ = 	snop;
	(pc) =	sbr.rel @p1 .LBB2_7-.Ltmp2, $1  }
0x1a: {  	_ =	sdelay $0x3  }
0x1b: {  	s12 =	simm.s32 $0x1  }
0x1c: {  	_ =	swait.ge [sflag:s5], $0x100;
	s12 =	simm.s32 @!p0 $0x0  }
0x1d: {  	[sflag:s5] =	ssyncset.done $0x0;
	s14 =	sshll.u32 s12, $0x8  }
0x1e: {  	[sflag:s5] =	ssyncadd.s32 $0xFFFFFF00;
	s13 =	sadd.s32 $0x0, s14  }
0x1f: {  	v0 =	vld.msk [tilespmem:s13+$0x0 ss:$0x1], $0xffff;
	_ =	sdelay $0x4  }
0x20: {  	vm2 =	vgt.s32 v0, $0x0  }
0x21: {  	v0 =	vnsel vm2, $0x0, v0  }
0x22: {  	v0 =	vmin.u32 v0, $0x49FF  }
0x23: {  	v0 =	vshll.u32 v0, $0x4;
	_ =	sdelay $0x2  }
0x24: {  	s12 =	sshll.u32 s12, $0xF  }
0x25: {  	s12 =	sor.u32 $0x200, s12  }
0x26: {  	[tilespmem:s12], [sflag:$0x1] =	stream.indirect_vreg.gather [hbm:s2], $0x80, v0, vm0, $0x38;
	[tilespmem:$0x10200] =	vst v63  }
0x27: {  	s15 =	sadd.s32 $0x10, s14;
	s13 =	sadd.s32 $0x400, s12  }
0x28: {  	[tilespmem:s13], [sflag:$0x1] =	stream.indirect_vreg.gather [hbm:s2], $0x80, v0, vm1, $0x38;
	[tilespmem:$0x10200] =	vst v63  }
0x29: {  	s16 =	simm.s32 $0x80;
	v0 =	vld.msk [tilespmem:s15+$0x0 ss:$0x1], $0xffff;
	s15 =	smov.u32 s12  }
.LBB2_3:
0x2a: {  	p1 =	sne.s32 s16, $0x3C0;
	_ =	sdelay $0x4  }
0x2b: {  	vm2 =	vgt.s32 v0, $0x0  }
0x2c: {  	v0 =	vnsel vm2, $0x0, v0  }
0x2d: {  	v0 =	vmin.u32 v0, $0x49FF  }
0x2e: {  	v0 =	vshll.u32 v0, $0x4;
	_ =	sdelay $0x3  }
.Ltmp3:
0x2f: {  	s17 =	sshra.s32 s16, $0x2;
	s15 =	sadd.s32 $0x800, s15;
	(pc) =	sbr.rel @p1 .LBB2_3-.Ltmp3, $4  }
0x30: {  	[tilespmem:s15], [sflag:$0x1] =	stream.indirect_vreg.gather [hbm:s2], $0x80, v0, vm0, $0x38;
	[tilespmem:$0x10200] =	vst v63  }
0x31: {  	s17 =	sadd.s32 s17, s14;
	s18 =	sadd.s32 $0x400, s15  }
0x32: {  	[tilespmem:s18], [sflag:$0x1] =	stream.indirect_vreg.gather [hbm:s2], $0x80, v0, vm1, $0x38;
	[tilespmem:$0x10200] =	vst v63  }
0x33: {  	s16 =	sadd.s32 $0x40, s16;
	v0 =	vld.msk [tilespmem:s17+$0x0 ss:$0x1], $0xffff  }
0x34: {  	_ =	sdelay $0x3  }
0x35: {  	vm2 =	vgt.s32 v0, $0x0  }
0x36: {  	v0 =	vnsel vm2, $0x0, v0  }
0x37: {  	v0 =	vmin.u32 v0, $0x49FF  }
0x38: {  	v0 =	vshll.u32 v0, $0x4;
	_ =	sdelay $0x3  }
0x39: {  	s14 =	sadd.s32 $0x800, s15  }
0x3a: {  	[tilespmem:s14], [sflag:$0x1] =	stream.indirect_vreg.gather [hbm:s2], $0x80, v0, vm0, $0x38;
	[tilespmem:$0x10200] =	vst v63  }
0x3b: {  	s14 =	sadd.s32 $0x400, s14  }
0x3c: {  	[tilespmem:s14], [sflag:$0x1] =	stream.indirect_vreg.gather [hbm:s2], $0x80, v0, vm1, $0x38;
	[tilespmem:$0x10200] =	vst v63  }
0x3d: {  	s11 =	sshll.u32 s11, $0x4;
	_ =	swait.ge [sflag:s4], $0x8000  }
0x3e: {  	s11 =	sadd.s32 s11, s7;
	[sflag:s4] =	ssyncset.done $0x0  }
0x3f: {  	s15 =	sadd.s32 $0x0, s11;
	s14 =	simm.s32 $0x80;
	[sflag:s4] =	ssyncadd.s32 $0xFFFF8000  }
.LBB2_5:
0x40: {  	[hbm:s15] =	stream.linear.scatter [tilespmem:s12], [sflag:$0x3], $0x400, $0x38;
	[tilespmem:$0x10200] =	vst v63  }
0x41: {  	s15 =	smov.u32 s14;
	s12 =	smov.u32 s13;
	p1 =	sne.s32 s14, $0xF80  }
.Ltmp4:
0x42: {  	s14 =	sadd.s32 $0x80, s14;
	(pc) =	sbr.rel @p1 .LBB2_5-.Ltmp4, $2  }
0x43: {  	_ =	sdelay $0x2  }
0x44: {  	s13 =	sadd.s32 $0x400, s13;
	s15 =	sadd.s32 s15, s11  }
.Ltmp5:
0x45: {  	(pc) =	sbr.rel .LBB2_7-.Ltmp5, $2  }
0x46: {  	_ =	sdelay $0x2  }
0x47: {  	[hbm:s15] =	stream.linear.scatter [tilespmem:s12], [sflag:$0x3], $0x400, $0x38;
	[tilespmem:$0x10200] =	vst v63  }
.LBB2_8:
0x48: {  	_ =	sfence.sel $0x180000  }
0x49: {  	s2 =	simm.s32 $0x2;
	[bflag:$0x0] =	sbarrier.arrive $0xFFFF  }
0x4a: {  	s30 =	simm.s32 $0x3;
	[sflag:s2] =	ssyncpa.u1 $0x1  }
0x4b: {  	s31 =	simm.s32 $0x1;
	[sflag:s30] =	ssyncpa.u1 $0x1  }
0x4c: {  	[sflag:s31] =	ssyncpa.u1 $0x1  }
0x4d: {  	p0 =	sne.s32 s1, $0x0;
	_ =	strace $0x90000050  }
0x4e: {  	s0 =	sadd.s32 @!p0 $0x100000, s0;
	[bflag:$0x2] =	sbarrier.arrive $0xFFFF  }
0x4f: {  	[sflag:s0] =	ssyncadd.tile.s32 @!p0 $0x1;
	_ =	shalt  }
.Lfunc_end2:
_tile_overlayer_lowered:
.L_overlay_start_2:
0x50: {  	(tag) =	ssettag $0x2  }
0x51: {  	s0 =	rddreg [dreg:$0x0];
	s2 =	stileid.u32  }
0x52: {  	s1 =	rddreg [dreg:$0x1];
	p0 =	sne.s32 s2, $0x0  }
0x53: {  	s3 =	rddreg [dreg:$0x2];
	[bflag:$0x3] =	sbarrier.arrive $0xFFFF;
	s2 =	simm.s32 @!p0 $0x1C01  }
0x54: {  	[timem:s3], [sflag:s2] =	dma.local @!p0 [hbm:s0], s1  }
0x55: {  	s0 =	simm.s32 @!p0 $0x1  }
0x56: {  	_ =	swait.ge @!p0 [sflag:s0], s1  }
0x57: {  	s1 =	ssub.s32 @!p0 $0x0, s1;
	[sflag:s0] =	ssyncset.done @!p0 $0x0  }
0x58: {  	[sflag:s0] =	ssyncadd.s32 @!p0 s1  }
0x59: {  	[bflag:$0x3] =	sbarrier.arrive $0xFFFF  }
0x5a: {  	_ =	shalt  }

// kernel: gather_offload_async_start
scs
__scs_entry_jumppad:
0x0: {  	(pc) =	sbr.rel $0x88, $3  }
0x1: {  	(tag) =	ssettag $0x0;
	lr =	simm.s32 $0x1  }
0x2: {  	[smem:$0x3F9C] =	sst lr;
	_ =	strace $0xD0000000  }
0x3: {  	_ = 	snop  }
0x4: {  	_ = 	snop  }
0x5: {  	_ = 	snop  }
0x6: {  	_ = 	snop  }
0x7: {  	_ = 	snop  }
__scs_overlays_trampoline_lowered:
0x8: {  	[smem:$0x3FAB] =	sst s0  }
0x9: {  	[smem:$0x3FAC] =	sst s1  }
0xa: {  	[smem:$0x3FAD] =	sst s2  }
0xb: {  	[smem:$0x3FAE] =	sst s3  }
0xc: {  	[smem:$0x3FAF] =	sst s4  }
0xd: {  	[smem:$0x3FB0] =	sst s5  }
0xe: {  	[smem:$0x3FB1] =	sst s6  }
0xf: {  	[smem:$0x3FB2] =	sst s7  }
0x10: {  	[smem:$0x3FB3] =	sst s8  }
0x11: {  	[smem:$0x3FB4] =	sst s9;
	s0 =	simm.s32 @!p0 $0x0  }
0x12: {  	s1 =	sld [smem:$0x3F9A];
	s0 =	simm.s32 @p0 $0x1  }
0x13: {  	[smem:$0x3FB5] =	sst s0;
	s0 =	simm.s32 @!p1 $0x0  }
0x14: {  	s2 =	sld [smem:$0x3F99];
	s0 =	simm.s32 @p1 $0x1  }
0x15: {  	[smem:$0x3FB6] =	sst s0;
	s0 =	simm.s32 @!p2 $0x0  }
0x16: {  	s3 =	sld [smem:$0x3FDB];
	s0 =	simm.s32 @p2 $0x1  }
0x17: {  	s4 =	simm.s32 $0x1BF5;
	[smem:$0x3FB8] =	sst s0  }
0x18: {  	s0 =	sld [smem:$0x3F9B];
	_ =	swait.ge [sflag:s4], $0x0  }
0x19: {  	s7 =	sld [smem:$0x3F9C]  }
0x1a: {  	s8 =	sadd.s32 $0xFFFFE003, lr  }
0x1b: {  	s9 =	sadd.s32 $0xFFFFFEF7, lr;
	s5 =	simm.s32 $0xFFFFFFFF;
	p2 =	slt.u32 s8, $0xFFFFF086  }
0x1c: {  	p1 =	slt.u32 s9, $0xF7A;
	s5 =	simm.s32 @!p2 $0x0  }
0x1d: {  	s5 =	simm.s32 @p1 $0x1;
	p0 =	seq.s32 s7, s2  }
0x1e: {  	s7 =	smul.u32 @!p0 $0xF7A, s2;
	p2 =	seq.s32 @!p0 s5, $0x0  }
0x1f: {  	s9 =	smul.u32 $0xF7A, s1;
	s8 =	simm.s32 @!p0 $0x1BF5;
	p2 =	por !p2, p0  }
0x20: {  	[sflag:s8] =	ssyncset.s32 @!p0 $0xFFFFF086;
	s6 =	sadd.s32 @!p0 s3, s7;
	s7 =	simm.s32 @!p0 $0x108  }
0x21: {  	s3 =	sadd.s32 s3, s9;
	s6 =	sadd.s32 @!p0 $0x88, s6;
	s7 =	simm.s32 @p2 $0x1082  }
0x22: {  	[simem:s7], [sflag:s8] =	dma.local @!p0 [hbm:s6], $0xF7A  }
0x23: {  	s9 =	sor.u32 $0xD0000000, s2;
	s6 =	simm.s32 $0x108;
	_ =	swait.ge @!p0 [sflag:s8], $0x0  }
0x24: {  	s3 =	sadd.s32 $0x88, s3;
	s6 =	simm.s32 @!p1 $0x1082;
	[sflag:s4] =	ssyncset.s32 $0xFFFFF086  }
0x25: {  	[simem:s6], [sflag:s4] =	dma.local [hbm:s3], $0xF7A  }
0x26: {  	[smem:$0x3F9C] =	sst s1;
	(tag) =	ssettag s2;
	_ =	strace s9  }
0x27: {  	s1 =	sld [smem:$0x3FAC]  }
0x28: {  	s2 =	sld [smem:$0x3FAD]  }
0x29: {  	s4 =	sld [smem:$0x3FAF]  }
0x2a: {  	p0 =	seq.s32 s5, $0x0;
	s5 =	sld [smem:$0x3FB0]  }
0x2b: {  	s6 =	sld [smem:$0x3FB1]  }
0x2c: {  	s7 =	sld [smem:$0x3FB2]  }
0x2d: {  	s3 =	simm.s32 $0x108;
	s8 =	sld [smem:$0x3FB3]  }
0x2e: {  	s3 =	simm.s32 @!p0 $0x1082;
	s9 =	sld [smem:$0x3FB4]  }
0x2f: {  	lr =	sadd.s32 s0, s3;
	s0 =	sld [smem:$0x3FAB]  }
0x30: {  	s3 =	sld [smem:$0x3FAE]  }
0x31: {  	[smem:$0x3FB7] =	sst s10  }
0x32: {  	s10 =	sld [smem:$0x3FB5];
	_ =	sdelay $0x3  }
0x33: {  	p0 =	seq.s32 s10, $0x1;
	s10 =	sld [smem:$0x3FB7];
	_ =	sdelay $0x3  }
0x34: {  	[smem:$0x3FB7] =	sst s10  }
0x35: {  	s10 =	sld [smem:$0x3FB6];
	_ =	sdelay $0x3  }
0x36: {  	p1 =	seq.s32 s10, $0x1;
	s10 =	sld [smem:$0x3FB7];
	_ =	sdelay $0x3  }
0x37: {  	[smem:$0x3FB7] =	sst s10  }
0x38: {  	s10 =	sld [smem:$0x3FB8]  }
0x39: {  	_ = 	snop;
	(pc) =	sbr.ind lr, $3  }
0x3a: {  	_ = 	snop  }
0x3b: {  	_ = 	snop  }
0x3c: {  	p2 =	seq.s32 s10, $0x1;
	s10 =	sld [smem:$0x3FB7]  }
0x3d: {  	_ =	shalt  }
0x3e: {  	_ =	shalt  }
0x3f: {  	_ =	shalt  }
0x40: {  	_ =	shalt  }
0x41: {  	_ =	shalt  }
0x42: {  	_ =	shalt  }
0x43: {  	_ =	shalt  }
0x44: {  	_ =	shalt  }
0x45: {  	_ =	shalt  }
0x46: {  	_ =	shalt  }
0x47: {  	_ =	shalt  }
0x48: {  	_ =	shalt  }
0x49: {  	_ =	shalt  }
0x4a: {  	_ =	shalt  }
0x4b: {  	_ =	shalt  }
0x4c: {  	_ =	shalt  }
0x4d: {  	_ =	shalt  }
0x4e: {  	_ =	shalt  }
0x4f: {  	_ =	shalt  }
0x50: {  	_ =	shalt  }
0x51: {  	_ =	shalt  }
0x52: {  	_ =	shalt  }
0x53: {  	_ =	shalt  }
0x54: {  	_ =	shalt  }
0x55: {  	_ =	shalt  }
0x56: {  	_ =	shalt  }
0x57: {  	_ =	shalt  }
0x58: {  	_ =	shalt  }
0x59: {  	_ =	shalt  }
0x5a: {  	_ =	shalt  }
0x5b: {  	_ =	shalt  }
0x5c: {  	_ =	shalt  }
0x5d: {  	_ =	shalt  }
0x5e: {  	_ =	shalt  }
0x5f: {  	_ =	shalt  }
0x60: {  	_ =	shalt  }
0x61: {  	_ =	shalt  }
0x62: {  	_ =	shalt  }
0x63: {  	_ =	shalt  }
0x64: {  	_ =	shalt  }
0x65: {  	_ =	shalt  }
0x66: {  	_ =	shalt  }
0x67: {  	_ =	shalt  }
0x68: {  	_ =	shalt  }
0x69: {  	_ =	shalt  }
0x6a: {  	_ =	shalt  }
0x6b: {  	_ =	shalt  }
0x6c: {  	_ =	shalt  }
0x6d: {  	_ =	shalt  }
0x6e: {  	_ =	shalt  }
0x6f: {  	_ =	shalt  }
0x70: {  	_ =	shalt  }
0x71: {  	_ =	shalt  }
0x72: {  	_ =	shalt  }
0x73: {  	_ =	shalt  }
0x74: {  	_ =	shalt  }
0x75: {  	_ =	shalt  }
0x76: {  	_ =	shalt  }
0x77: {  	_ =	shalt  }
0x78: {  	_ =	shalt  }
0x79: {  	_ =	shalt  }
0x7a: {  	_ =	shalt  }
0x7b: {  	_ =	shalt  }
0x7c: {  	_ =	shalt  }
0x7d: {  	_ =	shalt  }
0x7e: {  	_ =	shalt  }
0x7f: {  	_ =	shalt  }
0x80: {  	_ =	shalt  }
0x81: {  	_ =	shalt  }
0x82: {  	_ =	shalt  }
0x83: {  	_ =	shalt  }
0x84: {  	_ =	shalt  }
0x85: {  	_ =	shalt  }
0x86: {  	_ =	shalt  }
0x87: {  	_ =	shalt  }
.Lfunc_end0:
.L_simem_size_0:
called_computation.1_lowered:
.L_overlay_start_0:
0x88: {  	s2 =	sld [smem:$0x3FD9]  }
0x89: {  	s3 =	sld [smem:$0x3FFE];
	_ =	sdelay $0x1  }
0x8a: {  	s1 =	srdreg.scid  }
0x8b: {  	s0 =	sand.u32 $0x1, s1  }
0x8c: {  	s14 =	sshll.u32 s0, $0xA;
	s2 =	sadd.s32 s3, s2  }
0x8d: {  	s2 =	sadd.s32 s2, s14  }
0x8e: {  	[smem:$0x3FC3] =	sst s2  }
0x8f: {  	_ = 	snop  }
0x90: {  	s2 =	sld [smem:$0x3FD0];
	_ =	sdelay $0x2  }
0x91: {  	s15 =	simm.s32 $0xA;
	s4 =	simm.s32 $0x10  }
0x92: {  	[smem:s4], [sflag:s15] =	dma.local [hbm:s2], $0x1  }
0x93: {  	_ =	swait.eq [sflag:s15], $0x1  }
0x94: {  	[sflag:s15] =	ssyncset.done $0x0  }
0x95: {  	[sflag:s15] =	ssyncadd.s32 $0xFFFFFFFF  }
0x96: {  	s16 =	sld [smem:$0x10];
	(tm) =	ssettm $0x1  }
0x97: {  	s17 =	sld [smem:$0x3FFB];
	_ =	sdelay $0x3  }
0x98: {  	_ =	strace s17  }
0x99: {  	s3 =	sld [smem:$0x3FFC];
	_ =	sdelay $0x3  }
0x9a: {  	_ =	strace s3  }
0x9b: {  	s3 =	sld [smem:$0x3FFD];
	_ =	sdelay $0x3  }
0x9c: {  	_ =	strace s3  }
0x9d: {  	_ =	strace $0x8FFFFFFF  }
0x9e: {  	s18 =	sld [smem:$0x3FDB];
	_ =	sdelay $0x1  }
0x9f: {  	s19 =	simm.s32 $_scs_section_size  }
0xa0: {  	s5 =	simm.s32 $_size__tile_overlayer_lowered;
	s6 =	simm.s32 $_tile_overlayer_lowered  }
0xa1: {  	s22 =	simm.s32 $0x1BFF;
	s21 =	sshll.u32 s6, $0x1;
	s3 =	sadd.s32 s19, s18  }
0xa2: {  	s7 =	simm.s32 $0x0;
	s20 =	sshll.u32 s5, $0x1;
	s5 =	sadd.s32 s21, s3  }
0xa3: {  	[timem:s7], [sflag:s22] =	dma.local [hbm:s5], s20  }
0xa4: {  	_ =	swait.ge [sflag:s22], s20  }
0xa5: {  	s4 =	ssub.s32 $0x0, s20;
	[sflag:s22] =	ssyncset.done $0x0  }
0xa6: {  	[sflag:s22] =	ssyncadd.s32 s4;
	_ =	sdelay $0x1  }
0xa7: {  	s23 =	simm.s32 $0x1B8B  }
0xa8: {  	_ =	swait.ge [sflag:s23], $0x1  }
0xa9: {  	[sflag:s23] =	ssyncset.done $0x0  }
0xaa: {  	s25 =	simm.s32 $0x1B8E;
	s24 =	sld [smem:$0x3FFE];
	[sflag:s23] =	ssyncadd.s32 $0xFFFFFFFF  }
0xab: {  	s26 =	simm.s32 $execute0_lowered;
	[smem:$0x3FD2] =	sst s25  }
0xac: {  	s5 =	sshll.u32 s26, $0x1;
	_ =	strace $0x80000049;
	[dreg:$0x1] =	wrdreg $0xFFFFFFFF  }
0xad: {  	s28 =	simm.s32 $_size_execute0_lowered;
	s3 =	sadd.s32 s3, s5;
	[dreg:$0x0] =	wrdreg $0x0  }
0xae: {  	s5 =	sshll.u32 s28, $0x1;
	[dreg:$0x2] =	wrdreg s3  }
0xaf: {  	[dreg:$0x3] =	wrdreg s5  }
0xb0: {  	[dreg:$0x4] =	wrdreg $0xC0  }
0xb1: {  	_ =	task [dreg:s7], $0x5FFFF  }
0xb2: {  	[dreg:$0x1] =	wrdreg $0xFFFFFFFF  }
0xb3: {  	[dreg:$0x0] =	wrdreg $0x60  }
0xb4: {  	[dreg:$0x2] =	wrdreg s24  }
0xb5: {  	[dreg:$0x3] =	wrdreg s16  }
0xb6: {  	[dreg:$0x4] =	wrdreg $0x9  }
0xb7: {  	_ =	task.clear_ibuf [dreg:s7], $0x5FFFF;
	_ =	strace $0x90000049  }
0xb8: {  	s29 =	simm.s32 $0x9;
	_ =	strace $0x8000004B  }
0xb9: {  	_ =	swait.ge [sflag:s29], $0x1  }
0xba: {  	[sflag:s29] =	ssyncadd.s32 $0xFFFFFFFF  }
0xbb: {  	_ =	strace $0x9000004B  }
0xbc: {  	_ =	sfence  }
0xbd: {  	s30 =	sld [smem:$0x0];
	_ =	sdelay $0x2  }
0xbe: {  	s31 =	sshll.u32 s1, $0xD;
	s1 =	sshrl.u32 s1, $0x2  }
0xbf: {  	s3 =	sand.u32 $0x4000, s31;
	s1 =	sadd.s32 s1, s30  }
0xc0: {  	s0 =	sor.u32 s3, s0;
	s1 =	sshll.u32 s1, $0x11  }
0xc1: {  	s0 =	sor.u32 s1, s0  }
0xc2: {  	s0 =	sadd.s32 $0x8F2B, s0  }
0xc3: {  	[sflag:s0] =	ssyncadd.remote.s32 $0x1  }
0xc4: {  	_ =	sfence.sel $0xFFFF  }
0xc5: {  	[dreg:$0x0] =	wrdreg $0xFFFFFFFF;
	(pc) =	sbr.abs _section_cstart, $3  }
0xc6: {  	[dreg:$0x1] =	wrdreg $0xFFFFFFFF  }
0xc7: {  	_ =	task.clear_ibuf [dreg:s7], $0x2FFFF;
	_ =	strace $0x9FFFFFFF  }
0xc8: {  	(tm) =	ssettm $0x7FFFFFFF  }
0xc9: {  	_ =	shalt  }
tec
execute0_lowered:
.L_overlay_start_1:
0x0: {  	(tag) =	ssettag $0x1  }
0x1: {  	s1 =	srdreg.scid;
	s2 =	rddreg [dreg:$0x0]  }
0x2: {  	s0 =	stileid.u32;
	s3 =	rddreg [dreg:$0x1]  }
0x3: {  	s6 =	simm.s32 $0x1;
	s9 =	simm.s32 $0x1;
	s1 =	sshll.u32 s1, $0x8  }
0x4: {  	s10 =	simm.s32 $0x3;
	s4 =	sshll.u32 s0, $0x9;
	s5 =	sand.u32 $0x100, s1  }
0x5: {  	s13 =	simm.s32 $0x0;
	s12 =	simm.s32 $0x0;
	s4 =	sor.u32 s4, s5  }
0x6: {  	s1 =	rddreg [dreg:$0x2];
	_ =	strace $0x8000004A;
	s8 =	ssub.s32 $0x4000, s4  }
.Ltmp0:
0x7: {  	s5 =	sadd.s32 $0x1000, s2;
	s7 =	sand.u32 $0x1F00, s8;
	(pc) =	sbr.rel .LBB2_1-.Ltmp0, $4  }
0x8: {  	[sflag:s6] =	ssyncpa.u1 $0x0;
	s11 =	smov.u32 s4;
	p0 =	sne.s32 s7, $0x0  }
0x9: {  	s8 =	sshrl.u32 s8, $0xD;
	s7 =	simm.s32 $0x2;
	s9 =	simm.s32 @!p0 $0x0  }
0xa: {  	[sflag:s7] =	ssyncpa.u1 $0x0;
	p0 =	por $0x0, $0x0;
	s8 =	sadd.s32 s9, s8  }
0xb: {  	vm0 =	vmmov $0xffff;
	[sflag:s10] =	ssyncpa.u1 $0x0;
	s10 =	simm.s32 $0x0;
	s9 =	sadd.s32 $0x1, s8  }
.LBB2_4:
0xc: {  	v2 =	vnsel vm1, $0x0, v2  }
0xd: {  	vm1 =	vgt.s32 v0, $0x0;
	v2 =	vmin.u32 v2, $0x3FFF  }
0xe: {  	v0 =	vnsel vm1, $0x0, v0  }
0xf: {  	v0 =	vmin.u32 v0, $0x3FFF  }
0x10: {  	[tilespmem:s15], [sflag:$0x1] =	stream.indirect_vreg.gather [hbm4b:s2+s10], $0x1, v1, vm0, $0x4038;
	[tilespmem:$0x400] =	vst v63  }
0x11: {  	(ifvalue) =	ssetifvalue $0x7FFFFFFF  }
0x12: {  	[tilespmem:s16], [sflag:$0x1] =	stream.indirect_vreg.gather [hbm4b:s2+s10], $0x1, v2, vm0, $0x4038;
	[tilespmem:$0x400] =	vst v63  }
0x13: {  	s29 =	sadd.s32 $0x10, s16;
	(ifvalue) =	ssetifvalue $0x7FFFFFFF  }
0x14: {  	[tilespmem:s29], [sflag:$0x1] =	stream.indirect_vreg.gather [hbm4b:s2+s10], $0x1, v0, vm0, $0x4038;
	[tilespmem:$0x400] =	vst v63  }
0x15: {  	_ =	swait.ge [sflag:s6], $0x100  }
0x16: {  	s30 =	sshrl.u32 s13, $0x3;
	[sflag:s6] =	ssyncset.done $0x0  }
0x17: {  	s31 =	sand.u32 $0x7, s13;
	s15 =	sadd.s32 s3, s30;
	[sflag:s6] =	ssyncadd.s32 $0xFFFFFF00  }
0x18: {  	[hbm4b:s15+s31] =	stream.linear.scatter [tilespmem:s14], [sflag:$0x3], $0x100, $0x38;
	[tilespmem:$0x400] =	vst v63  }
.LBB2_5:
0x19: {  	s15 =	sadd.s32 $0x2000, s11  }
0x1a: {  	p2 =	sgt.s32 s15, $0x3FFF  }
0x1b: {  	s15 =	smov.u32 @p2 s4;
	p2 =	sne.s32 s12, s9  }
.Ltmp1:
0x1c: {  	p1 =	slt.u32 s12, $0x2;
	(pc) =	sbr.rel @!p2 .LBB2_6-.Ltmp1, $4  }
0x1d: {  	s14 =	simm.s32 @!p1 $0x3  }
0x1e: {  	s16 =	sadd.s32 $0x1, s12;
	_ =	swait.ge @!p1 [sflag:s14], $0x100  }
0x1f: {  	s13 =	smov.u32 s11;
	p0 =	por !p0, !p0;
	[sflag:s14] =	ssyncset.done @!p1 $0x0  }
0x20: {  	s12 =	smov.u32 s16;
	s11 =	smov.u32 s15;
	[sflag:s14] =	ssyncadd.s32 @!p1 $0xFFFFFF00  }
.LBB2_1:
0x21: {  	p1 =	sge.u32 s12, s8  }
0x22: {  	s14 =	sxor.u32 @!p1 $0xFFFFFFFF, s12  }
0x23: {  	s31 =	sadd.s32 $0xFFFFFFFF, s12;
	s15 =	sshrl.u32 @!p1 s11, $0x3;
	s14 =	sshll.u32 @!p1 s14, $0x8  }
0x24: {  	s16 =	sand.u32 @!p1 $0x7, s11;
	s15 =	sadd.s32 @!p1 s5, s15;
	s14 =	sand.u32 @!p1 $0x100, s14  }
0x25: {  	[tilespmem:s14], [sflag:$0x2] =	stream.linear.gather @!p1 [hbm4b:s15+s16], $0x100, $0x38;
	[tilespmem:$0x400] =	vst v63  }
0x26: {  	p1 =	sge.u32 s31, s8  }
.Ltmp2:
0x27: {  	_ = 	snop;
	(pc) =	sbr.rel @p1 .LBB2_5-.Ltmp2, $1  }
0x28: {  	_ =	sdelay $0x3  }
0x29: {  	s14 =	simm.s32 $0x1  }
0x2a: {  	_ =	swait.ge [sflag:s7], $0x100;
	s14 =	simm.s32 @!p0 $0x0  }
0x2b: {  	[sflag:s7] =	ssyncset.done $0x0;
	s14 =	sshll.u32 s14, $0x8  }
0x2c: {  	[sflag:s7] =	ssyncadd.s32 $0xFFFFFF00;
	(ifvalue) =	ssetifvalue $0x7FFFFFFF;
	v0 =	vld.msk [tilespmem:s14+$0x0 ss:$0x1], $0xffff;
	_ =	sdelay $0x4  }
0x2d: {  	s15 =	sadd.s32 $0x10, s14;
	vm1 =	vgt.s32 v0, $0x0  }
0x2e: {  	v2 =	vld.msk [tilespmem:s15+$0x0 ss:$0x1], $0xffff;
	v1 =	vnsel vm1, $0x0, v0  }
0x2f: {  	v1 =	vmin.u32 v1, $0x3FFF;
	_ =	sdelay $0x1  }
0x30: {  	s16 =	sshll.u32 s12, $0x8;
	s18 =	simm.s32 $0x20  }
0x31: {  	s16 =	sand.u32 $0x100, s16;
	s17 =	sadd.s32 $0x10, s15;
	s15 =	sor.u32 $0x200, s14  }
0x32: {  	s14 =	sor.u32 $0x200, s16;
	s16 =	sadd.s32 $0x10, s15;
	v0 =	vld.msk [tilespmem:s17+$0x0 ss:$0x1], $0xffff;
	vm1 =	vgt.s32 v2, $0x0;
	(ifvalue) =	ssetifvalue $0x7FFFFFFF  }
.LBB2_3:
0x33: {  	[tilespmem:s15], [sflag:$0x1] =	stream.indirect_vreg.gather [hbm4b:s2+s10], $0x1, v1, vm0, $0x4038;
	[tilespmem:$0x400] =	vst v63  }
0x34: {  	s18 =	sadd.s32 $0x10, s18  }
0x35: {  	v2 =	vnsel vm1, $0x0, v2;
	p1 =	slt.u32 s18, $0xF0  }
.Ltmp3:
0x36: {  	s15 =	smov.u32 s16;
	v1 =	vmin.u32 v2, $0x3FFF;
	(pc) =	sbr.rel @p1 .LBB2_3-.Ltmp3, $3  }
0x37: {  	_ =	sdelay $0x1  }
0x38: {  	s17 =	sadd.s32 $0x10, s17  }
0x39: {  	vm1 =	vgt.s32 v0, $0x0;
	s16 =	sadd.s32 $0x10, s16;
	v2 =	vmov v0;
	(ifvalue) =	ssetifvalue $0x7FFFFFFF;
	v0 =	vld.msk [tilespmem:s17+$0x0 ss:$0x1], $0xffff  }
.Ltmp4:
0x3a: {  	_ = 	snop;
	(pc) =	sbr.rel .LBB2_4-.Ltmp4, $1  }
0x3b: {  	_ =	sdelay $0x3  }
.LBB2_6:
0x3c: {  	_ =	sfence.sel $0x180000  }
0x3d: {  	s2 =	simm.s32 $0x2;
	[bflag:$0x0] =	sbarrier.arrive $0xFFFF  }
0x3e: {  	s30 =	simm.s32 $0x3;
	[sflag:s2] =	ssyncpa.u1 $0x1  }
0x3f: {  	s31 =	simm.s32 $0x1;
	[sflag:s30] =	ssyncpa.u1 $0x1  }
0x40: {  	[sflag:s31] =	ssyncpa.u1 $0x1  }
0x41: {  	p0 =	sne.s32 s0, $0x0;
	_ =	strace $0x9000004A  }
0x42: {  	s0 =	sadd.s32 @!p0 $0x100000, s1;
	[bflag:$0x2] =	sbarrier.arrive $0xFFFF  }
0x43: {  	[sflag:s0] =	ssyncadd.tile.s32 @!p0 $0x1;
	_ =	shalt  }
.Lfunc_end2:
_tile_overlayer_lowered:
.L_overlay_start_2:
0x44: {  	(tag) =	ssettag $0x2  }
0x45: {  	s0 =	rddreg [dreg:$0x0];
	s2 =	stileid.u32  }
0x46: {  	s1 =	rddreg [dreg:$0x1];
	p0 =	sne.s32 s2, $0x0  }
0x47: {  	s3 =	rddreg [dreg:$0x2];
	[bflag:$0x3] =	sbarrier.arrive $0xFFFF;
	s2 =	simm.s32 @!p0 $0x1C01  }
0x48: {  	[timem:s3], [sflag:s2] =	dma.local @!p0 [hbm:s0], s1  }
0x49: {  	s0 =	simm.s32 @!p0 $0x1  }
0x4a: {  	_ =	swait.ge @!p0 [sflag:s0], s1  }
0x4b: {  	s1 =	ssub.s32 @!p0 $0x0, s1;
	[sflag:s0] =	ssyncset.done @!p0 $0x0  }
0x4c: {  	[sflag:s0] =	ssyncadd.s32 @!p0 s1  }
0x4d: {  	[bflag:$0x3] =	sbarrier.arrive $0xFFFF  }
0x4e: {  	_ =	shalt  }

// kernel: scatter_offload_async_start
scs
__scs_entry_jumppad:
0x0: {  	(pc) =	sbr.rel $0x88, $3  }
0x1: {  	(tag) =	ssettag $0x0;
	lr =	simm.s32 $0x1  }
0x2: {  	[smem:$0x3F9C] =	sst lr;
	_ =	strace $0xD0000000  }
0x3: {  	_ = 	snop  }
0x4: {  	_ = 	snop  }
0x5: {  	_ = 	snop  }
0x6: {  	_ = 	snop  }
0x7: {  	_ = 	snop  }
__scs_overlays_trampoline_lowered:
0x8: {  	[smem:$0x3FAB] =	sst s0  }
0x9: {  	[smem:$0x3FAC] =	sst s1  }
0xa: {  	[smem:$0x3FAD] =	sst s2  }
0xb: {  	[smem:$0x3FAE] =	sst s3  }
0xc: {  	[smem:$0x3FAF] =	sst s4  }
0xd: {  	[smem:$0x3FB0] =	sst s5  }
0xe: {  	[smem:$0x3FB1] =	sst s6  }
0xf: {  	[smem:$0x3FB2] =	sst s7  }
0x10: {  	[smem:$0x3FB3] =	sst s8  }
0x11: {  	[smem:$0x3FB4] =	sst s9;
	s0 =	simm.s32 @!p0 $0x0  }
0x12: {  	s1 =	sld [smem:$0x3F9A];
	s0 =	simm.s32 @p0 $0x1  }
0x13: {  	[smem:$0x3FB5] =	sst s0;
	s0 =	simm.s32 @!p1 $0x0  }
0x14: {  	s2 =	sld [smem:$0x3F99];
	s0 =	simm.s32 @p1 $0x1  }
0x15: {  	[smem:$0x3FB6] =	sst s0;
	s0 =	simm.s32 @!p2 $0x0  }
0x16: {  	s3 =	sld [smem:$0x3FDB];
	s0 =	simm.s32 @p2 $0x1  }
0x17: {  	s4 =	simm.s32 $0x1BF5;
	[smem:$0x3FB8] =	sst s0  }
0x18: {  	s0 =	sld [smem:$0x3F9B];
	_ =	swait.ge [sflag:s4], $0x0  }
0x19: {  	s7 =	sld [smem:$0x3F9C]  }
0x1a: {  	s8 =	sadd.s32 $0xFFFFE003, lr  }
0x1b: {  	s9 =	sadd.s32 $0xFFFFFEF7, lr;
	s5 =	simm.s32 $0xFFFFFFFF;
	p2 =	slt.u32 s8, $0xFFFFF086  }
0x1c: {  	p1 =	slt.u32 s9, $0xF7A;
	s5 =	simm.s32 @!p2 $0x0  }
0x1d: {  	s5 =	simm.s32 @p1 $0x1;
	p0 =	seq.s32 s7, s2  }
0x1e: {  	s7 =	smul.u32 @!p0 $0xF7A, s2;
	p2 =	seq.s32 @!p0 s5, $0x0  }
0x1f: {  	s9 =	smul.u32 $0xF7A, s1;
	s8 =	simm.s32 @!p0 $0x1BF5;
	p2 =	por !p2, p0  }
0x20: {  	[sflag:s8] =	ssyncset.s32 @!p0 $0xFFFFF086;
	s6 =	sadd.s32 @!p0 s3, s7;
	s7 =	simm.s32 @!p0 $0x108  }
0x21: {  	s3 =	sadd.s32 s3, s9;
	s6 =	sadd.s32 @!p0 $0x88, s6;
	s7 =	simm.s32 @p2 $0x1082  }
0x22: {  	[simem:s7], [sflag:s8] =	dma.local @!p0 [hbm:s6], $0xF7A  }
0x23: {  	s9 =	sor.u32 $0xD0000000, s2;
	s6 =	simm.s32 $0x108;
	_ =	swait.ge @!p0 [sflag:s8], $0x0  }
0x24: {  	s3 =	sadd.s32 $0x88, s3;
	s6 =	simm.s32 @!p1 $0x1082;
	[sflag:s4] =	ssyncset.s32 $0xFFFFF086  }
0x25: {  	[simem:s6], [sflag:s4] =	dma.local [hbm:s3], $0xF7A  }
0x26: {  	[smem:$0x3F9C] =	sst s1;
	(tag) =	ssettag s2;
	_ =	strace s9  }
0x27: {  	s1 =	sld [smem:$0x3FAC]  }
0x28: {  	s2 =	sld [smem:$0x3FAD]  }
0x29: {  	s4 =	sld [smem:$0x3FAF]  }
0x2a: {  	p0 =	seq.s32 s5, $0x0;
	s5 =	sld [smem:$0x3FB0]  }
0x2b: {  	s6 =	sld [smem:$0x3FB1]  }
0x2c: {  	s7 =	sld [smem:$0x3FB2]  }
0x2d: {  	s3 =	simm.s32 $0x108;
	s8 =	sld [smem:$0x3FB3]  }
0x2e: {  	s3 =	simm.s32 @!p0 $0x1082;
	s9 =	sld [smem:$0x3FB4]  }
0x2f: {  	lr =	sadd.s32 s0, s3;
	s0 =	sld [smem:$0x3FAB]  }
0x30: {  	s3 =	sld [smem:$0x3FAE]  }
0x31: {  	[smem:$0x3FB7] =	sst s10  }
0x32: {  	s10 =	sld [smem:$0x3FB5];
	_ =	sdelay $0x3  }
0x33: {  	p0 =	seq.s32 s10, $0x1;
	s10 =	sld [smem:$0x3FB7];
	_ =	sdelay $0x3  }
0x34: {  	[smem:$0x3FB7] =	sst s10  }
0x35: {  	s10 =	sld [smem:$0x3FB6];
	_ =	sdelay $0x3  }
0x36: {  	p1 =	seq.s32 s10, $0x1;
	s10 =	sld [smem:$0x3FB7];
	_ =	sdelay $0x3  }
0x37: {  	[smem:$0x3FB7] =	sst s10  }
0x38: {  	s10 =	sld [smem:$0x3FB8]  }
0x39: {  	_ = 	snop;
	(pc) =	sbr.ind lr, $3  }
0x3a: {  	_ = 	snop  }
0x3b: {  	_ = 	snop  }
0x3c: {  	p2 =	seq.s32 s10, $0x1;
	s10 =	sld [smem:$0x3FB7]  }
0x3d: {  	_ =	shalt  }
0x3e: {  	_ =	shalt  }
0x3f: {  	_ =	shalt  }
0x40: {  	_ =	shalt  }
0x41: {  	_ =	shalt  }
0x42: {  	_ =	shalt  }
0x43: {  	_ =	shalt  }
0x44: {  	_ =	shalt  }
0x45: {  	_ =	shalt  }
0x46: {  	_ =	shalt  }
0x47: {  	_ =	shalt  }
0x48: {  	_ =	shalt  }
0x49: {  	_ =	shalt  }
0x4a: {  	_ =	shalt  }
0x4b: {  	_ =	shalt  }
0x4c: {  	_ =	shalt  }
0x4d: {  	_ =	shalt  }
0x4e: {  	_ =	shalt  }
0x4f: {  	_ =	shalt  }
0x50: {  	_ =	shalt  }
0x51: {  	_ =	shalt  }
0x52: {  	_ =	shalt  }
0x53: {  	_ =	shalt  }
0x54: {  	_ =	shalt  }
0x55: {  	_ =	shalt  }
0x56: {  	_ =	shalt  }
0x57: {  	_ =	shalt  }
0x58: {  	_ =	shalt  }
0x59: {  	_ =	shalt  }
0x5a: {  	_ =	shalt  }
0x5b: {  	_ =	shalt  }
0x5c: {  	_ =	shalt  }
0x5d: {  	_ =	shalt  }
0x5e: {  	_ =	shalt  }
0x5f: {  	_ =	shalt  }
0x60: {  	_ =	shalt  }
0x61: {  	_ =	shalt  }
0x62: {  	_ =	shalt  }
0x63: {  	_ =	shalt  }
0x64: {  	_ =	shalt  }
0x65: {  	_ =	shalt  }
0x66: {  	_ =	shalt  }
0x67: {  	_ =	shalt  }
0x68: {  	_ =	shalt  }
0x69: {  	_ =	shalt  }
0x6a: {  	_ =	shalt  }
0x6b: {  	_ =	shalt  }
0x6c: {  	_ =	shalt  }
0x6d: {  	_ =	shalt  }
0x6e: {  	_ =	shalt  }
0x6f: {  	_ =	shalt  }
0x70: {  	_ =	shalt  }
0x71: {  	_ =	shalt  }
0x72: {  	_ =	shalt  }
0x73: {  	_ =	shalt  }
0x74: {  	_ =	shalt  }
0x75: {  	_ =	shalt  }
0x76: {  	_ =	shalt  }
0x77: {  	_ =	shalt  }
0x78: {  	_ =	shalt  }
0x79: {  	_ =	shalt  }
0x7a: {  	_ =	shalt  }
0x7b: {  	_ =	shalt  }
0x7c: {  	_ =	shalt  }
0x7d: {  	_ =	shalt  }
0x7e: {  	_ =	shalt  }
0x7f: {  	_ =	shalt  }
0x80: {  	_ =	shalt  }
0x81: {  	_ =	shalt  }
0x82: {  	_ =	shalt  }
0x83: {  	_ =	shalt  }
0x84: {  	_ =	shalt  }
0x85: {  	_ =	shalt  }
0x86: {  	_ =	shalt  }
0x87: {  	_ =	shalt  }
.Lfunc_end0:
.L_simem_size_0:
called_computation_lowered:
.L_overlay_start_0:
0x88: {  	s0 =	sld [smem:$0x3FD9]  }
0x89: {  	s1 =	sld [smem:$0x3FFE];
	_ =	sdelay $0x3  }
0x8a: {  	s0 =	sadd.s32 s1, s0  }
0x8b: {  	[smem:$0x3FC3] =	sst s0  }
0x8c: {  	_ = 	snop  }
0x8d: {  	s0 =	sld [smem:$0x3FD0];
	_ =	sdelay $0x2  }
0x8e: {  	s13 =	simm.s32 $0xA;
	s2 =	simm.s32 $0x10  }
0x8f: {  	[smem:s2], [sflag:s13] =	dma.local [hbm:s0], $0x1  }
0x90: {  	_ =	swait.eq [sflag:s13], $0x1  }
0x91: {  	[sflag:s13] =	ssyncset.done $0x0  }
0x92: {  	s14 =	sld [smem:$0x10];
	[sflag:s13] =	ssyncadd.s32 $0xFFFFFFFF  }
0x93: {  	s15 =	sld [smem:$0x11];
	(tm) =	ssettm $0x1  }
0x94: {  	s16 =	sld [smem:$0x3FFB];
	_ =	sdelay $0x3  }
0x95: {  	_ =	strace s16  }
0x96: {  	s2 =	sld [smem:$0x3FFC];
	_ =	sdelay $0x3  }
0x97: {  	_ =	strace s2  }
0x98: {  	s2 =	sld [smem:$0x3FFD];
	_ =	sdelay $0x3  }
0x99: {  	_ =	strace s2  }
0x9a: {  	_ =	strace $0x8FFFFFFF  }
0x9b: {  	s17 =	sld [smem:$0x3FDB];
	_ =	sdelay $0x1  }
0x9c: {  	s3 =	simm.s32 $_scs_section_size  }
0x9d: {  	s4 =	simm.s32 $_size__tile_overlayer_lowered;
	s5 =	simm.s32 $_tile_overlayer_lowered  }
0x9e: {  	s20 =	simm.s32 $0x1BFF;
	s19 =	sshll.u32 s5, $0x1;
	s2 =	sadd.s32 s3, s17  }
0x9f: {  	s6 =	simm.s32 $0x0;
	s18 =	sshll.u32 s4, $0x1;
	s4 =	sadd.s32 s19, s2  }
0xa0: {  	[timem:s6], [sflag:s20] =	dma.local [hbm:s4], s18  }
0xa1: {  	_ =	swait.ge [sflag:s20], s18  }
0xa2: {  	s3 =	ssub.s32 $0x0, s18;
	[sflag:s20] =	ssyncset.done $0x0  }
0xa3: {  	[sflag:s20] =	ssyncadd.s32 s3;
	_ =	sdelay $0x1  }
0xa4: {  	s21 =	simm.s32 $0x1B8B  }
0xa5: {  	_ =	swait.ge [sflag:s21], $0x1  }
0xa6: {  	[sflag:s21] =	ssyncset.done $0x0  }
0xa7: {  	s23 =	simm.s32 $0x1B8E;
	s22 =	sld [smem:$0x3FFE];
	[sflag:s21] =	ssyncadd.s32 $0xFFFFFFFF  }
0xa8: {  	s24 =	simm.s32 $execute0_lowered;
	[smem:$0x3FD2] =	sst s23  }
0xa9: {  	s4 =	sshll.u32 s24, $0x1;
	_ =	strace $0x80000046;
	[dreg:$0x1] =	wrdreg $0xFFFFFFFF  }
0xaa: {  	s25 =	simm.s32 $_size_execute0_lowered;
	s2 =	sadd.s32 s2, s4;
	[dreg:$0x0] =	wrdreg $0x0  }
0xab: {  	s4 =	sshll.u32 s25, $0x1;
	[dreg:$0x2] =	wrdreg s2  }
0xac: {  	[dreg:$0x3] =	wrdreg s4  }
0xad: {  	[dreg:$0x4] =	wrdreg $0xC0  }
0xae: {  	_ =	task [dreg:s6], $0x5FFFF  }
0xaf: {  	[dreg:$0x1] =	wrdreg $0xFFFFFFFF  }
0xb0: {  	[dreg:$0x0] =	wrdreg $0x60  }
0xb1: {  	[dreg:$0x2] =	wrdreg s22  }
0xb2: {  	[dreg:$0x3] =	wrdreg s15  }
0xb3: {  	[dreg:$0x4] =	wrdreg s14  }
0xb4: {  	[dreg:$0x5] =	wrdreg $0x9  }
0xb5: {  	_ =	task.clear_ibuf [dreg:s6], $0x6FFFF;
	_ =	strace $0x90000046  }
0xb6: {  	s26 =	simm.s32 $0x9;
	_ =	strace $0x80000048  }
0xb7: {  	_ =	swait.ge [sflag:s26], $0x1  }
0xb8: {  	[sflag:s26] =	ssyncadd.s32 $0xFFFFFFFF  }
0xb9: {  	_ =	strace $0x90000048  }
0xba: {  	_ =	sfence  }
0xbb: {  	s28 =	sld [smem:$0x0];
	_ =	sdelay $0x1  }
0xbc: {  	s29 =	srdreg.scid  }
0xbd: {  	s30 =	sshll.u32 s29, $0xD;
	s31 =	sshrl.u32 s29, $0x2  }
0xbe: {  	s1 =	sand.u32 $0x1, s29;
	s2 =	sand.u32 $0x4000, s30;
	s0 =	sadd.s32 s31, s28  }
0xbf: {  	s1 =	sor.u32 s2, s1;
	s0 =	sshll.u32 s0, $0x11  }
0xc0: {  	s0 =	sor.u32 s0, s1  }
0xc1: {  	s0 =	sadd.s32 $0x8F2B, s0  }
0xc2: {  	[sflag:s0] =	ssyncadd.remote.s32 $0x1  }
0xc3: {  	_ =	sfence.sel $0xFFFF  }
0xc4: {  	[dreg:$0x0] =	wrdreg $0xFFFFFFFF;
	(pc) =	sbr.abs _section_cstart, $3  }
0xc5: {  	[dreg:$0x1] =	wrdreg $0xFFFFFFFF  }
0xc6: {  	_ =	task.clear_ibuf [dreg:s6], $0x2FFFF;
	_ =	strace $0x9FFFFFFF  }
0xc7: {  	(tm) =	ssettm $0x7FFFFFFF  }
tec
execute0_lowered:
.L_overlay_start_1:
0x0: {  	(tag) =	ssettag $0x1  }
0x1: {  	s1 =	rddreg [dreg:$0x0]  }
0x2: {  	s2 =	rddreg [dreg:$0x1]  }
0x3: {  	s3 =	rddreg [dreg:$0x2]  }
0x4: {  	s0 =	rddreg [dreg:$0x3];
	_ =	strace $0x80000047;
	s4 =	stileid.u32  }
0x5: {  	s5 =	simm.s32 $0x3E;
	s1 =	sadd.s32 $0x42000, s1;
	p0 =	sne.s32 s4, $0x0  }
0x6: {  	[sflag:s5] =	ssyncpa.u1 $0x0;
	s6 =	simm.s32 @!p0 $0x1C3E;
	s7 =	simm.s32 @!p0 $0x0  }
0x7: {  	[spmem:s7], [sflag:s6] =	dma.local @!p0 [hbm:s1], $0x10  }
0x8: {  	s6 =	simm.s32 @!p0 $0x3E  }
0x9: {  	_ =	swait.ge @!p0 [sflag:s6], $0x10  }
0xa: {  	[sflag:s6] =	ssyncset.done @!p0 $0x0  }
0xb: {  	[sflag:s6] =	ssyncadd.s32 @!p0 $0xFFFFFFF0  }
0xc: {  	s28 =	simm.s32 $0x1;
	[bflag:$0x0] =	sbarrier.arrive $0xFFFF  }
0xd: {  	s29 =	simm.s32 $0x2;
	s4 =	sshll.u32 s4, $0x7;
	[sflag:s5] =	ssyncpa.u1 $0x1  }
0xe: {  	s31 =	simm.s32 $0x408;
	s30 =	sadd.s32 s2, s4;
	[sflag:s28] =	ssyncpa.u1 $0x0  }
0xf: {  	s2 =	simm.s32 $0x0;
	(ifvalue) =	ssetifvalue $0x80;
	[sflag:s29] =	ssyncpa.u1 $0x0  }
0x10: {  	[tilespmem:s31], [sflag:$0x2] =	stream.linear.gather [hbm4b:s30+s2], $0x400, $0x38;
	[tilespmem:$0x1008] =	vst v63  }
0x11: {  	s4 =	sadd.s32 s3, s4;
	s3 =	simm.s32 $0xC08  }
0x12: {  	[tilespmem:s3], [sflag:$0x2] =	stream.linear.gather [hbm4b:s4+s2], $0x400, $0x38;
	[tilespmem:$0x1008] =	vst v63  }
0x13: {  	_ =	swait.ge [sflag:s29], $0x800  }
0x14: {  	[sflag:s29] =	ssyncset.done $0x0  }
0x15: {  	[sflag:s29] =	ssyncadd.s32 $0xFFFFF800  }
0x16: {  	v0 =	vld.msk [tilespmem:s31+$0x0 ss:$0x1], $0xffff;
	_ =	sdelay $0x4  }
0x17: {  	v0 =	vmin.u32 v0, $0x80;
	_ =	sdelay $0x3  }
0x18: {  	vm0 =	vmmov $0xffff;
	s5 =	simm.s32 $0x418;
	s4 =	simm.s32 $0x0  }
0x19: {  	[spmem:s2] =	stream.indirect_vreg.scatter.add.s32 [tilespmem:s3], [sflag:$0x1], $0x1, v0, vm0, $0x4038;
	[tilespmem:$0x1008] =	vst v63  }
.LBB2_1:
0x1a: {  	v0 =	vld.msk [tilespmem:s5+$0x0 ss:$0x1], $0xffff;
	s4 =	sadd.s32 $0x10, s4  }
0x1b: {  	p1 =	slt.u32 s4, $0x3F0;
	_ =	sdelay $0x4  }
0x1c: {  	v0 =	vmin.u32 v0, $0x80  }
.Ltmp0:
0x1d: {  	(pc) =	sbr.rel @p1 .LBB2_1-.Ltmp0, $3  }
0x1e: {  	_ =	sdelay $0x1  }
0x1f: {  	s5 =	sadd.s32 $0x10, s5;
	s3 =	sadd.s32 $0x10, s3  }
0x20: {  	[spmem:s2] =	stream.indirect_vreg.scatter.add.s32 [tilespmem:s3], [sflag:$0x1], $0x1, v0, vm0, $0x4038;
	[tilespmem:$0x1008] =	vst v63  }
0x21: {  	s2 =	simm.s32 $0x1  }
0x22: {  	_ =	swait.ge [sflag:s2], $0x400  }
0x23: {  	[sflag:s2] =	ssyncset.done $0x0  }
0x24: {  	[sflag:s2] =	ssyncadd.s32 $0xFFFFFC00  }
0x25: {  	_ =	sfence.sel $0x180000  }
0x26: {  	s3 =	simm.s32 $0x2;
	[bflag:$0x0] =	sbarrier.arrive $0xFFFF  }
0x27: {  	[sflag:s3] =	ssyncpa.u1 $0x1  }
0x28: {  	[sflag:s2] =	ssyncpa.u1 $0x1  }
0x29: {  	_ =	sfence.stream.spmem  }
0x2a: {  	s31 =	simm.s32 $0x3D;
	[bflag:$0x0] =	sbarrier.arrive $0xFFFF  }
0x2b: {  	s2 =	simm.s32 @p0 $0x3D;
	[sflag:s31] =	ssyncpa.u1 $0x0  }
0x2c: {  	[sflag:s2] =	ssyncpa.u1 @p0 $0x1  }
0x2d: {  	[bflag:$0x0] =	sbarrier.arrive @p0 $0xFFFF  }
0x2e: {  	_ =	strace @p0 $0x90000047  }
0x2f: {  	s3 =	simm.s32 @!p0 $0x1C3D;
	s2 =	simm.s32 @!p0 $0x0;
	[bflag:$0x2] =	sbarrier.arrive @p0 $0xFFFF  }
0x30: {  	[hbm:s1], [sflag:s3] =	dma.local @!p0 [spmem:s2], $0x10  }
0x31: {  	s1 =	simm.s32 @!p0 $0x3D  }
0x32: {  	_ =	swait.ge @!p0 [sflag:s1], $0x10  }
0x33: {  	[sflag:s1] =	ssyncset.done @!p0 $0x0  }
0x34: {  	[sflag:s1] =	ssyncadd.s32 @!p0 $0xFFFFFFF0  }
0x35: {  	[sflag:s1] =	ssyncpa.u1 @!p0 $0x1  }
0x36: {  	[bflag:$0x0] =	sbarrier.arrive @!p0 $0xFFFF  }
0x37: {  	_ =	strace @!p0 $0x90000047  }
0x38: {  	s0 =	sadd.s32 @!p0 $0x100000, s0;
	[bflag:$0x2] =	sbarrier.arrive @!p0 $0xFFFF  }
0x39: {  	[sflag:s0] =	ssyncadd.tile.s32 @!p0 $0x1;
	_ =	shalt  }
.Lfunc_end2:
_tile_overlayer_lowered:
.L_overlay_start_2:
0x3a: {  	(tag) =	ssettag $0x2  }
0x3b: {  	s0 =	rddreg [dreg:$0x0];
	s2 =	stileid.u32  }
0x3c: {  	s1 =	rddreg [dreg:$0x1];
	p0 =	sne.s32 s2, $0x0  }
0x3d: {  	s3 =	rddreg [dreg:$0x2];
	[bflag:$0x3] =	sbarrier.arrive $0xFFFF;
	s2 =	simm.s32 @!p0 $0x1C01  }
0x3e: {  	[timem:s3], [sflag:s2] =	dma.local @!p0 [hbm:s0], s1  }
0x3f: {  	s0 =	simm.s32 @!p0 $0x1  }
0x40: {  	_ =	swait.ge @!p0 [sflag:s0], s1  }
0x41: {  	s1 =	ssub.s32 @!p0 $0x0, s1;
	[sflag:s0] =	ssyncset.done @!p0 $0x0  }
0x42: {  	[sflag:s0] =	ssyncadd.s32 @!p0 s1  }
0x43: {  	[bflag:$0x3] =	sbarrier.arrive $0xFFFF  }
0x44: {  	_ =	shalt  }

</sc_bundles>
